<compile_context>
chip_gen: v7x
topology: tpu7x:2x2x1
jax: 0.10.2.dev20260603
libtpu: 0.0.44.dev20260713+nightly
codegen_flags: <defaults>
</compile_context>

<pallas_src>
import functools

import jax
import jax.numpy as jnp
from jax import lax
from jax.experimental import pallas as pl
from jax.experimental.pallas import tpu as pltpu
from jax.experimental.pallas import tpu_sc as plsc

_NEG = -1e30


def _sc_topk_kernel(masks_hbm, out_hbm, in_v, out_v):
    b = lax.axis_index("s") * 2 + lax.axis_index("c")
    pltpu.sync_copy(masks_hbm.at[b], in_v)
    k_slots = 16
    n_pos = out_v.shape[0] // k_slots

    def body(g, carry):
        base = g * 16
        keys = []
        for k in range(k_slots):
            v = in_v[pl.ds(k * n_pos + base, 16)]
            bits = plsc.bitcast(v, jnp.int32)
            keys.append((bits << 4) | (15 - k))
        for k in range(k_slots):
            rank = (keys[0] > keys[k]).astype(jnp.int32)
            for j in range(1, k_slots):
                rank = rank + (keys[j] > keys[k]).astype(jnp.int32)
            vals = jnp.where(rank < 8, 0.0, _NEG).astype(jnp.float32)
            out_v[pl.ds(k * n_pos + base, 16)] = vals
        return carry

    lax.fori_loop(0, n_pos // 16, body, 0)
    pltpu.sync_copy(out_v, out_hbm.at[b])


def _prep_kernel(x_ref, w1_ref, b1_ref, w2_ref, feat_ref, pos_ref,
                 w2d_ref, wa_ref):
    n_feat = feat_ref.shape[0]
    out_dim = w2d_ref.shape[1]
    y = jax.lax.dot(x_ref[...], w1_ref[...], precision=jax.lax.Precision.HIGHEST)
    feat_ref[...] = y[:n_feat].astype(jnp.bfloat16)
    pos_ref[...] = (y[n_feat:] + b1_ref[...]).astype(jnp.bfloat16)
    w2d_ref[...] = (0.5 * w2_ref[:, :out_dim]).astype(jnp.bfloat16)
    wa_col = 0.5 * w2_ref[:, out_dim:out_dim + 1]
    wa_ref[...] = jnp.concatenate(
        [wa_col, jnp.zeros((wa_col.shape[0], 127), jnp.float32)],
        axis=1).astype(jnp.bfloat16)


def _decode_kernel(feat_ref, sn_ref, pos_ref, w2_ref, wa_ref, b2_ref, out_ref):
    k_slots = feat_ref.shape[1]
    feat = feat_ref[0]
    sn = sn_ref[0]
    pos = pos_ref[...]

    p_dim, h_dim = pos.shape
    c0 = jnp.bfloat16(0.7978845608028654)
    c1 = jnp.bfloat16(0.7978845608028654 * 0.044715)
    n_chunks = 4
    half = k_slots // n_chunks
    h_halves, alpha_halves = [], []
    for lo in range(0, k_slots, half):
        x = feat[lo:lo + half, None, :] + pos[None, :, :]
        t = x * x
        y = x * (c0 + c1 * t)
        h_half = x + x * jnp.tanh(y)
        a3 = jax.lax.dot(h_half.reshape(half * p_dim, h_dim), wa_ref[...],
                         preferred_element_type=jnp.float32)
        h_halves.append(h_half)
        alpha_halves.append(a3[:, 0].reshape(half, p_dim))
    alpha = jnp.concatenate(alpha_halves, axis=0)

    a = alpha + sn
    amax = jnp.max(a, axis=0, keepdims=True)
    e = jnp.exp(a - amax)
    w = e / jnp.sum(e, axis=0, keepdims=True)

    w3 = w[:, :, None]
    hw_halves = [h_halves[g] * w3[g * half:(g + 1) * half].astype(jnp.bfloat16)
                 for g in range(n_chunks)]
    p_half = p_dim // 2
    for pi in range(2):
        p0, p1 = pi * p_half, (pi + 1) * p_half
        terms = [hw_halves[g][k, p0:p1, :]
                 for g in range(n_chunks) for k in range(half)]
        while len(terms) > 1:
            terms = [terms[i] + terms[i + 1] for i in range(0, len(terms), 2)]
        out_ref[0, p0:p1, :] = jax.lax.dot(
            terms[0], w2_ref[...],
            preferred_element_type=jnp.float32) + b2_ref[...]


def kernel(object_features, masks, pos_embed, W1, b1, W2, b2):
    b, k_slots, d = object_features.shape
    p = pos_embed.shape[1]
    h = W1.shape[1]
    out_dim = W2.shape[1] - 1

    sc_topk = functools.partial(
        pl.kernel,
        out_type=jax.ShapeDtypeStruct((b, k_slots * p), jnp.float32),
        mesh=plsc.VectorSubcoreMesh(core_axis_name="c", subcore_axis_name="s"),
        scratch_types=[
            pltpu.VMEM((k_slots * p,), jnp.float32),
            pltpu.VMEM((k_slots * p,), jnp.float32),
        ],
        compiler_params=pltpu.CompilerParams(needs_layout_passes=False),
    )(_sc_topk_kernel)
    selneg = sc_topk(masks.reshape(b, k_slots * p)).reshape(b, k_slots, p)

    x = jnp.concatenate([object_features.reshape(b * k_slots, d), pos_embed[0]], axis=0)
    feat_proj, pos_base, w2_dec, w_alpha = pl.pallas_call(
        _prep_kernel,
        out_shape=(
            jax.ShapeDtypeStruct((b * k_slots, h), jnp.bfloat16),
            jax.ShapeDtypeStruct((p, h), jnp.bfloat16),
            jax.ShapeDtypeStruct((h, out_dim), jnp.bfloat16),
            jax.ShapeDtypeStruct((h, 128), jnp.bfloat16),
        ),
    )(x, W1, b1.reshape(1, h), W2)

    feat_proj = feat_proj.reshape(b, k_slots, h)
    b2_dec = b2[:out_dim].reshape(1, out_dim)

    out = pl.pallas_call(
        _decode_kernel,
        grid=(b,),
        in_specs=[
            pl.BlockSpec((1, k_slots, h), lambda i: (i, 0, 0)),
            pl.BlockSpec((1, k_slots, p), lambda i: (i, 0, 0)),
            pl.BlockSpec((p, h), lambda i: (0, 0)),
            pl.BlockSpec((h, out_dim), lambda i: (0, 0)),
            pl.BlockSpec((h, 128), lambda i: (0, 0)),
            pl.BlockSpec((1, out_dim), lambda i: (0, 0)),
        ],
        out_specs=pl.BlockSpec((1, p, out_dim), lambda i: (i, 0, 0)),
        out_shape=jax.ShapeDtypeStruct((b, p, out_dim), jnp.float32),
    )(feat_proj, selneg, pos_base, w2_dec, w_alpha, b2_dec)
    return out

# --- scband reference (transcript-rebuilt; emitter-appended) ---
"""Pipeline reference for scband-patch-decoder-7533372637479 (READ-ONLY COPY).

The authoritative reference and input builder live on the scoring server;
editing this copy changes nothing except your own understanding.
"""

import jax, jax.numpy as jnp
import numpy as np

B, K, P, D, OUT, H, TOPK = 32, 16, 256, 256, 768, 1024, 8


def setup_inputs(seed: int = 0) -> dict:
    key = jax.random.key(seed)
    ks = jax.random.split(key, 6)
    return {
        "object_features": jax.random.normal(ks[0], (B, K, D), dtype=jnp.float32),
        "masks": jax.random.uniform(ks[1], (B, K, P), dtype=jnp.float32, minval=1e-4, maxval=1.0),
        "pos_embed": jax.random.normal(ks[2], (1, P, D), dtype=jnp.float32) * 0.02,
        "W1": jax.random.normal(ks[3], (D, H), dtype=jnp.float32) * (1.0 / np.sqrt(D)),
        "b1": jnp.zeros((H,), dtype=jnp.float32),
        "W2": jax.random.normal(ks[4], (H, OUT + 1), dtype=jnp.float32) * (1.0 / np.sqrt(H)),
        "b2": jnp.zeros((OUT + 1,), dtype=jnp.float32),
    }


def reference(object_features, masks, pos_embed, W1, b1, W2, b2):
    b, k_slots, d = object_features.shape
    p = pos_embed.shape[1]
    # broadcast each object over all patch positions and add positional embedding
    of = object_features.reshape(b * k_slots, 1, d)
    of = jnp.broadcast_to(of, (b * k_slots, p, d)) + pos_embed  # (B*K, P, D)
    of = of.reshape(b, k_slots, p, d)
    # top-k slot selection per position according to masks (detached in torch)
    m = jax.lax.stop_gradient(masks)  # (B, K, P)
    m = jnp.transpose(m, (0, 2, 1)).reshape(b * p, k_slots)  # '(b p) s'
    _, idxs = jax.lax.top_k(m, TOPK)  # (B*P, TOPK), unsorted ok
    idxs = idxs.reshape(b, p, TOPK)
    idxs = jnp.transpose(idxs, (0, 2, 1))  # (B, TOPK, P) == '(b p) k -> b k p'
    of_sel = jnp.take_along_axis(of, idxs[..., None], axis=1)  # (B, TOPK, P, D)
    # decoder backbone: token-wise MLP D -> H -> OUT+1
    tokens = of_sel.reshape(-1, d)
    h = jax.nn.gelu(tokens @ W1 + b1)
    out = h @ W2 + b2
    out = out.reshape(b, TOPK, p, OUT + 1)
    decoded_patches = out[..., :OUT]
    alpha = out[..., OUT:]
    # standard alpha-weighted recombination over selected slots
    alphas = jax.nn.softmax(alpha, axis=1)
    reconstruction = jnp.sum(decoded_patches * alphas, axis=1)  # (B, P, OUT)
    return reconstruction

if __name__ == "__main__":
    import jax
    _d = setup_inputs()
    print(jax.jit(kernel)(*tuple(_d.values())))

</pallas_src>

<mosaic_0001>
#map = affine_map<(d0, d1) -> (0, 0)>
module attributes {stable_mosaic.version = 14 : i64} {
  func.func @_sc_topk_kernel(%arg0: i32, %arg1: i32, %arg2: memref<32x4096xf32, #tpu.memory_space<hbm>>, %arg3: memref<32x4096xf32, #tpu.memory_space<hbm>>, %arg4: memref<4096xf32, #tpu.memory_space<vmem>>, %arg5: memref<4096xf32, #tpu.memory_space<vmem>>) attributes {dimension_semantics = [#tpu.dimension_semantics<core_parallel>, #tpu.dimension_semantics<subcore_parallel>], iteration_bounds = array<i64: 2, 16>, scalar_prefetch = 0 : i64, scratch_operands = 2 : i64, tpu.core_type = #tpu.core_type<sc_vector_subcore>, window_params = [{transform_indices = #map}, {transform_indices = #map}]} {
    %mul3A = arith.constant 2 : i32
    %mul3A_0 = arith.muli %arg1, %mul3A : i32
    %add3A = arith.addi %mul3A_0, %arg0 : i32
    "tpu.region"() ({
      %run_scoped3A = tpu.sem_alloc : memref<!tpu.dma_semaphore, #tpu.memory_space<semaphore_mem>>
      %dma_start3A = arith.constant 0 : i32
      %dma_start3A_6 = tpu.memref_slice %arg2[%add3A, %dma_start3A] : memref<32x4096xf32, #tpu.memory_space<hbm>> -> memref<1x4096xf32, #tpu.memory_space<hbm>>
      %dma_start3A_7 = tpu.memref_squeeze %dma_start3A_6 : memref<1x4096xf32, #tpu.memory_space<hbm>> -> memref<4096xf32, #tpu.memory_space<hbm>>
      %dma_start3A_8 = arith.constant 0 : i32
      %dma_start3A_9 = tpu.memref_slice %arg2[%add3A, %dma_start3A_8] : memref<32x4096xf32, #tpu.memory_space<hbm>> -> memref<1x4096xf32, #tpu.memory_space<hbm>>
      %dma_start3A_10 = tpu.memref_squeeze %dma_start3A_9 : memref<1x4096xf32, #tpu.memory_space<hbm>> -> memref<4096xf32, #tpu.memory_space<hbm>>
      tpu.enqueue_dma source(%dma_start3A_10 : memref<4096xf32, #tpu.memory_space<hbm>>) target(%arg4 : memref<4096xf32, #tpu.memory_space<vmem>>) target_semaphore(%run_scoped3A : memref<!tpu.dma_semaphore, #tpu.memory_space<semaphore_mem>>)
      %dma_wait3A = arith.constant 0 : i32
      %dma_wait3A_11 = tpu.memref_slice %arg2[%add3A, %dma_wait3A] : memref<32x4096xf32, #tpu.memory_space<hbm>> -> memref<1x4096xf32, #tpu.memory_space<hbm>>
      %dma_wait3A_12 = tpu.memref_squeeze %dma_wait3A_11 : memref<1x4096xf32, #tpu.memory_space<hbm>> -> memref<4096xf32, #tpu.memory_space<hbm>>
      %dma_wait3A_13 = arith.constant 0 : i32
      %dma_wait3A_14 = tpu.memref_slice %arg2[%add3A, %dma_wait3A_13] : memref<32x4096xf32, #tpu.memory_space<hbm>> -> memref<1x4096xf32, #tpu.memory_space<hbm>>
      %dma_wait3A_15 = tpu.memref_squeeze %dma_wait3A_14 : memref<1x4096xf32, #tpu.memory_space<hbm>> -> memref<4096xf32, #tpu.memory_space<hbm>>
      tpu.wait_dma2 semaphore(%run_scoped3A : memref<!tpu.dma_semaphore, #tpu.memory_space<semaphore_mem>>) src(%dma_wait3A_15 : memref<4096xf32, #tpu.memory_space<hbm>>) dst(%arg4 : memref<4096xf32, #tpu.memory_space<vmem>>)
      tpu.yield
    }) : () -> ()
    %scan3A = arith.constant 0 : i32
    %scan3A_1 = arith.constant 0 : i32
    %scan3A_2 = arith.constant 16 : i32
    %scan3A_3 = arith.addi %scan3A_1, %scan3A_2 : i32
    %scan3A_4 = arith.constant 1 : i32
    scf.for %scan3A_6 = %scan3A_1 to %scan3A_3 step %scan3A_4  : i32 {
      %mul3A_7 = arith.constant 16 : i32
      %mul3A_8 = arith.muli %scan3A_6, %mul3A_7 : i32
      %add3A_9 = arith.constant 0 : i32
      %add3A_10 = arith.addi %add3A_9, %mul3A_8 : i32
      %get3A = arith.index_cast %add3A_10 : i32 to index
      %get3A_11 = tpu.vector_load %arg4[%get3A] {strides = array<i32>} : memref<4096xf32, #tpu.memory_space<vmem>>, vector<16xf32>,
      %bitcast3A = vector.bitcast %get3A_11 : vector<16xf32> to vector<16xi32>
      %shift_left3A = arith.constant 4 : i32
      %shift_left3A_12 = vector.broadcast %shift_left3A : i32 to vector<16xi32>
      %shift_left3A_13 = arith.shli %bitcast3A, %shift_left3A_12 : vector<16xi32>
      %or3A = arith.constant 15 : i32
      %or3A_14 = vector.broadcast %or3A : i32 to vector<16xi32>
      %or3A_15 = arith.ori %shift_left3A_13, %or3A_14 : vector<16xi32>
      %add3A_16 = arith.constant 256 : i32
      %add3A_17 = arith.addi %add3A_16, %mul3A_8 : i32
      %get3A_18 = arith.index_cast %add3A_17 : i32 to index
      %get3A_19 = tpu.vector_load %arg4[%get3A_18] {strides = array<i32>} : memref<4096xf32, #tpu.memory_space<vmem>>, vector<16xf32>,
      %bitcast3A_20 = vector.bitcast %get3A_19 : vector<16xf32> to vector<16xi32>
      %shift_left3A_21 = arith.constant 4 : i32
      %shift_left3A_22 = vector.broadcast %shift_left3A_21 : i32 to vector<16xi32>
      %shift_left3A_23 = arith.shli %bitcast3A_20, %shift_left3A_22 : vector<16xi32>
      %or3A_24 = arith.constant 14 : i32
      %or3A_25 = vector.broadcast %or3A_24 : i32 to vector<16xi32>
      %or3A_26 = arith.ori %shift_left3A_23, %or3A_25 : vector<16xi32>
      %add3A_27 = arith.constant 512 : i32
      %add3A_28 = arith.addi %add3A_27, %mul3A_8 : i32
      %get3A_29 = arith.index_cast %add3A_28 : i32 to index
      %get3A_30 = tpu.vector_load %arg4[%get3A_29] {strides = array<i32>} : memref<4096xf32, #tpu.memory_space<vmem>>, vector<16xf32>,
      %bitcast3A_31 = vector.bitcast %get3A_30 : vector<16xf32> to vector<16xi32>
      %shift_left3A_32 = arith.constant 4 : i32
      %shift_left3A_33 = vector.broadcast %shift_left3A_32 : i32 to vector<16xi32>
      %shift_left3A_34 = arith.shli %bitcast3A_31, %shift_left3A_33 : vector<16xi32>
      %or3A_35 = arith.constant 13 : i32
      %or3A_36 = vector.broadcast %or3A_35 : i32 to vector<16xi32>
      %or3A_37 = arith.ori %shift_left3A_34, %or3A_36 : vector<16xi32>
      %add3A_38 = arith.constant 768 : i32
      %add3A_39 = arith.addi %add3A_38, %mul3A_8 : i32
      %get3A_40 = arith.index_cast %add3A_39 : i32 to index
      %get3A_41 = tpu.vector_load %arg4[%get3A_40] {strides = array<i32>} : memref<4096xf32, #tpu.memory_space<vmem>>, vector<16xf32>,
      %bitcast3A_42 = vector.bitcast %get3A_41 : vector<16xf32> to vector<16xi32>
      %shift_left3A_43 = arith.constant 4 : i32
      %shift_left3A_44 = vector.broadcast %shift_left3A_43 : i32 to vector<16xi32>
      %shift_left3A_45 = arith.shli %bitcast3A_42, %shift_left3A_44 : vector<16xi32>
      %or3A_46 = arith.constant 12 : i32
      %or3A_47 = vector.broadcast %or3A_46 : i32 to vector<16xi32>
      %or3A_48 = arith.ori %shift_left3A_45, %or3A_47 : vector<16xi32>
      %add3A_49 = arith.constant 1024 : i32
      %add3A_50 = arith.addi %add3A_49, %mul3A_8 : i32
      %get3A_51 = arith.index_cast %add3A_50 : i32 to index
      %get3A_52 = tpu.vector_load %arg4[%get3A_51] {strides = array<i32>} : memref<4096xf32, #tpu.memory_space<vmem>>, vector<16xf32>,
      %bitcast3A_53 = vector.bitcast %get3A_52 : vector<16xf32> to vector<16xi32>
      %shift_left3A_54 = arith.constant 4 : i32
      %shift_left3A_55 = vector.broadcast %shift_left3A_54 : i32 to vector<16xi32>
      %shift_left3A_56 = arith.shli %bitcast3A_53, %shift_left3A_55 : vector<16xi32>
      %or3A_57 = arith.constant 11 : i32
      %or3A_58 = vector.broadcast %or3A_57 : i32 to vector<16xi32>
      %or3A_59 = arith.ori %shift_left3A_56, %or3A_58 : vector<16xi32>
      %add3A_60 = arith.constant 1280 : i32
      %add3A_61 = arith.addi %add3A_60, %mul3A_8 : i32
      %get3A_62 = arith.index_cast %add3A_61 : i32 to index
      %get3A_63 = tpu.vector_load %arg4[%get3A_62] {strides = array<i32>} : memref<4096xf32, #tpu.memory_space<vmem>>, vector<16xf32>,
      %bitcast3A_64 = vector.bitcast %get3A_63 : vector<16xf32> to vector<16xi32>
      %shift_left3A_65 = arith.constant 4 : i32
      %shift_left3A_66 = vector.broadcast %shift_left3A_65 : i32 to vector<16xi32>
      %shift_left3A_67 = arith.shli %bitcast3A_64, %shift_left3A_66 : vector<16xi32>
      %or3A_68 = arith.constant 10 : i32
      %or3A_69 = vector.broadcast %or3A_68 : i32 to vector<16xi32>
      %or3A_70 = arith.ori %shift_left3A_67, %or3A_69 : vector<16xi32>
      %add3A_71 = arith.constant 1536 : i32
      %add3A_72 = arith.addi %add3A_71, %mul3A_8 : i32
      %get3A_73 = arith.index_cast %add3A_72 : i32 to index
      %get3A_74 = tpu.vector_load %arg4[%get3A_73] {strides = array<i32>} : memref<4096xf32, #tpu.memory_space<vmem>>, vector<16xf32>,
      %bitcast3A_75 = vector.bitcast %get3A_74 : vector<16xf32> to vector<16xi32>
      %shift_left3A_76 = arith.constant 4 : i32
      %shift_left3A_77 = vector.broadcast %shift_left3A_76 : i32 to vector<16xi32>
      %shift_left3A_78 = arith.shli %bitcast3A_75, %shift_left3A_77 : vector<16xi32>
      %or3A_79 = arith.constant 9 : i32
      %or3A_80 = vector.broadcast %or3A_79 : i32 to vector<16xi32>
      %or3A_81 = arith.ori %shift_left3A_78, %or3A_80 : vector<16xi32>
      %add3A_82 = arith.constant 1792 : i32
      %add3A_83 = arith.addi %add3A_82, %mul3A_8 : i32
      %get3A_84 = arith.index_cast %add3A_83 : i32 to index
      %get3A_85 = tpu.vector_load %arg4[%get3A_84] {strides = array<i32>} : memref<4096xf32, #tpu.memory_space<vmem>>, vector<16xf32>,
      %bitcast3A_86 = vector.bitcast %get3A_85 : vector<16xf32> to vector<16xi32>
      %shift_left3A_87 = arith.constant 4 : i32
      %shift_left3A_88 = vector.broadcast %shift_left3A_87 : i32 to vector<16xi32>
      %shift_left3A_89 = arith.shli %bitcast3A_86, %shift_left3A_88 : vector<16xi32>
      %or3A_90 = arith.constant 8 : i32
      %or3A_91 = vector.broadcast %or3A_90 : i32 to vector<16xi32>
      %or3A_92 = arith.ori %shift_left3A_89, %or3A_91 : vector<16xi32>
      %add3A_93 = arith.constant 2048 : i32
      %add3A_94 = arith.addi %add3A_93, %mul3A_8 : i32
      %get3A_95 = arith.index_cast %add3A_94 : i32 to index
      %get3A_96 = tpu.vector_load %arg4[%get3A_95] {strides = array<i32>} : memref<4096xf32, #tpu.memory_space<vmem>>, vector<16xf32>,
      %bitcast3A_97 = vector.bitcast %get3A_96 : vector<16xf32> to vector<16xi32>
      %shift_left3A_98 = arith.constant 4 : i32
      %shift_left3A_99 = vector.broadcast %shift_left3A_98 : i32 to vector<16xi32>
      %shift_left3A_100 = arith.shli %bitcast3A_97, %shift_left3A_99 : vector<16xi32>
      %or3A_101 = arith.constant 7 : i32
      %or3A_102 = vector.broadcast %or3A_101 : i32 to vector<16xi32>
      %or3A_103 = arith.ori %shift_left3A_100, %or3A_102 : vector<16xi32>
      %add3A_104 = arith.constant 2304 : i32
      %add3A_105 = arith.addi %add3A_104, %mul3A_8 : i32
      %get3A_106 = arith.index_cast %add3A_105 : i32 to index
      %get3A_107 = tpu.vector_load %arg4[%get3A_106] {strides = array<i32>} : memref<4096xf32, #tpu.memory_space<vmem>>, vector<16xf32>,
      %bitcast3A_108 = vector.bitcast %get3A_107 : vector<16xf32> to vector<16xi32>
      %shift_left3A_109 = arith.constant 4 : i32
      %shift_left3A_110 = vector.broadcast %shift_left3A_109 : i32 to vector<16xi32>
      %shift_left3A_111 = arith.shli %bitcast3A_108, %shift_left3A_110 : vector<16xi32>
      %or3A_112 = arith.constant 6 : i32
      %or3A_113 = vector.broadcast %or3A_112 : i32 to vector<16xi32>
      %or3A_114 = arith.ori %shift_left3A_111, %or3A_113 : vector<16xi32>
      %add3A_115 = arith.constant 2560 : i32
      %add3A_116 = arith.addi %add3A_115, %mul3A_8 : i32
      %get3A_117 = arith.index_cast %add3A_116 : i32 to index
      %get3A_118 = tpu.vector_load %arg4[%get3A_117] {strides = array<i32>} : memref<4096xf32, #tpu.memory_space<vmem>>, vector<16xf32>,
      %bitcast3A_119 = vector.bitcast %get3A_118 : vector<16xf32> to vector<16xi32>
      %shift_left3A_120 = arith.constant 4 : i32
      %shift_left3A_121 = vector.broadcast %shift_left3A_120 : i32 to vector<16xi32>
      %shift_left3A_122 = arith.shli %bitcast3A_119, %shift_left3A_121 : vector<16xi32>
      %or3A_123 = arith.constant 5 : i32
      %or3A_124 = vector.broadcast %or3A_123 : i32 to vector<16xi32>
      %or3A_125 = arith.ori %shift_left3A_122, %or3A_124 : vector<16xi32>
      %add3A_126 = arith.constant 2816 : i32
      %add3A_127 = arith.addi %add3A_126, %mul3A_8 : i32
      %get3A_128 = arith.index_cast %add3A_127 : i32 to index
      %get3A_129 = tpu.vector_load %arg4[%get3A_128] {strides = array<i32>} : memref<4096xf32, #tpu.memory_space<vmem>>, vector<16xf32>,
      %bitcast3A_130 = vector.bitcast %get3A_129 : vector<16xf32> to vector<16xi32>
      %shift_left3A_131 = arith.constant 4 : i32
      %shift_left3A_132 = vector.broadcast %shift_left3A_131 : i32 to vector<16xi32>
      %shift_left3A_133 = arith.shli %bitcast3A_130, %shift_left3A_132 : vector<16xi32>
      %or3A_134 = arith.constant 4 : i32
      %or3A_135 = vector.broadcast %or3A_134 : i32 to vector<16xi32>
      %or3A_136 = arith.ori %shift_left3A_133, %or3A_135 : vector<16xi32>
      %add3A_137 = arith.constant 3072 : i32
      %add3A_138 = arith.addi %add3A_137, %mul3A_8 : i32
      %get3A_139 = arith.index_cast %add3A_138 : i32 to index
      %get3A_140 = tpu.vector_load %arg4[%get3A_139] {strides = array<i32>} : memref<4096xf32, #tpu.memory_space<vmem>>, vector<16xf32>,
      %bitcast3A_141 = vector.bitcast %get3A_140 : vector<16xf32> to vector<16xi32>
      %shift_left3A_142 = arith.constant 4 : i32
      %shift_left3A_143 = vector.broadcast %shift_left3A_142 : i32 to vector<16xi32>
      %shift_left3A_144 = arith.shli %bitcast3A_141, %shift_left3A_143 : vector<16xi32>
      %or3A_145 = arith.constant 3 : i32
      %or3A_146 = vector.broadcast %or3A_145 : i32 to vector<16xi32>
      %or3A_147 = arith.ori %shift_left3A_144, %or3A_146 : vector<16xi32>
      %add3A_148 = arith.constant 3328 : i32
      %add3A_149 = arith.addi %add3A_148, %mul3A_8 : i32
      %get3A_150 = arith.index_cast %add3A_149 : i32 to index
      %get3A_151 = tpu.vector_load %arg4[%get3A_150] {strides = array<i32>} : memref<4096xf32, #tpu.memory_space<vmem>>, vector<16xf32>,
      %bitcast3A_152 = vector.bitcast %get3A_151 : vector<16xf32> to vector<16xi32>
      %shift_left3A_153 = arith.constant 4 : i32
      %shift_left3A_154 = vector.broadcast %shift_left3A_153 : i32 to vector<16xi32>
      %shift_left3A_155 = arith.shli %bitcast3A_152, %shift_left3A_154 : vector<16xi32>
      %or3A_156 = arith.constant 2 : i32
      %or3A_157 = vector.broadcast %or3A_156 : i32 to vector<16xi32>
      %or3A_158 = arith.ori %shift_left3A_155, %or3A_157 : vector<16xi32>
      %add3A_159 = arith.constant 3584 : i32
      %add3A_160 = arith.addi %add3A_159, %mul3A_8 : i32
      %get3A_161 = arith.index_cast %add3A_160 : i32 to index
      %get3A_162 = tpu.vector_load %arg4[%get3A_161] {strides = array<i32>} : memref<4096xf32, #tpu.memory_space<vmem>>, vector<16xf32>,
      %bitcast3A_163 = vector.bitcast %get3A_162 : vector<16xf32> to vector<16xi32>
      %shift_left3A_164 = arith.constant 4 : i32
      %shift_left3A_165 = vector.broadcast %shift_left3A_164 : i32 to vector<16xi32>
      %shift_left3A_166 = arith.shli %bitcast3A_163, %shift_left3A_165 : vector<16xi32>
      %or3A_167 = arith.constant 1 : i32
      %or3A_168 = vector.broadcast %or3A_167 : i32 to vector<16xi32>
      %or3A_169 = arith.ori %shift_left3A_166, %or3A_168 : vector<16xi32>
      %add3A_170 = arith.constant 3840 : i32
      %add3A_171 = arith.addi %add3A_170, %mul3A_8 : i32
      %get3A_172 = arith.index_cast %add3A_171 : i32 to index
      %get3A_173 = tpu.vector_load %arg4[%get3A_172] {strides = array<i32>} : memref<4096xf32, #tpu.memory_space<vmem>>, vector<16xf32>,
      %bitcast3A_174 = vector.bitcast %get3A_173 : vector<16xf32> to vector<16xi32>
      %shift_left3A_175 = arith.constant 4 : i32
      %shift_left3A_176 = vector.broadcast %shift_left3A_175 : i32 to vector<16xi32>
      %shift_left3A_177 = arith.shli %bitcast3A_174, %shift_left3A_176 : vector<16xi32>
      %or3A_178 = arith.constant 0 : i32
      %or3A_179 = vector.broadcast %or3A_178 : i32 to vector<16xi32>
      %or3A_180 = arith.ori %shift_left3A_177, %or3A_179 : vector<16xi32>
      %gt3A = arith.cmpi sgt, %or3A_15, %or3A_15 : vector<16xi32>
      %convert_element_type3A = arith.extui %gt3A : vector<16xi1> to vector<16xi32>
      %gt3A_181 = arith.cmpi sgt, %or3A_26, %or3A_15 : vector<16xi32>
      %convert_element_type3A_182 = arith.extui %gt3A_181 : vector<16xi1> to vector<16xi32>
      %add3A_183 = arith.addi %convert_element_type3A, %convert_element_type3A_182 : vector<16xi32>
      %gt3A_184 = arith.cmpi sgt, %or3A_37, %or3A_15 : vector<16xi32>
      %convert_element_type3A_185 = arith.extui %gt3A_184 : vector<16xi1> to vector<16xi32>
      %add3A_186 = arith.addi %add3A_183, %convert_element_type3A_185 : vector<16xi32>
      %gt3A_187 = arith.cmpi sgt, %or3A_48, %or3A_15 : vector<16xi32>
      %convert_element_type3A_188 = arith.extui %gt3A_187 : vector<16xi1> to vector<16xi32>
      %add3A_189 = arith.addi %add3A_186, %convert_element_type3A_188 : vector<16xi32>
      %gt3A_190 = arith.cmpi sgt, %or3A_59, %or3A_15 : vector<16xi32>
      %convert_element_type3A_191 = arith.extui %gt3A_190 : vector<16xi1> to vector<16xi32>
      %add3A_192 = arith.addi %add3A_189, %convert_element_type3A_191 : vector<16xi32>
      %gt3A_193 = arith.cmpi sgt, %or3A_70, %or3A_15 : vector<16xi32>
      %convert_element_type3A_194 = arith.extui %gt3A_193 : vector<16xi1> to vector<16xi32>
      %add3A_195 = arith.addi %add3A_192, %convert_element_type3A_194 : vector<16xi32>
      %gt3A_196 = arith.cmpi sgt, %or3A_81, %or3A_15 : vector<16xi32>
      %convert_element_type3A_197 = arith.extui %gt3A_196 : vector<16xi1> to vector<16xi32>
      %add3A_198 = arith.addi %add3A_195, %convert_element_type3A_197 : vector<16xi32>
      %gt3A_199 = arith.cmpi sgt, %or3A_92, %or3A_15 : vector<16xi32>
      %convert_element_type3A_200 = arith.extui %gt3A_199 : vector<16xi1> to vector<16xi32>
      %add3A_201 = arith.addi %add3A_198, %convert_element_type3A_200 : vector<16xi32>
      %gt3A_202 = arith.cmpi sgt, %or3A_103, %or3A_15 : vector<16xi32>
      %convert_element_type3A_203 = arith.extui %gt3A_202 : vector<16xi1> to vector<16xi32>
      %add3A_204 = arith.addi %add3A_201, %convert_element_type3A_203 : vector<16xi32>
      %gt3A_205 = arith.cmpi sgt, %or3A_114, %or3A_15 : vector<16xi32>
      %convert_element_type3A_206 = arith.extui %gt3A_205 : vector<16xi1> to vector<16xi32>
      %add3A_207 = arith.addi %add3A_204, %convert_element_type3A_206 : vector<16xi32>
      %gt3A_208 = arith.cmpi sgt, %or3A_125, %or3A_15 : vector<16xi32>
      %convert_element_type3A_209 = arith.extui %gt3A_208 : vector<16xi1> to vector<16xi32>
      %add3A_210 = arith.addi %add3A_207, %convert_element_type3A_209 : vector<16xi32>
      %gt3A_211 = arith.cmpi sgt, %or3A_136, %or3A_15 : vector<16xi32>
      %convert_element_type3A_212 = arith.extui %gt3A_211 : vector<16xi1> to vector<16xi32>
      %add3A_213 = arith.addi %add3A_210, %convert_element_type3A_212 : vector<16xi32>
      %gt3A_214 = arith.cmpi sgt, %or3A_147, %or3A_15 : vector<16xi32>
      %convert_element_type3A_215 = arith.extui %gt3A_214 : vector<16xi1> to vector<16xi32>
      %add3A_216 = arith.addi %add3A_213, %convert_element_type3A_215 : vector<16xi32>
      %gt3A_217 = arith.cmpi sgt, %or3A_158, %or3A_15 : vector<16xi32>
      %convert_element_type3A_218 = arith.extui %gt3A_217 : vector<16xi1> to vector<16xi32>
      %add3A_219 = arith.addi %add3A_216, %convert_element_type3A_218 : vector<16xi32>
      %gt3A_220 = arith.cmpi sgt, %or3A_169, %or3A_15 : vector<16xi32>
      %convert_element_type3A_221 = arith.extui %gt3A_220 : vector<16xi1> to vector<16xi32>
      %add3A_222 = arith.addi %add3A_219, %convert_element_type3A_221 : vector<16xi32>
      %gt3A_223 = arith.cmpi sgt, %or3A_180, %or3A_15 : vector<16xi32>
      %convert_element_type3A_224 = arith.extui %gt3A_223 : vector<16xi1> to vector<16xi32>
      %add3A_225 = arith.addi %add3A_222, %convert_element_type3A_224 : vector<16xi32>
      %lt3A = arith.constant 8 : i32
      %lt3A_226 = vector.broadcast %lt3A : i32 to vector<16xi32>
      %lt3A_227 = arith.cmpi slt, %add3A_225, %lt3A_226 : vector<16xi32>
      %jit3A = arith.constant 0.000000e+00 : f32
      %jit3A_228 = arith.constant -1.000000e+30 : f32
      %broadcast_in_dim3A = vector.broadcast %jit3A : f32 to vector<16xf32>
      %broadcast_in_dim3A_229 = vector.broadcast %jit3A_228 : f32 to vector<16xf32>
      %select_n3A = arith.select %lt3A_227, %broadcast_in_dim3A, %broadcast_in_dim3A_229 : vector<16xi1>, vector<16xf32>
      %add3A_230 = arith.constant 0 : i32
      %add3A_231 = arith.addi %add3A_230, %mul3A_8 : i32
      %swap3A = arith.index_cast %add3A_231 : i32 to index
      %swap3A_232 = tpu.vector_load %arg5[%swap3A] {strides = array<i32>} : memref<4096xf32, #tpu.memory_space<vmem>>, vector<16xf32>,
      tpu.vector_store %arg5[%swap3A], %select_n3A {strides = array<i32>} : memref<4096xf32, #tpu.memory_space<vmem>>, vector<16xf32>,
      %gt3A_233 = arith.cmpi sgt, %or3A_15, %or3A_26 : vector<16xi32>
      %convert_element_type3A_234 = arith.extui %gt3A_233 : vector<16xi1> to vector<16xi32>
      %gt3A_235 = arith.cmpi sgt, %or3A_26, %or3A_26 : vector<16xi32>
      %convert_element_type3A_236 = arith.extui %gt3A_235 : vector<16xi1> to vector<16xi32>
      %add3A_237 = arith.addi %convert_element_type3A_234, %convert_element_type3A_236 : vector<16xi32>
      %gt3A_238 = arith.cmpi sgt, %or3A_37, %or3A_26 : vector<16xi32>
      %convert_element_type3A_239 = arith.extui %gt3A_238 : vector<16xi1> to vector<16xi32>
      %add3A_240 = arith.addi %add3A_237, %convert_element_type3A_239 : vector<16xi32>
      %gt3A_241 = arith.cmpi sgt, %or3A_48, %or3A_26 : vector<16xi32>
      %convert_element_type3A_242 = arith.extui %gt3A_241 : vector<16xi1> to vector<16xi32>
      %add3A_243 = arith.addi %add3A_240, %convert_element_type3A_242 : vector<16xi32>
      %gt3A_244 = arith.cmpi sgt, %or3A_59, %or3A_26 : vector<16xi32>
      %convert_element_type3A_245 = arith.extui %gt3A_244 : vector<16xi1> to vector<16xi32>
      %add3A_246 = arith.addi %add3A_243, %convert_element_type3A_245 : vector<16xi32>
      %gt3A_247 = arith.cmpi sgt, %or3A_70, %or3A_26 : vector<16xi32>
      %convert_element_type3A_248 = arith.extui %gt3A_247 : vector<16xi1> to vector<16xi32>
      %add3A_249 = arith.addi %add3A_246, %convert_element_type3A_248 : vector<16xi32>
      %gt3A_250 = arith.cmpi sgt, %or3A_81, %or3A_26 : vector<16xi32>
      %convert_element_type3A_251 = arith.extui %gt3A_250 : vector<16xi1> to vector<16xi32>
      %add3A_252 = arith.addi %add3A_249, %convert_element_type3A_251 : vector<16xi32>
      %gt3A_253 = arith.cmpi sgt, %or3A_92, %or3A_26 : vector<16xi32>
      %convert_element_type3A_254 = arith.extui %gt3A_253 : vector<16xi1> to vector<16xi32>
      %add3A_255 = arith.addi %add3A_252, %convert_element_type3A_254 : vector<16xi32>
      %gt3A_256 = arith.cmpi sgt, %or3A_103, %or3A_26 : vector<16xi32>
      %convert_element_type3A_257 = arith.extui %gt3A_256 : vector<16xi1> to vector<16xi32>
      %add3A_258 = arith.addi %add3A_255, %convert_element_type3A_257 : vector<16xi32>
      %gt3A_259 = arith.cmpi sgt, %or3A_114, %or3A_26 : vector<16xi32>
      %convert_element_type3A_260 = arith.extui %gt3A_259 : vector<16xi1> to vector<16xi32>
      %add3A_261 = arith.addi %add3A_258, %convert_element_type3A_260 : vector<16xi32>
      %gt3A_262 = arith.cmpi sgt, %or3A_125, %or3A_26 : vector<16xi32>
      %convert_element_type3A_263 = arith.extui %gt3A_262 : vector<16xi1> to vector<16xi32>
      %add3A_264 = arith.addi %add3A_261, %convert_element_type3A_263 : vector<16xi32>
      %gt3A_265 = arith.cmpi sgt, %or3A_136, %or3A_26 : vector<16xi32>
      %convert_element_type3A_266 = arith.extui %gt3A_265 : vector<16xi1> to vector<16xi32>
      %add3A_267 = arith.addi %add3A_264, %convert_element_type3A_266 : vector<16xi32>
      %gt3A_268 = arith.cmpi sgt, %or3A_147, %or3A_26 : vector<16xi32>
      %convert_element_type3A_269 = arith.extui %gt3A_268 : vector<16xi1> to vector<16xi32>
      %add3A_270 = arith.addi %add3A_267, %convert_element_type3A_269 : vector<16xi32>
      %gt3A_271 = arith.cmpi sgt, %or3A_158, %or3A_26 : vector<16xi32>
      %convert_element_type3A_272 = arith.extui %gt3A_271 : vector<16xi1> to vector<16xi32>
      %add3A_273 = arith.addi %add3A_270, %convert_element_type3A_272 : vector<16xi32>
      %gt3A_274 = arith.cmpi sgt, %or3A_169, %or3A_26 : vector<16xi32>
      %convert_element_type3A_275 = arith.extui %gt3A_274 : vector<16xi1> to vector<16xi32>
      %add3A_276 = arith.addi %add3A_273, %convert_element_type3A_275 : vector<16xi32>
      %gt3A_277 = arith.cmpi sgt, %or3A_180, %or3A_26 : vector<16xi32>
      %convert_element_type3A_278 = arith.extui %gt3A_277 : vector<16xi1> to vector<16xi32>
      %add3A_279 = arith.addi %add3A_276, %convert_element_type3A_278 : vector<16xi32>
      %lt3A_280 = arith.constant 8 : i32
      %lt3A_281 = vector.broadcast %lt3A_280 : i32 to vector<16xi32>
      %lt3A_282 = arith.cmpi slt, %add3A_279, %lt3A_281 : vector<16xi32>
      %jit3A_283 = arith.constant 0.000000e+00 : f32
      %jit3A_284 = arith.constant -1.000000e+30 : f32
      %broadcast_in_dim3A_285 = vector.broadcast %jit3A_283 : f32 to vector<16xf32>
      %broadcast_in_dim3A_286 = vector.broadcast %jit3A_284 : f32 to vector<16xf32>
      %select_n3A_287 = arith.select %lt3A_282, %broadcast_in_dim3A_285, %broadcast_in_dim3A_286 : vector<16xi1>, vector<16xf32>
      %add3A_288 = arith.constant 256 : i32
      %add3A_289 = arith.addi %add3A_288, %mul3A_8 : i32
      %swap3A_290 = arith.index_cast %add3A_289 : i32 to index
      %swap3A_291 = tpu.vector_load %arg5[%swap3A_290] {strides = array<i32>} : memref<4096xf32, #tpu.memory_space<vmem>>, vector<16xf32>,
      tpu.vector_store %arg5[%swap3A_290], %select_n3A_287 {strides = array<i32>} : memref<4096xf32, #tpu.memory_space<vmem>>, vector<16xf32>,
      %gt3A_292 = arith.cmpi sgt, %or3A_15, %or3A_37 : vector<16xi32>
      %convert_element_type3A_293 = arith.extui %gt3A_292 : vector<16xi1> to vector<16xi32>
      %gt3A_294 = arith.cmpi sgt, %or3A_26, %or3A_37 : vector<16xi32>
      %convert_element_type3A_295 = arith.extui %gt3A_294 : vector<16xi1> to vector<16xi32>
      %add3A_296 = arith.addi %convert_element_type3A_293, %convert_element_type3A_295 : vector<16xi32>
      %gt3A_297 = arith.cmpi sgt, %or3A_37, %or3A_37 : vector<16xi32>
      %convert_element_type3A_298 = arith.extui %gt3A_297 : vector<16xi1> to vector<16xi32>
      %add3A_299 = arith.addi %add3A_296, %convert_element_type3A_298 : vector<16xi32>
      %gt3A_300 = arith.cmpi sgt, %or3A_48, %or3A_37 : vector<16xi32>
      %convert_element_type3A_301 = arith.extui %gt3A_300 : vector<16xi1> to vector<16xi32>
      %add3A_302 = arith.addi %add3A_299, %convert_element_type3A_301 : vector<16xi32>
      %gt3A_303 = arith.cmpi sgt, %or3A_59, %or3A_37 : vector<16xi32>
      %convert_element_type3A_304 = arith.extui %gt3A_303 : vector<16xi1> to vector<16xi32>
      %add3A_305 = arith.addi %add3A_302, %convert_element_type3A_304 : vector<16xi32>
      %gt3A_306 = arith.cmpi sgt, %or3A_70, %or3A_37 : vector<16xi32>
      %convert_element_type3A_307 = arith.extui %gt3A_306 : vector<16xi1> to vector<16xi32>
      %add3A_308 = arith.addi %add3A_305, %convert_element_type3A_307 : vector<16xi32>
      %gt3A_309 = arith.cmpi sgt, %or3A_81, %or3A_37 : vector<16xi32>
      %convert_element_type3A_310 = arith.extui %gt3A_309 : vector<16xi1> to vector<16xi32>
      %add3A_311 = arith.addi %add3A_308, %convert_element_type3A_310 : vector<16xi32>
      %gt3A_312 = arith.cmpi sgt, %or3A_92, %or3A_37 : vector<16xi32>
      %convert_element_type3A_313 = arith.extui %gt3A_312 : vector<16xi1> to vector<16xi32>
      %add3A_314 = arith.addi %add3A_311, %convert_element_type3A_313 : vector<16xi32>
      %gt3A_315 = arith.cmpi sgt, %or3A_103, %or3A_37 : vector<16xi32>
      %convert_element_type3A_316 = arith.extui %gt3A_315 : vector<16xi1> to vector<16xi32>
      %add3A_317 = arith.addi %add3A_314, %convert_element_type3A_316 : vector<16xi32>
      %gt3A_318 = arith.cmpi sgt, %or3A_114, %or3A_37 : vector<16xi32>
      %convert_element_type3A_319 = arith.extui %gt3A_318 : vector<16xi1> to vector<16xi32>
      %add3A_320 = arith.addi %add3A_317, %convert_element_type3A_319 : vector<16xi32>
      %gt3A_321 = arith.cmpi sgt, %or3A_125, %or3A_37 : vector<16xi32>
      %convert_element_type3A_322 = arith.extui %gt3A_321 : vector<16xi1> to vector<16xi32>
      %add3A_323 = arith.addi %add3A_320, %convert_element_type3A_322 : vector<16xi32>
      %gt3A_324 = arith.cmpi sgt, %or3A_136, %or3A_37 : vector<16xi32>
      %convert_element_type3A_325 = arith.extui %gt3A_324 : vector<16xi1> to vector<16xi32>
      %add3A_326 = arith.addi %add3A_323, %convert_element_type3A_325 : vector<16xi32>
      %gt3A_327 = arith.cmpi sgt, %or3A_147, %or3A_37 : vector<16xi32>
      %convert_element_type3A_328 = arith.extui %gt3A_327 : vector<16xi1> to vector<16xi32>
      %add3A_329 = arith.addi %add3A_326, %convert_element_type3A_328 : vector<16xi32>
      %gt3A_330 = arith.cmpi sgt, %or3A_158, %or3A_37 : vector<16xi32>
      %convert_element_type3A_331 = arith.extui %gt3A_330 : vector<16xi1> to vector<16xi32>
      %add3A_332 = arith.addi %add3A_329, %convert_element_type3A_331 : vector<16xi32>
      %gt3A_333 = arith.cmpi sgt, %or3A_169, %or3A_37 : vector<16xi32>
      %convert_element_type3A_334 = arith.extui %gt3A_333 : vector<16xi1> to vector<16xi32>
      %add3A_335 = arith.addi %add3A_332, %convert_element_type3A_334 : vector<16xi32>
      %gt3A_336 = arith.cmpi sgt, %or3A_180, %or3A_37 : vector<16xi32>
      %convert_element_type3A_337 = arith.extui %gt3A_336 : vector<16xi1> to vector<16xi32>
      %add3A_338 = arith.addi %add3A_335, %convert_element_type3A_337 : vector<16xi32>
      %lt3A_339 = arith.constant 8 : i32
      %lt3A_340 = vector.broadcast %lt3A_339 : i32 to vector<16xi32>
      %lt3A_341 = arith.cmpi slt, %add3A_338, %lt3A_340 : vector<16xi32>
      %jit3A_342 = arith.constant 0.000000e+00 : f32
      %jit3A_343 = arith.constant -1.000000e+30 : f32
      %broadcast_in_dim3A_344 = vector.broadcast %jit3A_342 : f32 to vector<16xf32>
      %broadcast_in_dim3A_345 = vector.broadcast %jit3A_343 : f32 to vector<16xf32>
      %select_n3A_346 = arith.select %lt3A_341, %broadcast_in_dim3A_344, %broadcast_in_dim3A_345 : vector<16xi1>, vector<16xf32>
      %add3A_347 = arith.constant 512 : i32
      %add3A_348 = arith.addi %add3A_347, %mul3A_8 : i32
      %swap3A_349 = arith.index_cast %add3A_348 : i32 to index
      %swap3A_350 = tpu.vector_load %arg5[%swap3A_349] {strides = array<i32>} : memref<4096xf32, #tpu.memory_space<vmem>>, vector<16xf32>,
      tpu.vector_store %arg5[%swap3A_349], %select_n3A_346 {strides = array<i32>} : memref<4096xf32, #tpu.memory_space<vmem>>, vector<16xf32>,
      %gt3A_351 = arith.cmpi sgt, %or3A_15, %or3A_48 : vector<16xi32>
      %convert_element_type3A_352 = arith.extui %gt3A_351 : vector<16xi1> to vector<16xi32>
      %gt3A_353 = arith.cmpi sgt, %or3A_26, %or3A_48 : vector<16xi32>
      %convert_element_type3A_354 = arith.extui %gt3A_353 : vector<16xi1> to vector<16xi32>
      %add3A_355 = arith.addi %convert_element_type3A_352, %convert_element_type3A_354 : vector<16xi32>
      %gt3A_356 = arith.cmpi sgt, %or3A_37, %or3A_48 : vector<16xi32>
      %convert_element_type3A_357 = arith.extui %gt3A_356 : vector<16xi1> to vector<16xi32>
      %add3A_358 = arith.addi %add3A_355, %convert_element_type3A_357 : vector<16xi32>
      %gt3A_359 = arith.cmpi sgt, %or3A_48, %or3A_48 : vector<16xi32>
      %convert_element_type3A_360 = arith.extui %gt3A_359 : vector<16xi1> to vector<16xi32>
      %add3A_361 = arith.addi %add3A_358, %convert_element_type3A_360 : vector<16xi32>
      %gt3A_362 = arith.cmpi sgt, %or3A_59, %or3A_48 : vector<16xi32>
      %convert_element_type3A_363 = arith.extui %gt3A_362 : vector<16xi1> to vector<16xi32>
      %add3A_364 = arith.addi %add3A_361, %convert_element_type3A_363 : vector<16xi32>
      %gt3A_365 = arith.cmpi sgt, %or3A_70, %or3A_48 : vector<16xi32>
      %convert_element_type3A_366 = arith.extui %gt3A_365 : vector<16xi1> to vector<16xi32>
      %add3A_367 = arith.addi %add3A_364, %convert_element_type3A_366 : vector<16xi32>
      %gt3A_368 = arith.cmpi sgt, %or3A_81, %or3A_48 : vector<16xi32>
      %convert_element_type3A_369 = arith.extui %gt3A_368 : vector<16xi1> to vector<16xi32>
      %add3A_370 = arith.addi %add3A_367, %convert_element_type3A_369 : vector<16xi32>
      %gt3A_371 = arith.cmpi sgt, %or3A_92, %or3A_48 : vector<16xi32>
      %convert_element_type3A_372 = arith.extui %gt3A_371 : vector<16xi1> to vector<16xi32>
      %add3A_373 = arith.addi %add3A_370, %convert_element_type3A_372 : vector<16xi32>
      %gt3A_374 = arith.cmpi sgt, %or3A_103, %or3A_48 : vector<16xi32>
      %convert_element_type3A_375 = arith.extui %gt3A_374 : vector<16xi1> to vector<16xi32>
      %add3A_376 = arith.addi %add3A_373, %convert_element_type3A_375 : vector<16xi32>
      %gt3A_377 = arith.cmpi sgt, %or3A_114, %or3A_48 : vector<16xi32>
      %convert_element_type3A_378 = arith.extui %gt3A_377 : vector<16xi1> to vector<16xi32>
      %add3A_379 = arith.addi %add3A_376, %convert_element_type3A_378 : vector<16xi32>
      %gt3A_380 = arith.cmpi sgt, %or3A_125, %or3A_48 : vector<16xi32>
      %convert_element_type3A_381 = arith.extui %gt3A_380 : vector<16xi1> to vector<16xi32>
      %add3A_382 = arith.addi %add3A_379, %convert_element_type3A_381 : vector<16xi32>
      %gt3A_383 = arith.cmpi sgt, %or3A_136, %or3A_48 : vector<16xi32>
      %convert_element_type3A_384 = arith.extui %gt3A_383 : vector<16xi1> to vector<16xi32>
      %add3A_385 = arith.addi %add3A_382, %convert_element_type3A_384 : vector<16xi32>
      %gt3A_386 = arith.cmpi sgt, %or3A_147, %or3A_48 : vector<16xi32>
      %convert_element_type3A_387 = arith.extui %gt3A_386 : vector<16xi1> to vector<16xi32>
      %add3A_388 = arith.addi %add3A_385, %convert_element_type3A_387 : vector<16xi32>
      %gt3A_389 = arith.cmpi sgt, %or3A_158, %or3A_48 : vector<16xi32>
      %convert_element_type3A_390 = arith.extui %gt3A_389 : vector<16xi1> to vector<16xi32>
      %add3A_391 = arith.addi %add3A_388, %convert_element_type3A_390 : vector<16xi32>
      %gt3A_392 = arith.cmpi sgt, %or3A_169, %or3A_48 : vector<16xi32>
      %convert_element_type3A_393 = arith.extui %gt3A_392 : vector<16xi1> to vector<16xi32>
      %add3A_394 = arith.addi %add3A_391, %convert_element_type3A_393 : vector<16xi32>
      %gt3A_395 = arith.cmpi sgt, %or3A_180, %or3A_48 : vector<16xi32>
      %convert_element_type3A_396 = arith.extui %gt3A_395 : vector<16xi1> to vector<16xi32>
      %add3A_397 = arith.addi %add3A_394, %convert_element_type3A_396 : vector<16xi32>
      %lt3A_398 = arith.constant 8 : i32
      %lt3A_399 = vector.broadcast %lt3A_398 : i32 to vector<16xi32>
      %lt3A_400 = arith.cmpi slt, %add3A_397, %lt3A_399 : vector<16xi32>
      %jit3A_401 = arith.constant 0.000000e+00 : f32
      %jit3A_402 = arith.constant -1.000000e+30 : f32
      %broadcast_in_dim3A_403 = vector.broadcast %jit3A_401 : f32 to vector<16xf32>
      %broadcast_in_dim3A_404 = vector.broadcast %jit3A_402 : f32 to vector<16xf32>
      %select_n3A_405 = arith.select %lt3A_400, %broadcast_in_dim3A_403, %broadcast_in_dim3A_404 : vector<16xi1>, vector<16xf32>
      %add3A_406 = arith.constant 768 : i32
      %add3A_407 = arith.addi %add3A_406, %mul3A_8 : i32
      %swap3A_408 = arith.index_cast %add3A_407 : i32 to index
      %swap3A_409 = tpu.vector_load %arg5[%swap3A_408] {strides = array<i32>} : memref<4096xf32, #tpu.memory_space<vmem>>, vector<16xf32>,
      tpu.vector_store %arg5[%swap3A_408], %select_n3A_405 {strides = array<i32>} : memref<4096xf32, #tpu.memory_space<vmem>>, vector<16xf32>,
      %gt3A_410 = arith.cmpi sgt, %or3A_15, %or3A_59 : vector<16xi32>
      %convert_element_type3A_411 = arith.extui %gt3A_410 : vector<16xi1> to vector<16xi32>
      %gt3A_412 = arith.cmpi sgt, %or3A_26, %or3A_59 : vector<16xi32>
      %convert_element_type3A_413 = arith.extui %gt3A_412 : vector<16xi1> to vector<16xi32>
      %add3A_414 = arith.addi %convert_element_type3A_411, %convert_element_type3A_413 : vector<16xi32>
      %gt3A_415 = arith.cmpi sgt, %or3A_37, %or3A_59 : vector<16xi32>
      %convert_element_type3A_416 = arith.extui %gt3A_415 : vector<16xi1> to vector<16xi32>
      %add3A_417 = arith.addi %add3A_414, %convert_element_type3A_416 : vector<16xi32>
      %gt3A_418 = arith.cmpi sgt, %or3A_48, %or3A_59 : vector<16xi32>
      %convert_element_type3A_419 = arith.extui %gt3A_418 : vector<16xi1> to vector<16xi32>
      %add3A_420 = arith.addi %add3A_417, %convert_element_type3A_419 : vector<16xi32>
      %gt3A_421 = arith.cmpi sgt, %or3A_59, %or3A_59 : vector<16xi32>
      %convert_element_type3A_422 = arith.extui %gt3A_421 : vector<16xi1> to vector<16xi32>
      %add3A_423 = arith.addi %add3A_420, %convert_element_type3A_422 : vector<16xi32>
      %gt3A_424 = arith.cmpi sgt, %or3A_70, %or3A_59 : vector<16xi32>
      %convert_element_type3A_425 = arith.extui %gt3A_424 : vector<16xi1> to vector<16xi32>
      %add3A_426 = arith.addi %add3A_423, %convert_element_type3A_425 : vector<16xi32>
      %gt3A_427 = arith.cmpi sgt, %or3A_81, %or3A_59 : vector<16xi32>
      %convert_element_type3A_428 = arith.extui %gt3A_427 : vector<16xi1> to vector<16xi32>
      %add3A_429 = arith.addi %add3A_426, %convert_element_type3A_428 : vector<16xi32>
      %gt3A_430 = arith.cmpi sgt, %or3A_92, %or3A_59 : vector<16xi32>
      %convert_element_type3A_431 = arith.extui %gt3A_430 : vector<16xi1> to vector<16xi32>
      %add3A_432 = arith.addi %add3A_429, %convert_element_type3A_431 : vector<16xi32>
      %gt3A_433 = arith.cmpi sgt, %or3A_103, %or3A_59 : vector<16xi32>
      %convert_element_type3A_434 = arith.extui %gt3A_433 : vector<16xi1> to vector<16xi32>
      %add3A_435 = arith.addi %add3A_432, %convert_element_type3A_434 : vector<16xi32>
      %gt3A_436 = arith.cmpi sgt, %or3A_114, %or3A_59 : vector<16xi32>
      %convert_element_type3A_437 = arith.extui %gt3A_436 : vector<16xi1> to vector<16xi32>
      %add3A_438 = arith.addi %add3A_435, %convert_element_type3A_437 : vector<16xi32>
      %gt3A_439 = arith.cmpi sgt, %or3A_125, %or3A_59 : vector<16xi32>
      %convert_element_type3A_440 = arith.extui %gt3A_439 : vector<16xi1> to vector<16xi32>
      %add3A_441 = arith.addi %add3A_438, %convert_element_type3A_440 : vector<16xi32>
      %gt3A_442 = arith.cmpi sgt, %or3A_136, %or3A_59 : vector<16xi32>
      %convert_element_type3A_443 = arith.extui %gt3A_442 : vector<16xi1> to vector<16xi32>
      %add3A_444 = arith.addi %add3A_441, %convert_element_type3A_443 : vector<16xi32>
      %gt3A_445 = arith.cmpi sgt, %or3A_147, %or3A_59 : vector<16xi32>
      %convert_element_type3A_446 = arith.extui %gt3A_445 : vector<16xi1> to vector<16xi32>
      %add3A_447 = arith.addi %add3A_444, %convert_element_type3A_446 : vector<16xi32>
      %gt3A_448 = arith.cmpi sgt, %or3A_158, %or3A_59 : vector<16xi32>
      %convert_element_type3A_449 = arith.extui %gt3A_448 : vector<16xi1> to vector<16xi32>
      %add3A_450 = arith.addi %add3A_447, %convert_element_type3A_449 : vector<16xi32>
      %gt3A_451 = arith.cmpi sgt, %or3A_169, %or3A_59 : vector<16xi32>
      %convert_element_type3A_452 = arith.extui %gt3A_451 : vector<16xi1> to vector<16xi32>
      %add3A_453 = arith.addi %add3A_450, %convert_element_type3A_452 : vector<16xi32>
      %gt3A_454 = arith.cmpi sgt, %or3A_180, %or3A_59 : vector<16xi32>
      %convert_element_type3A_455 = arith.extui %gt3A_454 : vector<16xi1> to vector<16xi32>
      %add3A_456 = arith.addi %add3A_453, %convert_element_type3A_455 : vector<16xi32>
      %lt3A_457 = arith.constant 8 : i32
      %lt3A_458 = vector.broadcast %lt3A_457 : i32 to vector<16xi32>
      %lt3A_459 = arith.cmpi slt, %add3A_456, %lt3A_458 : vector<16xi32>
      %jit3A_460 = arith.constant 0.000000e+00 : f32
      %jit3A_461 = arith.constant -1.000000e+30 : f32
      %broadcast_in_dim3A_462 = vector.broadcast %jit3A_460 : f32 to vector<16xf32>
      %broadcast_in_dim3A_463 = vector.broadcast %jit3A_461 : f32 to vector<16xf32>
      %select_n3A_464 = arith.select %lt3A_459, %broadcast_in_dim3A_462, %broadcast_in_dim3A_463 : vector<16xi1>, vector<16xf32>
      %add3A_465 = arith.constant 1024 : i32
      %add3A_466 = arith.addi %add3A_465, %mul3A_8 : i32
      %swap3A_467 = arith.index_cast %add3A_466 : i32 to index
      %swap3A_468 = tpu.vector_load %arg5[%swap3A_467] {strides = array<i32>} : memref<4096xf32, #tpu.memory_space<vmem>>, vector<16xf32>,
      tpu.vector_store %arg5[%swap3A_467], %select_n3A_464 {strides = array<i32>} : memref<4096xf32, #tpu.memory_space<vmem>>, vector<16xf32>,
      %gt3A_469 = arith.cmpi sgt, %or3A_15, %or3A_70 : vector<16xi32>
      %convert_element_type3A_470 = arith.extui %gt3A_469 : vector<16xi1> to vector<16xi32>
      %gt3A_471 = arith.cmpi sgt, %or3A_26, %or3A_70 : vector<16xi32>
      %convert_element_type3A_472 = arith.extui %gt3A_471 : vector<16xi1> to vector<16xi32>
      %add3A_473 = arith.addi %convert_element_type3A_470, %convert_element_type3A_472 : vector<16xi32>
      %gt3A_474 = arith.cmpi sgt, %or3A_37, %or3A_70 : vector<16xi32>
      %convert_element_type3A_475 = arith.extui %gt3A_474 : vector<16xi1> to vector<16xi32>
      %add3A_476 = arith.addi %add3A_473, %convert_element_type3A_475 : vector<16xi32>
      %gt3A_477 = arith.cmpi sgt, %or3A_48, %or3A_70 : vector<16xi32>
      %convert_element_type3A_478 = arith.extui %gt3A_477 : vector<16xi1> to vector<16xi32>
      %add3A_479 = arith.addi %add3A_476, %convert_element_type3A_478 : vector<16xi32>
      %gt3A_480 = arith.cmpi sgt, %or3A_59, %or3A_70 : vector<16xi32>
      %convert_element_type3A_481 = arith.extui %gt3A_480 : vector<16xi1> to vector<16xi32>
      %add3A_482 = arith.addi %add3A_479, %convert_element_type3A_481 : vector<16xi32>
      %gt3A_483 = arith.cmpi sgt, %or3A_70, %or3A_70 : vector<16xi32>
      %convert_element_type3A_484 = arith.extui %gt3A_483 : vector<16xi1> to vector<16xi32>
      %add3A_485 = arith.addi %add3A_482, %convert_element_type3A_484 : vector<16xi32>
      %gt3A_486 = arith.cmpi sgt, %or3A_81, %or3A_70 : vector<16xi32>
      %convert_element_type3A_487 = arith.extui %gt3A_486 : vector<16xi1> to vector<16xi32>
      %add3A_488 = arith.addi %add3A_485, %convert_element_type3A_487 : vector<16xi32>
      %gt3A_489 = arith.cmpi sgt, %or3A_92, %or3A_70 : vector<16xi32>
      %convert_element_type3A_490 = arith.extui %gt3A_489 : vector<16xi1> to vector<16xi32>
      %add3A_491 = arith.addi %add3A_488, %convert_element_type3A_490 : vector<16xi32>
      %gt3A_492 = arith.cmpi sgt, %or3A_103, %or3A_70 : vector<16xi32>
      %convert_element_type3A_493 = arith.extui %gt3A_492 : vector<16xi1> to vector<16xi32>
      %add3A_494 = arith.addi %add3A_491, %convert_element_type3A_493 : vector<16xi32>
      %gt3A_495 = arith.cmpi sgt, %or3A_114, %or3A_70 : vector<16xi32>
      %convert_element_type3A_496 = arith.extui %gt3A_495 : vector<16xi1> to vector<16xi32>
      %add3A_497 = arith.addi %add3A_494, %convert_element_type3A_496 : vector<16xi32>
      %gt3A_498 = arith.cmpi sgt, %or3A_125, %or3A_70 : vector<16xi32>
      %convert_element_type3A_499 = arith.extui %gt3A_498 : vector<16xi1> to vector<16xi32>
      %add3A_500 = arith.addi %add3A_497, %convert_element_type3A_499 : vector<16xi32>
      %gt3A_501 = arith.cmpi sgt, %or3A_136, %or3A_70 : vector<16xi32>
      %convert_element_type3A_502 = arith.extui %gt3A_501 : vector<16xi1> to vector<16xi32>
      %add3A_503 = arith.addi %add3A_500, %convert_element_type3A_502 : vector<16xi32>
      %gt3A_504 = arith.cmpi sgt, %or3A_147, %or3A_70 : vector<16xi32>
      %convert_element_type3A_505 = arith.extui %gt3A_504 : vector<16xi1> to vector<16xi32>
      %add3A_506 = arith.addi %add3A_503, %convert_element_type3A_505 : vector<16xi32>
      %gt3A_507 = arith.cmpi sgt, %or3A_158, %or3A_70 : vector<16xi32>
      %convert_element_type3A_508 = arith.extui %gt3A_507 : vector<16xi1> to vector<16xi32>
      %add3A_509 = arith.addi %add3A_506, %convert_element_type3A_508 : vector<16xi32>
      %gt3A_510 = arith.cmpi sgt, %or3A_169, %or3A_70 : vector<16xi32>
      %convert_element_type3A_511 = arith.extui %gt3A_510 : vector<16xi1> to vector<16xi32>
      %add3A_512 = arith.addi %add3A_509, %convert_element_type3A_511 : vector<16xi32>
      %gt3A_513 = arith.cmpi sgt, %or3A_180, %or3A_70 : vector<16xi32>
      %convert_element_type3A_514 = arith.extui %gt3A_513 : vector<16xi1> to vector<16xi32>
      %add3A_515 = arith.addi %add3A_512, %convert_element_type3A_514 : vector<16xi32>
      %lt3A_516 = arith.constant 8 : i32
      %lt3A_517 = vector.broadcast %lt3A_516 : i32 to vector<16xi32>
      %lt3A_518 = arith.cmpi slt, %add3A_515, %lt3A_517 : vector<16xi32>
      %jit3A_519 = arith.constant 0.000000e+00 : f32
      %jit3A_520 = arith.constant -1.000000e+30 : f32
      %broadcast_in_dim3A_521 = vector.broadcast %jit3A_519 : f32 to vector<16xf32>
      %broadcast_in_dim3A_522 = vector.broadcast %jit3A_520 : f32 to vector<16xf32>
      %select_n3A_523 = arith.select %lt3A_518, %broadcast_in_dim3A_521, %broadcast_in_dim3A_522 : vector<16xi1>, vector<16xf32>
      %add3A_524 = arith.constant 1280 : i32
      %add3A_525 = arith.addi %add3A_524, %mul3A_8 : i32
      %swap3A_526 = arith.index_cast %add3A_525 : i32 to index
      %swap3A_527 = tpu.vector_load %arg5[%swap3A_526] {strides = array<i32>} : memref<4096xf32, #tpu.memory_space<vmem>>, vector<16xf32>,
      tpu.vector_store %arg5[%swap3A_526], %select_n3A_523 {strides = array<i32>} : memref<4096xf32, #tpu.memory_space<vmem>>, vector<16xf32>,
      %gt3A_528 = arith.cmpi sgt, %or3A_15, %or3A_81 : vector<16xi32>
      %convert_element_type3A_529 = arith.extui %gt3A_528 : vector<16xi1> to vector<16xi32>
      %gt3A_530 = arith.cmpi sgt, %or3A_26, %or3A_81 : vector<16xi32>
      %convert_element_type3A_531 = arith.extui %gt3A_530 : vector<16xi1> to vector<16xi32>
      %add3A_532 = arith.addi %convert_element_type3A_529, %convert_element_type3A_531 : vector<16xi32>
      %gt3A_533 = arith.cmpi sgt, %or3A_37, %or3A_81 : vector<16xi32>
      %convert_element_type3A_534 = arith.extui %gt3A_533 : vector<16xi1> to vector<16xi32>
      %add3A_535 = arith.addi %add3A_532, %convert_element_type3A_534 : vector<16xi32>
      %gt3A_536 = arith.cmpi sgt, %or3A_48, %or3A_81 : vector<16xi32>
      %convert_element_type3A_537 = arith.extui %gt3A_536 : vector<16xi1> to vector<16xi32>
      %add3A_538 = arith.addi %add3A_535, %convert_element_type3A_537 : vector<16xi32>
      %gt3A_539 = arith.cmpi sgt, %or3A_59, %or3A_81 : vector<16xi32>
      %convert_element_type3A_540 = arith.extui %gt3A_539 : vector<16xi1> to vector<16xi32>
      %add3A_541 = arith.addi %add3A_538, %convert_element_type3A_540 : vector<16xi32>
      %gt3A_542 = arith.cmpi sgt, %or3A_70, %or3A_81 : vector<16xi32>
      %convert_element_type3A_543 = arith.extui %gt3A_542 : vector<16xi1> to vector<16xi32>
      %add3A_544 = arith.addi %add3A_541, %convert_element_type3A_543 : vector<16xi32>
      %gt3A_545 = arith.cmpi sgt, %or3A_81, %or3A_81 : vector<16xi32>
      %convert_element_type3A_546 = arith.extui %gt3A_545 : vector<16xi1> to vector<16xi32>
      %add3A_547 = arith.addi %add3A_544, %convert_element_type3A_546 : vector<16xi32>
      %gt3A_548 = arith.cmpi sgt, %or3A_92, %or3A_81 : vector<16xi32>
      %convert_element_type3A_549 = arith.extui %gt3A_548 : vector<16xi1> to vector<16xi32>
      %add3A_550 = arith.addi %add3A_547, %convert_element_type3A_549 : vector<16xi32>
      %gt3A_551 = arith.cmpi sgt, %or3A_103, %or3A_81 : vector<16xi32>
      %convert_element_type3A_552 = arith.extui %gt3A_551 : vector<16xi1> to vector<16xi32>
      %add3A_553 = arith.addi %add3A_550, %convert_element_type3A_552 : vector<16xi32>
      %gt3A_554 = arith.cmpi sgt, %or3A_114, %or3A_81 : vector<16xi32>
      %convert_element_type3A_555 = arith.extui %gt3A_554 : vector<16xi1> to vector<16xi32>
      %add3A_556 = arith.addi %add3A_553, %convert_element_type3A_555 : vector<16xi32>
      %gt3A_557 = arith.cmpi sgt, %or3A_125, %or3A_81 : vector<16xi32>
      %convert_element_type3A_558 = arith.extui %gt3A_557 : vector<16xi1> to vector<16xi32>
      %add3A_559 = arith.addi %add3A_556, %convert_element_type3A_558 : vector<16xi32>
      %gt3A_560 = arith.cmpi sgt, %or3A_136, %or3A_81 : vector<16xi32>
      %convert_element_type3A_561 = arith.extui %gt3A_560 : vector<16xi1> to vector<16xi32>
      %add3A_562 = arith.addi %add3A_559, %convert_element_type3A_561 : vector<16xi32>
      %gt3A_563 = arith.cmpi sgt, %or3A_147, %or3A_81 : vector<16xi32>
      %convert_element_type3A_564 = arith.extui %gt3A_563 : vector<16xi1> to vector<16xi32>
      %add3A_565 = arith.addi %add3A_562, %convert_element_type3A_564 : vector<16xi32>
      %gt3A_566 = arith.cmpi sgt, %or3A_158, %or3A_81 : vector<16xi32>
      %convert_element_type3A_567 = arith.extui %gt3A_566 : vector<16xi1> to vector<16xi32>
      %add3A_568 = arith.addi %add3A_565, %convert_element_type3A_567 : vector<16xi32>
      %gt3A_569 = arith.cmpi sgt, %or3A_169, %or3A_81 : vector<16xi32>
      %convert_element_type3A_570 = arith.extui %gt3A_569 : vector<16xi1> to vector<16xi32>
      %add3A_571 = arith.addi %add3A_568, %convert_element_type3A_570 : vector<16xi32>
      %gt3A_572 = arith.cmpi sgt, %or3A_180, %or3A_81 : vector<16xi32>
      %convert_element_type3A_573 = arith.extui %gt3A_572 : vector<16xi1> to vector<16xi32>
      %add3A_574 = arith.addi %add3A_571, %convert_element_type3A_573 : vector<16xi32>
      %lt3A_575 = arith.constant 8 : i32
      %lt3A_576 = vector.broadcast %lt3A_575 : i32 to vector<16xi32>
      %lt3A_577 = arith.cmpi slt, %add3A_574, %lt3A_576 : vector<16xi32>
      %jit3A_578 = arith.constant 0.000000e+00 : f32
      %jit3A_579 = arith.constant -1.000000e+30 : f32
      %broadcast_in_dim3A_580 = vector.broadcast %jit3A_578 : f32 to vector<16xf32>
      %broadcast_in_dim3A_581 = vector.broadcast %jit3A_579 : f32 to vector<16xf32>
      %select_n3A_582 = arith.select %lt3A_577, %broadcast_in_dim3A_580, %broadcast_in_dim3A_581 : vector<16xi1>, vector<16xf32>
      %add3A_583 = arith.constant 1536 : i32
      %add3A_584 = arith.addi %add3A_583, %mul3A_8 : i32
      %swap3A_585 = arith.index_cast %add3A_584 : i32 to index
      %swap3A_586 = tpu.vector_load %arg5[%swap3A_585] {strides = array<i32>} : memref<4096xf32, #tpu.memory_space<vmem>>, vector<16xf32>,
      tpu.vector_store %arg5[%swap3A_585], %select_n3A_582 {strides = array<i32>} : memref<4096xf32, #tpu.memory_space<vmem>>, vector<16xf32>,
      %gt3A_587 = arith.cmpi sgt, %or3A_15, %or3A_92 : vector<16xi32>
      %convert_element_type3A_588 = arith.extui %gt3A_587 : vector<16xi1> to vector<16xi32>
      %gt3A_589 = arith.cmpi sgt, %or3A_26, %or3A_92 : vector<16xi32>
      %convert_element_type3A_590 = arith.extui %gt3A_589 : vector<16xi1> to vector<16xi32>
      %add3A_591 = arith.addi %convert_element_type3A_588, %convert_element_type3A_590 : vector<16xi32>
      %gt3A_592 = arith.cmpi sgt, %or3A_37, %or3A_92 : vector<16xi32>
      %convert_element_type3A_593 = arith.extui %gt3A_592 : vector<16xi1> to vector<16xi32>
      %add3A_594 = arith.addi %add3A_591, %convert_element_type3A_593 : vector<16xi32>
      %gt3A_595 = arith.cmpi sgt, %or3A_48, %or3A_92 : vector<16xi32>
      %convert_element_type3A_596 = arith.extui %gt3A_595 : vector<16xi1> to vector<16xi32>
      %add3A_597 = arith.addi %add3A_594, %convert_element_type3A_596 : vector<16xi32>
      %gt3A_598 = arith.cmpi sgt, %or3A_59, %or3A_92 : vector<16xi32>
      %convert_element_type3A_599 = arith.extui %gt3A_598 : vector<16xi1> to vector<16xi32>
      %add3A_600 = arith.addi %add3A_597, %convert_element_type3A_599 : vector<16xi32>
      %gt3A_601 = arith.cmpi sgt, %or3A_70, %or3A_92 : vector<16xi32>
      %convert_element_type3A_602 = arith.extui %gt3A_601 : vector<16xi1> to vector<16xi32>
      %add3A_603 = arith.addi %add3A_600, %convert_element_type3A_602 : vector<16xi32>
      %gt3A_604 = arith.cmpi sgt, %or3A_81, %or3A_92 : vector<16xi32>
      %convert_element_type3A_605 = arith.extui %gt3A_604 : vector<16xi1> to vector<16xi32>
      %add3A_606 = arith.addi %add3A_603, %convert_element_type3A_605 : vector<16xi32>
      %gt3A_607 = arith.cmpi sgt, %or3A_92, %or3A_92 : vector<16xi32>
      %convert_element_type3A_608 = arith.extui %gt3A_607 : vector<16xi1> to vector<16xi32>
      %add3A_609 = arith.addi %add3A_606, %convert_element_type3A_608 : vector<16xi32>
      %gt3A_610 = arith.cmpi sgt, %or3A_103, %or3A_92 : vector<16xi32>
      %convert_element_type3A_611 = arith.extui %gt3A_610 : vector<16xi1> to vector<16xi32>
      %add3A_612 = arith.addi %add3A_609, %convert_element_type3A_611 : vector<16xi32>
      %gt3A_613 = arith.cmpi sgt, %or3A_114, %or3A_92 : vector<16xi32>
      %convert_element_type3A_614 = arith.extui %gt3A_613 : vector<16xi1> to vector<16xi32>
      %add3A_615 = arith.addi %add3A_612, %convert_element_type3A_614 : vector<16xi32>
      %gt3A_616 = arith.cmpi sgt, %or3A_125, %or3A_92 : vector<16xi32>
      %convert_element_type3A_617 = arith.extui %gt3A_616 : vector<16xi1> to vector<16xi32>
      %add3A_618 = arith.addi %add3A_615, %convert_element_type3A_617 : vector<16xi32>
      %gt3A_619 = arith.cmpi sgt, %or3A_136, %or3A_92 : vector<16xi32>
      %convert_element_type3A_620 = arith.extui %gt3A_619 : vector<16xi1> to vector<16xi32>
      %add3A_621 = arith.addi %add3A_618, %convert_element_type3A_620 : vector<16xi32>
      %gt3A_622 = arith.cmpi sgt, %or3A_147, %or3A_92 : vector<16xi32>
      %convert_element_type3A_623 = arith.extui %gt3A_622 : vector<16xi1> to vector<16xi32>
      %add3A_624 = arith.addi %add3A_621, %convert_element_type3A_623 : vector<16xi32>
      %gt3A_625 = arith.cmpi sgt, %or3A_158, %or3A_92 : vector<16xi32>
      %convert_element_type3A_626 = arith.extui %gt3A_625 : vector<16xi1> to vector<16xi32>
      %add3A_627 = arith.addi %add3A_624, %convert_element_type3A_626 : vector<16xi32>
      %gt3A_628 = arith.cmpi sgt, %or3A_169, %or3A_92 : vector<16xi32>
      %convert_element_type3A_629 = arith.extui %gt3A_628 : vector<16xi1> to vector<16xi32>
      %add3A_630 = arith.addi %add3A_627, %convert_element_type3A_629 : vector<16xi32>
      %gt3A_631 = arith.cmpi sgt, %or3A_180, %or3A_92 : vector<16xi32>
      %convert_element_type3A_632 = arith.extui %gt3A_631 : vector<16xi1> to vector<16xi32>
      %add3A_633 = arith.addi %add3A_630, %convert_element_type3A_632 : vector<16xi32>
      %lt3A_634 = arith.constant 8 : i32
      %lt3A_635 = vector.broadcast %lt3A_634 : i32 to vector<16xi32>
      %lt3A_636 = arith.cmpi slt, %add3A_633, %lt3A_635 : vector<16xi32>
      %jit3A_637 = arith.constant 0.000000e+00 : f32
      %jit3A_638 = arith.constant -1.000000e+30 : f32
      %broadcast_in_dim3A_639 = vector.broadcast %jit3A_637 : f32 to vector<16xf32>
      %broadcast_in_dim3A_640 = vector.broadcast %jit3A_638 : f32 to vector<16xf32>
      %select_n3A_641 = arith.select %lt3A_636, %broadcast_in_dim3A_639, %broadcast_in_dim3A_640 : vector<16xi1>, vector<16xf32>
      %add3A_642 = arith.constant 1792 : i32
      %add3A_643 = arith.addi %add3A_642, %mul3A_8 : i32
      %swap3A_644 = arith.index_cast %add3A_643 : i32 to index
      %swap3A_645 = tpu.vector_load %arg5[%swap3A_644] {strides = array<i32>} : memref<4096xf32, #tpu.memory_space<vmem>>, vector<16xf32>,
      tpu.vector_store %arg5[%swap3A_644], %select_n3A_641 {strides = array<i32>} : memref<4096xf32, #tpu.memory_space<vmem>>, vector<16xf32>,
      %gt3A_646 = arith.cmpi sgt, %or3A_15, %or3A_103 : vector<16xi32>
      %convert_element_type3A_647 = arith.extui %gt3A_646 : vector<16xi1> to vector<16xi32>
      %gt3A_648 = arith.cmpi sgt, %or3A_26, %or3A_103 : vector<16xi32>
      %convert_element_type3A_649 = arith.extui %gt3A_648 : vector<16xi1> to vector<16xi32>
      %add3A_650 = arith.addi %convert_element_type3A_647, %convert_element_type3A_649 : vector<16xi32>
      %gt3A_651 = arith.cmpi sgt, %or3A_37, %or3A_103 : vector<16xi32>
      %convert_element_type3A_652 = arith.extui %gt3A_651 : vector<16xi1> to vector<16xi32>
      %add3A_653 = arith.addi %add3A_650, %convert_element_type3A_652 : vector<16xi32>
      %gt3A_654 = arith.cmpi sgt, %or3A_48, %or3A_103 : vector<16xi32>
      %convert_element_type3A_655 = arith.extui %gt3A_654 : vector<16xi1> to vector<16xi32>
      %add3A_656 = arith.addi %add3A_653, %convert_element_type3A_655 : vector<16xi32>
      %gt3A_657 = arith.cmpi sgt, %or3A_59, %or3A_103 : vector<16xi32>
      %convert_element_type3A_658 = arith.extui %gt3A_657 : vector<16xi1> to vector<16xi32>
      %add3A_659 = arith.addi %add3A_656, %convert_element_type3A_658 : vector<16xi32>
      %gt3A_660 = arith.cmpi sgt, %or3A_70, %or3A_103 : vector<16xi32>
      %convert_element_type3A_661 = arith.extui %gt3A_660 : vector<16xi1> to vector<16xi32>
      %add3A_662 = arith.addi %add3A_659, %convert_element_type3A_661 : vector<16xi32>
      %gt3A_663 = arith.cmpi sgt, %or3A_81, %or3A_103 : vector<16xi32>
      %convert_element_type3A_664 = arith.extui %gt3A_663 : vector<16xi1> to vector<16xi32>
      %add3A_665 = arith.addi %add3A_662, %convert_element_type3A_664 : vector<16xi32>
      %gt3A_666 = arith.cmpi sgt, %or3A_92, %or3A_103 : vector<16xi32>
      %convert_element_type3A_667 = arith.extui %gt3A_666 : vector<16xi1> to vector<16xi32>
      %add3A_668 = arith.addi %add3A_665, %convert_element_type3A_667 : vector<16xi32>
      %gt3A_669 = arith.cmpi sgt, %or3A_103, %or3A_103 : vector<16xi32>
      %convert_element_type3A_670 = arith.extui %gt3A_669 : vector<16xi1> to vector<16xi32>
      %add3A_671 = arith.addi %add3A_668, %convert_element_type3A_670 : vector<16xi32>
      %gt3A_672 = arith.cmpi sgt, %or3A_114, %or3A_103 : vector<16xi32>
      %convert_element_type3A_673 = arith.extui %gt3A_672 : vector<16xi1> to vector<16xi32>
      %add3A_674 = arith.addi %add3A_671, %convert_element_type3A_673 : vector<16xi32>
      %gt3A_675 = arith.cmpi sgt, %or3A_125, %or3A_103 : vector<16xi32>
      %convert_element_type3A_676 = arith.extui %gt3A_675 : vector<16xi1> to vector<16xi32>
      %add3A_677 = arith.addi %add3A_674, %convert_element_type3A_676 : vector<16xi32>
      %gt3A_678 = arith.cmpi sgt, %or3A_136, %or3A_103 : vector<16xi32>
      %convert_element_type3A_679 = arith.extui %gt3A_678 : vector<16xi1> to vector<16xi32>
      %add3A_680 = arith.addi %add3A_677, %convert_element_type3A_679 : vector<16xi32>
      %gt3A_681 = arith.cmpi sgt, %or3A_147, %or3A_103 : vector<16xi32>
      %convert_element_type3A_682 = arith.extui %gt3A_681 : vector<16xi1> to vector<16xi32>
      %add3A_683 = arith.addi %add3A_680, %convert_element_type3A_682 : vector<16xi32>
      %gt3A_684 = arith.cmpi sgt, %or3A_158, %or3A_103 : vector<16xi32>
      %convert_element_type3A_685 = arith.extui %gt3A_684 : vector<16xi1> to vector<16xi32>
      %add3A_686 = arith.addi %add3A_683, %convert_element_type3A_685 : vector<16xi32>
      %gt3A_687 = arith.cmpi sgt, %or3A_169, %or3A_103 : vector<16xi32>
      %convert_element_type3A_688 = arith.extui %gt3A_687 : vector<16xi1> to vector<16xi32>
      %add3A_689 = arith.addi %add3A_686, %convert_element_type3A_688 : vector<16xi32>
      %gt3A_690 = arith.cmpi sgt, %or3A_180, %or3A_103 : vector<16xi32>
      %convert_element_type3A_691 = arith.extui %gt3A_690 : vector<16xi1> to vector<16xi32>
      %add3A_692 = arith.addi %add3A_689, %convert_element_type3A_691 : vector<16xi32>
      %lt3A_693 = arith.constant 8 : i32
      %lt3A_694 = vector.broadcast %lt3A_693 : i32 to vector<16xi32>
      %lt3A_695 = arith.cmpi slt, %add3A_692, %lt3A_694 : vector<16xi32>
      %jit3A_696 = arith.constant 0.000000e+00 : f32
      %jit3A_697 = arith.constant -1.000000e+30 : f32
      %broadcast_in_dim3A_698 = vector.broadcast %jit3A_696 : f32 to vector<16xf32>
      %broadcast_in_dim3A_699 = vector.broadcast %jit3A_697 : f32 to vector<16xf32>
      %select_n3A_700 = arith.select %lt3A_695, %broadcast_in_dim3A_698, %broadcast_in_dim3A_699 : vector<16xi1>, vector<16xf32>
      %add3A_701 = arith.constant 2048 : i32
      %add3A_702 = arith.addi %add3A_701, %mul3A_8 : i32
      %swap3A_703 = arith.index_cast %add3A_702 : i32 to index
      %swap3A_704 = tpu.vector_load %arg5[%swap3A_703] {strides = array<i32>} : memref<4096xf32, #tpu.memory_space<vmem>>, vector<16xf32>,
      tpu.vector_store %arg5[%swap3A_703], %select_n3A_700 {strides = array<i32>} : memref<4096xf32, #tpu.memory_space<vmem>>, vector<16xf32>,
      %gt3A_705 = arith.cmpi sgt, %or3A_15, %or3A_114 : vector<16xi32>
      %convert_element_type3A_706 = arith.extui %gt3A_705 : vector<16xi1> to vector<16xi32>
      %gt3A_707 = arith.cmpi sgt, %or3A_26, %or3A_114 : vector<16xi32>
      %convert_element_type3A_708 = arith.extui %gt3A_707 : vector<16xi1> to vector<16xi32>
      %add3A_709 = arith.addi %convert_element_type3A_706, %convert_element_type3A_708 : vector<16xi32>
      %gt3A_710 = arith.cmpi sgt, %or3A_37, %or3A_114 : vector<16xi32>
      %convert_element_type3A_711 = arith.extui %gt3A_710 : vector<16xi1> to vector<16xi32>
      %add3A_712 = arith.addi %add3A_709, %convert_element_type3A_711 : vector<16xi32>
      %gt3A_713 = arith.cmpi sgt, %or3A_48, %or3A_114 : vector<16xi32>
      %convert_element_type3A_714 = arith.extui %gt3A_713 : vector<16xi1> to vector<16xi32>
      %add3A_715 = arith.addi %add3A_712, %convert_element_type3A_714 : vector<16xi32>
      %gt3A_716 = arith.cmpi sgt, %or3A_59, %or3A_114 : vector<16xi32>
      %convert_element_type3A_717 = arith.extui %gt3A_716 : vector<16xi1> to vector<16xi32>
      %add3A_718 = arith.addi %add3A_715, %convert_element_type3A_717 : vector<16xi32>
      %gt3A_719 = arith.cmpi sgt, %or3A_70, %or3A_114 : vector<16xi32>
      %convert_element_type3A_720 = arith.extui %gt3A_719 : vector<16xi1> to vector<16xi32>
      %add3A_721 = arith.addi %add3A_718, %convert_element_type3A_720 : vector<16xi32>
      %gt3A_722 = arith.cmpi sgt, %or3A_81, %or3A_114 : vector<16xi32>
      %convert_element_type3A_723 = arith.extui %gt3A_722 : vector<16xi1> to vector<16xi32>
      %add3A_724 = arith.addi %add3A_721, %convert_element_type3A_723 : vector<16xi32>
      %gt3A_725 = arith.cmpi sgt, %or3A_92, %or3A_114 : vector<16xi32>
      %convert_element_type3A_726 = arith.extui %gt3A_725 : vector<16xi1> to vector<16xi32>
      %add3A_727 = arith.addi %add3A_724, %convert_element_type3A_726 : vector<16xi32>
      %gt3A_728 = arith.cmpi sgt, %or3A_103, %or3A_114 : vector<16xi32>
      %convert_element_type3A_729 = arith.extui %gt3A_728 : vector<16xi1> to vector<16xi32>
      %add3A_730 = arith.addi %add3A_727, %convert_element_type3A_729 : vector<16xi32>
      %gt3A_731 = arith.cmpi sgt, %or3A_114, %or3A_114 : vector<16xi32>
      %convert_element_type3A_732 = arith.extui %gt3A_731 : vector<16xi1> to vector<16xi32>
      %add3A_733 = arith.addi %add3A_730, %convert_element_type3A_732 : vector<16xi32>
      %gt3A_734 = arith.cmpi sgt, %or3A_125, %or3A_114 : vector<16xi32>
      %convert_element_type3A_735 = arith.extui %gt3A_734 : vector<16xi1> to vector<16xi32>
      %add3A_736 = arith.addi %add3A_733, %convert_element_type3A_735 : vector<16xi32>
      %gt3A_737 = arith.cmpi sgt, %or3A_136, %or3A_114 : vector<16xi32>
      %convert_element_type3A_738 = arith.extui %gt3A_737 : vector<16xi1> to vector<16xi32>
      %add3A_739 = arith.addi %add3A_736, %convert_element_type3A_738 : vector<16xi32>
      %gt3A_740 = arith.cmpi sgt, %or3A_147, %or3A_114 : vector<16xi32>
      %convert_element_type3A_741 = arith.extui %gt3A_740 : vector<16xi1> to vector<16xi32>
      %add3A_742 = arith.addi %add3A_739, %convert_element_type3A_741 : vector<16xi32>
      %gt3A_743 = arith.cmpi sgt, %or3A_158, %or3A_114 : vector<16xi32>
      %convert_element_type3A_744 = arith.extui %gt3A_743 : vector<16xi1> to vector<16xi32>
      %add3A_745 = arith.addi %add3A_742, %convert_element_type3A_744 : vector<16xi32>
      %gt3A_746 = arith.cmpi sgt, %or3A_169, %or3A_114 : vector<16xi32>
      %convert_element_type3A_747 = arith.extui %gt3A_746 : vector<16xi1> to vector<16xi32>
      %add3A_748 = arith.addi %add3A_745, %convert_element_type3A_747 : vector<16xi32>
      %gt3A_749 = arith.cmpi sgt, %or3A_180, %or3A_114 : vector<16xi32>
      %convert_element_type3A_750 = arith.extui %gt3A_749 : vector<16xi1> to vector<16xi32>
      %add3A_751 = arith.addi %add3A_748, %convert_element_type3A_750 : vector<16xi32>
      %lt3A_752 = arith.constant 8 : i32
      %lt3A_753 = vector.broadcast %lt3A_752 : i32 to vector<16xi32>
      %lt3A_754 = arith.cmpi slt, %add3A_751, %lt3A_753 : vector<16xi32>
      %jit3A_755 = arith.constant 0.000000e+00 : f32
      %jit3A_756 = arith.constant -1.000000e+30 : f32
      %broadcast_in_dim3A_757 = vector.broadcast %jit3A_755 : f32 to vector<16xf32>
      %broadcast_in_dim3A_758 = vector.broadcast %jit3A_756 : f32 to vector<16xf32>
      %select_n3A_759 = arith.select %lt3A_754, %broadcast_in_dim3A_757, %broadcast_in_dim3A_758 : vector<16xi1>, vector<16xf32>
      %add3A_760 = arith.constant 2304 : i32
      %add3A_761 = arith.addi %add3A_760, %mul3A_8 : i32
      %swap3A_762 = arith.index_cast %add3A_761 : i32 to index
      %swap3A_763 = tpu.vector_load %arg5[%swap3A_762] {strides = array<i32>} : memref<4096xf32, #tpu.memory_space<vmem>>, vector<16xf32>,
      tpu.vector_store %arg5[%swap3A_762], %select_n3A_759 {strides = array<i32>} : memref<4096xf32, #tpu.memory_space<vmem>>, vector<16xf32>,
      %gt3A_764 = arith.cmpi sgt, %or3A_15, %or3A_125 : vector<16xi32>
      %convert_element_type3A_765 = arith.extui %gt3A_764 : vector<16xi1> to vector<16xi32>
      %gt3A_766 = arith.cmpi sgt, %or3A_26, %or3A_125 : vector<16xi32>
      %convert_element_type3A_767 = arith.extui %gt3A_766 : vector<16xi1> to vector<16xi32>
      %add3A_768 = arith.addi %convert_element_type3A_765, %convert_element_type3A_767 : vector<16xi32>
      %gt3A_769 = arith.cmpi sgt, %or3A_37, %or3A_125 : vector<16xi32>
      %convert_element_type3A_770 = arith.extui %gt3A_769 : vector<16xi1> to vector<16xi32>
      %add3A_771 = arith.addi %add3A_768, %convert_element_type3A_770 : vector<16xi32>
      %gt3A_772 = arith.cmpi sgt, %or3A_48, %or3A_125 : vector<16xi32>
      %convert_element_type3A_773 = arith.extui %gt3A_772 : vector<16xi1> to vector<16xi32>
      %add3A_774 = arith.addi %add3A_771, %convert_element_type3A_773 : vector<16xi32>
      %gt3A_775 = arith.cmpi sgt, %or3A_59, %or3A_125 : vector<16xi32>
      %convert_element_type3A_776 = arith.extui %gt3A_775 : vector<16xi1> to vector<16xi32>
      %add3A_777 = arith.addi %add3A_774, %convert_element_type3A_776 : vector<16xi32>
      %gt3A_778 = arith.cmpi sgt, %or3A_70, %or3A_125 : vector<16xi32>
      %convert_element_type3A_779 = arith.extui %gt3A_778 : vector<16xi1> to vector<16xi32>
      %add3A_780 = arith.addi %add3A_777, %convert_element_type3A_779 : vector<16xi32>
      %gt3A_781 = arith.cmpi sgt, %or3A_81, %or3A_125 : vector<16xi32>
      %convert_element_type3A_782 = arith.extui %gt3A_781 : vector<16xi1> to vector<16xi32>
      %add3A_783 = arith.addi %add3A_780, %convert_element_type3A_782 : vector<16xi32>
      %gt3A_784 = arith.cmpi sgt, %or3A_92, %or3A_125 : vector<16xi32>
      %convert_element_type3A_785 = arith.extui %gt3A_784 : vector<16xi1> to vector<16xi32>
      %add3A_786 = arith.addi %add3A_783, %convert_element_type3A_785 : vector<16xi32>
      %gt3A_787 = arith.cmpi sgt, %or3A_103, %or3A_125 : vector<16xi32>
      %convert_element_type3A_788 = arith.extui %gt3A_787 : vector<16xi1> to vector<16xi32>
      %add3A_789 = arith.addi %add3A_786, %convert_element_type3A_788 : vector<16xi32>
      %gt3A_790 = arith.cmpi sgt, %or3A_114, %or3A_125 : vector<16xi32>
      %convert_element_type3A_791 = arith.extui %gt3A_790 : vector<16xi1> to vector<16xi32>
      %add3A_792 = arith.addi %add3A_789, %convert_element_type3A_791 : vector<16xi32>
      %gt3A_793 = arith.cmpi sgt, %or3A_125, %or3A_125 : vector<16xi32>
      %convert_element_type3A_794 = arith.extui %gt3A_793 : vector<16xi1> to vector<16xi32>
      %add3A_795 = arith.addi %add3A_792, %convert_element_type3A_794 : vector<16xi32>
      %gt3A_796 = arith.cmpi sgt, %or3A_136, %or3A_125 : vector<16xi32>
      %convert_element_type3A_797 = arith.extui %gt3A_796 : vector<16xi1> to vector<16xi32>
      %add3A_798 = arith.addi %add3A_795, %convert_element_type3A_797 : vector<16xi32>
      %gt3A_799 = arith.cmpi sgt, %or3A_147, %or3A_125 : vector<16xi32>
      %convert_element_type3A_800 = arith.extui %gt3A_799 : vector<16xi1> to vector<16xi32>
      %add3A_801 = arith.addi %add3A_798, %convert_element_type3A_800 : vector<16xi32>
      %gt3A_802 = arith.cmpi sgt, %or3A_158, %or3A_125 : vector<16xi32>
      %convert_element_type3A_803 = arith.extui %gt3A_802 : vector<16xi1> to vector<16xi32>
      %add3A_804 = arith.addi %add3A_801, %convert_element_type3A_803 : vector<16xi32>
      %gt3A_805 = arith.cmpi sgt, %or3A_169, %or3A_125 : vector<16xi32>
      %convert_element_type3A_806 = arith.extui %gt3A_805 : vector<16xi1> to vector<16xi32>
      %add3A_807 = arith.addi %add3A_804, %convert_element_type3A_806 : vector<16xi32>
      %gt3A_808 = arith.cmpi sgt, %or3A_180, %or3A_125 : vector<16xi32>
      %convert_element_type3A_809 = arith.extui %gt3A_808 : vector<16xi1> to vector<16xi32>
      %add3A_810 = arith.addi %add3A_807, %convert_element_type3A_809 : vector<16xi32>
      %lt3A_811 = arith.constant 8 : i32
      %lt3A_812 = vector.broadcast %lt3A_811 : i32 to vector<16xi32>
      %lt3A_813 = arith.cmpi slt, %add3A_810, %lt3A_812 : vector<16xi32>
      %jit3A_814 = arith.constant 0.000000e+00 : f32
      %jit3A_815 = arith.constant -1.000000e+30 : f32
      %broadcast_in_dim3A_816 = vector.broadcast %jit3A_814 : f32 to vector<16xf32>
      %broadcast_in_dim3A_817 = vector.broadcast %jit3A_815 : f32 to vector<16xf32>
      %select_n3A_818 = arith.select %lt3A_813, %broadcast_in_dim3A_816, %broadcast_in_dim3A_817 : vector<16xi1>, vector<16xf32>
      %add3A_819 = arith.constant 2560 : i32
      %add3A_820 = arith.addi %add3A_819, %mul3A_8 : i32
      %swap3A_821 = arith.index_cast %add3A_820 : i32 to index
      %swap3A_822 = tpu.vector_load %arg5[%swap3A_821] {strides = array<i32>} : memref<4096xf32, #tpu.memory_space<vmem>>, vector<16xf32>,
      tpu.vector_store %arg5[%swap3A_821], %select_n3A_818 {strides = array<i32>} : memref<4096xf32, #tpu.memory_space<vmem>>, vector<16xf32>,
      %gt3A_823 = arith.cmpi sgt, %or3A_15, %or3A_136 : vector<16xi32>
      %convert_element_type3A_824 = arith.extui %gt3A_823 : vector<16xi1> to vector<16xi32>
      %gt3A_825 = arith.cmpi sgt, %or3A_26, %or3A_136 : vector<16xi32>
      %convert_element_type3A_826 = arith.extui %gt3A_825 : vector<16xi1> to vector<16xi32>
      %add3A_827 = arith.addi %convert_element_type3A_824, %convert_element_type3A_826 : vector<16xi32>
      %gt3A_828 = arith.cmpi sgt, %or3A_37, %or3A_136 : vector<16xi32>
      %convert_element_type3A_829 = arith.extui %gt3A_828 : vector<16xi1> to vector<16xi32>
      %add3A_830 = arith.addi %add3A_827, %convert_element_type3A_829 : vector<16xi32>
      %gt3A_831 = arith.cmpi sgt, %or3A_48, %or3A_136 : vector<16xi32>
      %convert_element_type3A_832 = arith.extui %gt3A_831 : vector<16xi1> to vector<16xi32>
      %add3A_833 = arith.addi %add3A_830, %convert_element_type3A_832 : vector<16xi32>
      %gt3A_834 = arith.cmpi sgt, %or3A_59, %or3A_136 : vector<16xi32>
      %convert_element_type3A_835 = arith.extui %gt3A_834 : vector<16xi1> to vector<16xi32>
      %add3A_836 = arith.addi %add3A_833, %convert_element_type3A_835 : vector<16xi32>
      %gt3A_837 = arith.cmpi sgt, %or3A_70, %or3A_136 : vector<16xi32>
      %convert_element_type3A_838 = arith.extui %gt3A_837 : vector<16xi1> to vector<16xi32>
      %add3A_839 = arith.addi %add3A_836, %convert_element_type3A_838 : vector<16xi32>
      %gt3A_840 = arith.cmpi sgt, %or3A_81, %or3A_136 : vector<16xi32>
      %convert_element_type3A_841 = arith.extui %gt3A_840 : vector<16xi1> to vector<16xi32>
      %add3A_842 = arith.addi %add3A_839, %convert_element_type3A_841 : vector<16xi32>
      %gt3A_843 = arith.cmpi sgt, %or3A_92, %or3A_136 : vector<16xi32>
      %convert_element_type3A_844 = arith.extui %gt3A_843 : vector<16xi1> to vector<16xi32>
      %add3A_845 = arith.addi %add3A_842, %convert_element_type3A_844 : vector<16xi32>
      %gt3A_846 = arith.cmpi sgt, %or3A_103, %or3A_136 : vector<16xi32>
      %convert_element_type3A_847 = arith.extui %gt3A_846 : vector<16xi1> to vector<16xi32>
      %add3A_848 = arith.addi %add3A_845, %convert_element_type3A_847 : vector<16xi32>
      %gt3A_849 = arith.cmpi sgt, %or3A_114, %or3A_136 : vector<16xi32>
      %convert_element_type3A_850 = arith.extui %gt3A_849 : vector<16xi1> to vector<16xi32>
      %add3A_851 = arith.addi %add3A_848, %convert_element_type3A_850 : vector<16xi32>
      %gt3A_852 = arith.cmpi sgt, %or3A_125, %or3A_136 : vector<16xi32>
      %convert_element_type3A_853 = arith.extui %gt3A_852 : vector<16xi1> to vector<16xi32>
      %add3A_854 = arith.addi %add3A_851, %convert_element_type3A_853 : vector<16xi32>
      %gt3A_855 = arith.cmpi sgt, %or3A_136, %or3A_136 : vector<16xi32>
      %convert_element_type3A_856 = arith.extui %gt3A_855 : vector<16xi1> to vector<16xi32>
      %add3A_857 = arith.addi %add3A_854, %convert_element_type3A_856 : vector<16xi32>
      %gt3A_858 = arith.cmpi sgt, %or3A_147, %or3A_136 : vector<16xi32>
      %convert_element_type3A_859 = arith.extui %gt3A_858 : vector<16xi1> to vector<16xi32>
      %add3A_860 = arith.addi %add3A_857, %convert_element_type3A_859 : vector<16xi32>
      %gt3A_861 = arith.cmpi sgt, %or3A_158, %or3A_136 : vector<16xi32>
      %convert_element_type3A_862 = arith.extui %gt3A_861 : vector<16xi1> to vector<16xi32>
      %add3A_863 = arith.addi %add3A_860, %convert_element_type3A_862 : vector<16xi32>
      %gt3A_864 = arith.cmpi sgt, %or3A_169, %or3A_136 : vector<16xi32>
      %convert_element_type3A_865 = arith.extui %gt3A_864 : vector<16xi1> to vector<16xi32>
      %add3A_866 = arith.addi %add3A_863, %convert_element_type3A_865 : vector<16xi32>
      %gt3A_867 = arith.cmpi sgt, %or3A_180, %or3A_136 : vector<16xi32>
      %convert_element_type3A_868 = arith.extui %gt3A_867 : vector<16xi1> to vector<16xi32>
      %add3A_869 = arith.addi %add3A_866, %convert_element_type3A_868 : vector<16xi32>
      %lt3A_870 = arith.constant 8 : i32
      %lt3A_871 = vector.broadcast %lt3A_870 : i32 to vector<16xi32>
      %lt3A_872 = arith.cmpi slt, %add3A_869, %lt3A_871 : vector<16xi32>
      %jit3A_873 = arith.constant 0.000000e+00 : f32
      %jit3A_874 = arith.constant -1.000000e+30 : f32
      %broadcast_in_dim3A_875 = vector.broadcast %jit3A_873 : f32 to vector<16xf32>
      %broadcast_in_dim3A_876 = vector.broadcast %jit3A_874 : f32 to vector<16xf32>
      %select_n3A_877 = arith.select %lt3A_872, %broadcast_in_dim3A_875, %broadcast_in_dim3A_876 : vector<16xi1>, vector<16xf32>
      %add3A_878 = arith.constant 2816 : i32
      %add3A_879 = arith.addi %add3A_878, %mul3A_8 : i32
      %swap3A_880 = arith.index_cast %add3A_879 : i32 to index
      %swap3A_881 = tpu.vector_load %arg5[%swap3A_880] {strides = array<i32>} : memref<4096xf32, #tpu.memory_space<vmem>>, vector<16xf32>,
      tpu.vector_store %arg5[%swap3A_880], %select_n3A_877 {strides = array<i32>} : memref<4096xf32, #tpu.memory_space<vmem>>, vector<16xf32>,
      %gt3A_882 = arith.cmpi sgt, %or3A_15, %or3A_147 : vector<16xi32>
      %convert_element_type3A_883 = arith.extui %gt3A_882 : vector<16xi1> to vector<16xi32>
      %gt3A_884 = arith.cmpi sgt, %or3A_26, %or3A_147 : vector<16xi32>
      %convert_element_type3A_885 = arith.extui %gt3A_884 : vector<16xi1> to vector<16xi32>
      %add3A_886 = arith.addi %convert_element_type3A_883, %convert_element_type3A_885 : vector<16xi32>
      %gt3A_887 = arith.cmpi sgt, %or3A_37, %or3A_147 : vector<16xi32>
      %convert_element_type3A_888 = arith.extui %gt3A_887 : vector<16xi1> to vector<16xi32>
      %add3A_889 = arith.addi %add3A_886, %convert_element_type3A_888 : vector<16xi32>
      %gt3A_890 = arith.cmpi sgt, %or3A_48, %or3A_147 : vector<16xi32>
      %convert_element_type3A_891 = arith.extui %gt3A_890 : vector<16xi1> to vector<16xi32>
      %add3A_892 = arith.addi %add3A_889, %convert_element_type3A_891 : vector<16xi32>
      %gt3A_893 = arith.cmpi sgt, %or3A_59, %or3A_147 : vector<16xi32>
      %convert_element_type3A_894 = arith.extui %gt3A_893 : vector<16xi1> to vector<16xi32>
      %add3A_895 = arith.addi %add3A_892, %convert_element_type3A_894 : vector<16xi32>
      %gt3A_896 = arith.cmpi sgt, %or3A_70, %or3A_147 : vector<16xi32>
      %convert_element_type3A_897 = arith.extui %gt3A_896 : vector<16xi1> to vector<16xi32>
      %add3A_898 = arith.addi %add3A_895, %convert_element_type3A_897 : vector<16xi32>
      %gt3A_899 = arith.cmpi sgt, %or3A_81, %or3A_147 : vector<16xi32>
      %convert_element_type3A_900 = arith.extui %gt3A_899 : vector<16xi1> to vector<16xi32>
      %add3A_901 = arith.addi %add3A_898, %convert_element_type3A_900 : vector<16xi32>
      %gt3A_902 = arith.cmpi sgt, %or3A_92, %or3A_147 : vector<16xi32>
      %convert_element_type3A_903 = arith.extui %gt3A_902 : vector<16xi1> to vector<16xi32>
      %add3A_904 = arith.addi %add3A_901, %convert_element_type3A_903 : vector<16xi32>
      %gt3A_905 = arith.cmpi sgt, %or3A_103, %or3A_147 : vector<16xi32>
      %convert_element_type3A_906 = arith.extui %gt3A_905 : vector<16xi1> to vector<16xi32>
      %add3A_907 = arith.addi %add3A_904, %convert_element_type3A_906 : vector<16xi32>
      %gt3A_908 = arith.cmpi sgt, %or3A_114, %or3A_147 : vector<16xi32>
      %convert_element_type3A_909 = arith.extui %gt3A_908 : vector<16xi1> to vector<16xi32>
      %add3A_910 = arith.addi %add3A_907, %convert_element_type3A_909 : vector<16xi32>
      %gt3A_911 = arith.cmpi sgt, %or3A_125, %or3A_147 : vector<16xi32>
      %convert_element_type3A_912 = arith.extui %gt3A_911 : vector<16xi1> to vector<16xi32>
      %add3A_913 = arith.addi %add3A_910, %convert_element_type3A_912 : vector<16xi32>
      %gt3A_914 = arith.cmpi sgt, %or3A_136, %or3A_147 : vector<16xi32>
      %convert_element_type3A_915 = arith.extui %gt3A_914 : vector<16xi1> to vector<16xi32>
      %add3A_916 = arith.addi %add3A_913, %convert_element_type3A_915 : vector<16xi32>
      %gt3A_917 = arith.cmpi sgt, %or3A_147, %or3A_147 : vector<16xi32>
      %convert_element_type3A_918 = arith.extui %gt3A_917 : vector<16xi1> to vector<16xi32>
      %add3A_919 = arith.addi %add3A_916, %convert_element_type3A_918 : vector<16xi32>
      %gt3A_920 = arith.cmpi sgt, %or3A_158, %or3A_147 : vector<16xi32>
      %convert_element_type3A_921 = arith.extui %gt3A_920 : vector<16xi1> to vector<16xi32>
      %add3A_922 = arith.addi %add3A_919, %convert_element_type3A_921 : vector<16xi32>
      %gt3A_923 = arith.cmpi sgt, %or3A_169, %or3A_147 : vector<16xi32>
      %convert_element_type3A_924 = arith.extui %gt3A_923 : vector<16xi1> to vector<16xi32>
      %add3A_925 = arith.addi %add3A_922, %convert_element_type3A_924 : vector<16xi32>
      %gt3A_926 = arith.cmpi sgt, %or3A_180, %or3A_147 : vector<16xi32>
      %convert_element_type3A_927 = arith.extui %gt3A_926 : vector<16xi1> to vector<16xi32>
      %add3A_928 = arith.addi %add3A_925, %convert_element_type3A_927 : vector<16xi32>
      %lt3A_929 = arith.constant 8 : i32
      %lt3A_930 = vector.broadcast %lt3A_929 : i32 to vector<16xi32>
      %lt3A_931 = arith.cmpi slt, %add3A_928, %lt3A_930 : vector<16xi32>
      %jit3A_932 = arith.constant 0.000000e+00 : f32
      %jit3A_933 = arith.constant -1.000000e+30 : f32
      %broadcast_in_dim3A_934 = vector.broadcast %jit3A_932 : f32 to vector<16xf32>
      %broadcast_in_dim3A_935 = vector.broadcast %jit3A_933 : f32 to vector<16xf32>
      %select_n3A_936 = arith.select %lt3A_931, %broadcast_in_dim3A_934, %broadcast_in_dim3A_935 : vector<16xi1>, vector<16xf32>
      %add3A_937 = arith.constant 3072 : i32
      %add3A_938 = arith.addi %add3A_937, %mul3A_8 : i32
      %swap3A_939 = arith.index_cast %add3A_938 : i32 to index
      %swap3A_940 = tpu.vector_load %arg5[%swap3A_939] {strides = array<i32>} : memref<4096xf32, #tpu.memory_space<vmem>>, vector<16xf32>,
      tpu.vector_store %arg5[%swap3A_939], %select_n3A_936 {strides = array<i32>} : memref<4096xf32, #tpu.memory_space<vmem>>, vector<16xf32>,
      %gt3A_941 = arith.cmpi sgt, %or3A_15, %or3A_158 : vector<16xi32>
      %convert_element_type3A_942 = arith.extui %gt3A_941 : vector<16xi1> to vector<16xi32>
      %gt3A_943 = arith.cmpi sgt, %or3A_26, %or3A_158 : vector<16xi32>
      %convert_element_type3A_944 = arith.extui %gt3A_943 : vector<16xi1> to vector<16xi32>
      %add3A_945 = arith.addi %convert_element_type3A_942, %convert_element_type3A_944 : vector<16xi32>
      %gt3A_946 = arith.cmpi sgt, %or3A_37, %or3A_158 : vector<16xi32>
      %convert_element_type3A_947 = arith.extui %gt3A_946 : vector<16xi1> to vector<16xi32>
      %add3A_948 = arith.addi %add3A_945, %convert_element_type3A_947 : vector<16xi32>
      %gt3A_949 = arith.cmpi sgt, %or3A_48, %or3A_158 : vector<16xi32>
      %convert_element_type3A_950 = arith.extui %gt3A_949 : vector<16xi1> to vector<16xi32>
      %add3A_951 = arith.addi %add3A_948, %convert_element_type3A_950 : vector<16xi32>
      %gt3A_952 = arith.cmpi sgt, %or3A_59, %or3A_158 : vector<16xi32>
      %convert_element_type3A_953 = arith.extui %gt3A_952 : vector<16xi1> to vector<16xi32>
      %add3A_954 = arith.addi %add3A_951, %convert_element_type3A_953 : vector<16xi32>
      %gt3A_955 = arith.cmpi sgt, %or3A_70, %or3A_158 : vector<16xi32>
      %convert_element_type3A_956 = arith.extui %gt3A_955 : vector<16xi1> to vector<16xi32>
      %add3A_957 = arith.addi %add3A_954, %convert_element_type3A_956 : vector<16xi32>
      %gt3A_958 = arith.cmpi sgt, %or3A_81, %or3A_158 : vector<16xi32>
      %convert_element_type3A_959 = arith.extui %gt3A_958 : vector<16xi1> to vector<16xi32>
      %add3A_960 = arith.addi %add3A_957, %convert_element_type3A_959 : vector<16xi32>
      %gt3A_961 = arith.cmpi sgt, %or3A_92, %or3A_158 : vector<16xi32>
      %convert_element_type3A_962 = arith.extui %gt3A_961 : vector<16xi1> to vector<16xi32>
      %add3A_963 = arith.addi %add3A_960, %convert_element_type3A_962 : vector<16xi32>
      %gt3A_964 = arith.cmpi sgt, %or3A_103, %or3A_158 : vector<16xi32>
      %convert_element_type3A_965 = arith.extui %gt3A_964 : vector<16xi1> to vector<16xi32>
      %add3A_966 = arith.addi %add3A_963, %convert_element_type3A_965 : vector<16xi32>
      %gt3A_967 = arith.cmpi sgt, %or3A_114, %or3A_158 : vector<16xi32>
      %convert_element_type3A_968 = arith.extui %gt3A_967 : vector<16xi1> to vector<16xi32>
      %add3A_969 = arith.addi %add3A_966, %convert_element_type3A_968 : vector<16xi32>
      %gt3A_970 = arith.cmpi sgt, %or3A_125, %or3A_158 : vector<16xi32>
      %convert_element_type3A_971 = arith.extui %gt3A_970 : vector<16xi1> to vector<16xi32>
      %add3A_972 = arith.addi %add3A_969, %convert_element_type3A_971 : vector<16xi32>
      %gt3A_973 = arith.cmpi sgt, %or3A_136, %or3A_158 : vector<16xi32>
      %convert_element_type3A_974 = arith.extui %gt3A_973 : vector<16xi1> to vector<16xi32>
      %add3A_975 = arith.addi %add3A_972, %convert_element_type3A_974 : vector<16xi32>
      %gt3A_976 = arith.cmpi sgt, %or3A_147, %or3A_158 : vector<16xi32>
      %convert_element_type3A_977 = arith.extui %gt3A_976 : vector<16xi1> to vector<16xi32>
      %add3A_978 = arith.addi %add3A_975, %convert_element_type3A_977 : vector<16xi32>
      %gt3A_979 = arith.cmpi sgt, %or3A_158, %or3A_158 : vector<16xi32>
      %convert_element_type3A_980 = arith.extui %gt3A_979 : vector<16xi1> to vector<16xi32>
      %add3A_981 = arith.addi %add3A_978, %convert_element_type3A_980 : vector<16xi32>
      %gt3A_982 = arith.cmpi sgt, %or3A_169, %or3A_158 : vector<16xi32>
      %convert_element_type3A_983 = arith.extui %gt3A_982 : vector<16xi1> to vector<16xi32>
      %add3A_984 = arith.addi %add3A_981, %convert_element_type3A_983 : vector<16xi32>
      %gt3A_985 = arith.cmpi sgt, %or3A_180, %or3A_158 : vector<16xi32>
      %convert_element_type3A_986 = arith.extui %gt3A_985 : vector<16xi1> to vector<16xi32>
      %add3A_987 = arith.addi %add3A_984, %convert_element_type3A_986 : vector<16xi32>
      %lt3A_988 = arith.constant 8 : i32
      %lt3A_989 = vector.broadcast %lt3A_988 : i32 to vector<16xi32>
      %lt3A_990 = arith.cmpi slt, %add3A_987, %lt3A_989 : vector<16xi32>
      %jit3A_991 = arith.constant 0.000000e+00 : f32
      %jit3A_992 = arith.constant -1.000000e+30 : f32
      %broadcast_in_dim3A_993 = vector.broadcast %jit3A_991 : f32 to vector<16xf32>
      %broadcast_in_dim3A_994 = vector.broadcast %jit3A_992 : f32 to vector<16xf32>
      %select_n3A_995 = arith.select %lt3A_990, %broadcast_in_dim3A_993, %broadcast_in_dim3A_994 : vector<16xi1>, vector<16xf32>
      %add3A_996 = arith.constant 3328 : i32
      %add3A_997 = arith.addi %add3A_996, %mul3A_8 : i32
      %swap3A_998 = arith.index_cast %add3A_997 : i32 to index
      %swap3A_999 = tpu.vector_load %arg5[%swap3A_998] {strides = array<i32>} : memref<4096xf32, #tpu.memory_space<vmem>>, vector<16xf32>,
      tpu.vector_store %arg5[%swap3A_998], %select_n3A_995 {strides = array<i32>} : memref<4096xf32, #tpu.memory_space<vmem>>, vector<16xf32>,
      %gt3A_1000 = arith.cmpi sgt, %or3A_15, %or3A_169 : vector<16xi32>
      %convert_element_type3A_1001 = arith.extui %gt3A_1000 : vector<16xi1> to vector<16xi32>
      %gt3A_1002 = arith.cmpi sgt, %or3A_26, %or3A_169 : vector<16xi32>
      %convert_element_type3A_1003 = arith.extui %gt3A_1002 : vector<16xi1> to vector<16xi32>
      %add3A_1004 = arith.addi %convert_element_type3A_1001, %convert_element_type3A_1003 : vector<16xi32>
      %gt3A_1005 = arith.cmpi sgt, %or3A_37, %or3A_169 : vector<16xi32>
      %convert_element_type3A_1006 = arith.extui %gt3A_1005 : vector<16xi1> to vector<16xi32>
      %add3A_1007 = arith.addi %add3A_1004, %convert_element_type3A_1006 : vector<16xi32>
      %gt3A_1008 = arith.cmpi sgt, %or3A_48, %or3A_169 : vector<16xi32>
      %convert_element_type3A_1009 = arith.extui %gt3A_1008 : vector<16xi1> to vector<16xi32>
      %add3A_1010 = arith.addi %add3A_1007, %convert_element_type3A_1009 : vector<16xi32>
      %gt3A_1011 = arith.cmpi sgt, %or3A_59, %or3A_169 : vector<16xi32>
      %convert_element_type3A_1012 = arith.extui %gt3A_1011 : vector<16xi1> to vector<16xi32>
      %add3A_1013 = arith.addi %add3A_1010, %convert_element_type3A_1012 : vector<16xi32>
      %gt3A_1014 = arith.cmpi sgt, %or3A_70, %or3A_169 : vector<16xi32>
      %convert_element_type3A_1015 = arith.extui %gt3A_1014 : vector<16xi1> to vector<16xi32>
      %add3A_1016 = arith.addi %add3A_1013, %convert_element_type3A_1015 : vector<16xi32>
      %gt3A_1017 = arith.cmpi sgt, %or3A_81, %or3A_169 : vector<16xi32>
      %convert_element_type3A_1018 = arith.extui %gt3A_1017 : vector<16xi1> to vector<16xi32>
      %add3A_1019 = arith.addi %add3A_1016, %convert_element_type3A_1018 : vector<16xi32>
      %gt3A_1020 = arith.cmpi sgt, %or3A_92, %or3A_169 : vector<16xi32>
      %convert_element_type3A_1021 = arith.extui %gt3A_1020 : vector<16xi1> to vector<16xi32>
      %add3A_1022 = arith.addi %add3A_1019, %convert_element_type3A_1021 : vector<16xi32>
      %gt3A_1023 = arith.cmpi sgt, %or3A_103, %or3A_169 : vector<16xi32>
      %convert_element_type3A_1024 = arith.extui %gt3A_1023 : vector<16xi1> to vector<16xi32>
      %add3A_1025 = arith.addi %add3A_1022, %convert_element_type3A_1024 : vector<16xi32>
      %gt3A_1026 = arith.cmpi sgt, %or3A_114, %or3A_169 : vector<16xi32>
      %convert_element_type3A_1027 = arith.extui %gt3A_1026 : vector<16xi1> to vector<16xi32>
      %add3A_1028 = arith.addi %add3A_1025, %convert_element_type3A_1027 : vector<16xi32>
      %gt3A_1029 = arith.cmpi sgt, %or3A_125, %or3A_169 : vector<16xi32>
      %convert_element_type3A_1030 = arith.extui %gt3A_1029 : vector<16xi1> to vector<16xi32>
      %add3A_1031 = arith.addi %add3A_1028, %convert_element_type3A_1030 : vector<16xi32>
      %gt3A_1032 = arith.cmpi sgt, %or3A_136, %or3A_169 : vector<16xi32>
      %convert_element_type3A_1033 = arith.extui %gt3A_1032 : vector<16xi1> to vector<16xi32>
      %add3A_1034 = arith.addi %add3A_1031, %convert_element_type3A_1033 : vector<16xi32>
      %gt3A_1035 = arith.cmpi sgt, %or3A_147, %or3A_169 : vector<16xi32>
      %convert_element_type3A_1036 = arith.extui %gt3A_1035 : vector<16xi1> to vector<16xi32>
      %add3A_1037 = arith.addi %add3A_1034, %convert_element_type3A_1036 : vector<16xi32>
      %gt3A_1038 = arith.cmpi sgt, %or3A_158, %or3A_169 : vector<16xi32>
      %convert_element_type3A_1039 = arith.extui %gt3A_1038 : vector<16xi1> to vector<16xi32>
      %add3A_1040 = arith.addi %add3A_1037, %convert_element_type3A_1039 : vector<16xi32>
      %gt3A_1041 = arith.cmpi sgt, %or3A_169, %or3A_169 : vector<16xi32>
      %convert_element_type3A_1042 = arith.extui %gt3A_1041 : vector<16xi1> to vector<16xi32>
      %add3A_1043 = arith.addi %add3A_1040, %convert_element_type3A_1042 : vector<16xi32>
      %gt3A_1044 = arith.cmpi sgt, %or3A_180, %or3A_169 : vector<16xi32>
      %convert_element_type3A_1045 = arith.extui %gt3A_1044 : vector<16xi1> to vector<16xi32>
      %add3A_1046 = arith.addi %add3A_1043, %convert_element_type3A_1045 : vector<16xi32>
      %lt3A_1047 = arith.constant 8 : i32
      %lt3A_1048 = vector.broadcast %lt3A_1047 : i32 to vector<16xi32>
      %lt3A_1049 = arith.cmpi slt, %add3A_1046, %lt3A_1048 : vector<16xi32>
      %jit3A_1050 = arith.constant 0.000000e+00 : f32
      %jit3A_1051 = arith.constant -1.000000e+30 : f32
      %broadcast_in_dim3A_1052 = vector.broadcast %jit3A_1050 : f32 to vector<16xf32>
      %broadcast_in_dim3A_1053 = vector.broadcast %jit3A_1051 : f32 to vector<16xf32>
      %select_n3A_1054 = arith.select %lt3A_1049, %broadcast_in_dim3A_1052, %broadcast_in_dim3A_1053 : vector<16xi1>, vector<16xf32>
      %add3A_1055 = arith.constant 3584 : i32
      %add3A_1056 = arith.addi %add3A_1055, %mul3A_8 : i32
      %swap3A_1057 = arith.index_cast %add3A_1056 : i32 to index
      %swap3A_1058 = tpu.vector_load %arg5[%swap3A_1057] {strides = array<i32>} : memref<4096xf32, #tpu.memory_space<vmem>>, vector<16xf32>,
      tpu.vector_store %arg5[%swap3A_1057], %select_n3A_1054 {strides = array<i32>} : memref<4096xf32, #tpu.memory_space<vmem>>, vector<16xf32>,
      %gt3A_1059 = arith.cmpi sgt, %or3A_15, %or3A_180 : vector<16xi32>
      %convert_element_type3A_1060 = arith.extui %gt3A_1059 : vector<16xi1> to vector<16xi32>
      %gt3A_1061 = arith.cmpi sgt, %or3A_26, %or3A_180 : vector<16xi32>
      %convert_element_type3A_1062 = arith.extui %gt3A_1061 : vector<16xi1> to vector<16xi32>
      %add3A_1063 = arith.addi %convert_element_type3A_1060, %convert_element_type3A_1062 : vector<16xi32>
      %gt3A_1064 = arith.cmpi sgt, %or3A_37, %or3A_180 : vector<16xi32>
      %convert_element_type3A_1065 = arith.extui %gt3A_1064 : vector<16xi1> to vector<16xi32>
      %add3A_1066 = arith.addi %add3A_1063, %convert_element_type3A_1065 : vector<16xi32>
      %gt3A_1067 = arith.cmpi sgt, %or3A_48, %or3A_180 : vector<16xi32>
      %convert_element_type3A_1068 = arith.extui %gt3A_1067 : vector<16xi1> to vector<16xi32>
      %add3A_1069 = arith.addi %add3A_1066, %convert_element_type3A_1068 : vector<16xi32>
      %gt3A_1070 = arith.cmpi sgt, %or3A_59, %or3A_180 : vector<16xi32>
      %convert_element_type3A_1071 = arith.extui %gt3A_1070 : vector<16xi1> to vector<16xi32>
      %add3A_1072 = arith.addi %add3A_1069, %convert_element_type3A_1071 : vector<16xi32>
      %gt3A_1073 = arith.cmpi sgt, %or3A_70, %or3A_180 : vector<16xi32>
      %convert_element_type3A_1074 = arith.extui %gt3A_1073 : vector<16xi1> to vector<16xi32>
      %add3A_1075 = arith.addi %add3A_1072, %convert_element_type3A_1074 : vector<16xi32>
      %gt3A_1076 = arith.cmpi sgt, %or3A_81, %or3A_180 : vector<16xi32>
      %convert_element_type3A_1077 = arith.extui %gt3A_1076 : vector<16xi1> to vector<16xi32>
      %add3A_1078 = arith.addi %add3A_1075, %convert_element_type3A_1077 : vector<16xi32>
      %gt3A_1079 = arith.cmpi sgt, %or3A_92, %or3A_180 : vector<16xi32>
      %convert_element_type3A_1080 = arith.extui %gt3A_1079 : vector<16xi1> to vector<16xi32>
      %add3A_1081 = arith.addi %add3A_1078, %convert_element_type3A_1080 : vector<16xi32>
      %gt3A_1082 = arith.cmpi sgt, %or3A_103, %or3A_180 : vector<16xi32>
      %convert_element_type3A_1083 = arith.extui %gt3A_1082 : vector<16xi1> to vector<16xi32>
      %add3A_1084 = arith.addi %add3A_1081, %convert_element_type3A_1083 : vector<16xi32>
      %gt3A_1085 = arith.cmpi sgt, %or3A_114, %or3A_180 : vector<16xi32>
      %convert_element_type3A_1086 = arith.extui %gt3A_1085 : vector<16xi1> to vector<16xi32>
      %add3A_1087 = arith.addi %add3A_1084, %convert_element_type3A_1086 : vector<16xi32>
      %gt3A_1088 = arith.cmpi sgt, %or3A_125, %or3A_180 : vector<16xi32>
      %convert_element_type3A_1089 = arith.extui %gt3A_1088 : vector<16xi1> to vector<16xi32>
      %add3A_1090 = arith.addi %add3A_1087, %convert_element_type3A_1089 : vector<16xi32>
      %gt3A_1091 = arith.cmpi sgt, %or3A_136, %or3A_180 : vector<16xi32>
      %convert_element_type3A_1092 = arith.extui %gt3A_1091 : vector<16xi1> to vector<16xi32>
      %add3A_1093 = arith.addi %add3A_1090, %convert_element_type3A_1092 : vector<16xi32>
      %gt3A_1094 = arith.cmpi sgt, %or3A_147, %or3A_180 : vector<16xi32>
      %convert_element_type3A_1095 = arith.extui %gt3A_1094 : vector<16xi1> to vector<16xi32>
      %add3A_1096 = arith.addi %add3A_1093, %convert_element_type3A_1095 : vector<16xi32>
      %gt3A_1097 = arith.cmpi sgt, %or3A_158, %or3A_180 : vector<16xi32>
      %convert_element_type3A_1098 = arith.extui %gt3A_1097 : vector<16xi1> to vector<16xi32>
      %add3A_1099 = arith.addi %add3A_1096, %convert_element_type3A_1098 : vector<16xi32>
      %gt3A_1100 = arith.cmpi sgt, %or3A_169, %or3A_180 : vector<16xi32>
      %convert_element_type3A_1101 = arith.extui %gt3A_1100 : vector<16xi1> to vector<16xi32>
      %add3A_1102 = arith.addi %add3A_1099, %convert_element_type3A_1101 : vector<16xi32>
      %gt3A_1103 = arith.cmpi sgt, %or3A_180, %or3A_180 : vector<16xi32>
      %convert_element_type3A_1104 = arith.extui %gt3A_1103 : vector<16xi1> to vector<16xi32>
      %add3A_1105 = arith.addi %add3A_1102, %convert_element_type3A_1104 : vector<16xi32>
      %lt3A_1106 = arith.constant 8 : i32
      %lt3A_1107 = vector.broadcast %lt3A_1106 : i32 to vector<16xi32>
      %lt3A_1108 = arith.cmpi slt, %add3A_1105, %lt3A_1107 : vector<16xi32>
      %jit3A_1109 = arith.constant 0.000000e+00 : f32
      %jit3A_1110 = arith.constant -1.000000e+30 : f32
      %broadcast_in_dim3A_1111 = vector.broadcast %jit3A_1109 : f32 to vector<16xf32>
      %broadcast_in_dim3A_1112 = vector.broadcast %jit3A_1110 : f32 to vector<16xf32>
      %select_n3A_1113 = arith.select %lt3A_1108, %broadcast_in_dim3A_1111, %broadcast_in_dim3A_1112 : vector<16xi1>, vector<16xf32>
      %add3A_1114 = arith.constant 3840 : i32
      %add3A_1115 = arith.addi %add3A_1114, %mul3A_8 : i32
      %swap3A_1116 = arith.index_cast %add3A_1115 : i32 to index
      %swap3A_1117 = tpu.vector_load %arg5[%swap3A_1116] {strides = array<i32>} : memref<4096xf32, #tpu.memory_space<vmem>>, vector<16xf32>,
      tpu.vector_store %arg5[%swap3A_1116], %select_n3A_1113 {strides = array<i32>} : memref<4096xf32, #tpu.memory_space<vmem>>, vector<16xf32>,
    }
    %scan3A_5 = arith.constant 16 : i32
    "tpu.region"() ({
      %run_scoped3A = tpu.sem_alloc : memref<!tpu.dma_semaphore, #tpu.memory_space<semaphore_mem>>
      %dma_start3A = arith.constant 0 : i32
      %dma_start3A_6 = tpu.memref_slice %arg3[%add3A, %dma_start3A] : memref<32x4096xf32, #tpu.memory_space<hbm>> -> memref<1x4096xf32, #tpu.memory_space<hbm>>
      %dma_start3A_7 = tpu.memref_squeeze %dma_start3A_6 : memref<1x4096xf32, #tpu.memory_space<hbm>> -> memref<4096xf32, #tpu.memory_space<hbm>>
      %dma_start3A_8 = arith.constant 0 : i32
      %dma_start3A_9 = tpu.memref_slice %arg3[%add3A, %dma_start3A_8] : memref<32x4096xf32, #tpu.memory_space<hbm>> -> memref<1x4096xf32, #tpu.memory_space<hbm>>
      %dma_start3A_10 = tpu.memref_squeeze %dma_start3A_9 : memref<1x4096xf32, #tpu.memory_space<hbm>> -> memref<4096xf32, #tpu.memory_space<hbm>>
      tpu.enqueue_dma source(%arg5 : memref<4096xf32, #tpu.memory_space<vmem>>) target(%dma_start3A_10 : memref<4096xf32, #tpu.memory_space<hbm>>) target_semaphore(%run_scoped3A : memref<!tpu.dma_semaphore, #tpu.memory_space<semaphore_mem>>)
      %dma_wait3A = arith.constant 0 : i32
      %dma_wait3A_11 = tpu.memref_slice %arg3[%add3A, %dma_wait3A] : memref<32x4096xf32, #tpu.memory_space<hbm>> -> memref<1x4096xf32, #tpu.memory_space<hbm>>
      %dma_wait3A_12 = tpu.memref_squeeze %dma_wait3A_11 : memref<1x4096xf32, #tpu.memory_space<hbm>> -> memref<4096xf32, #tpu.memory_space<hbm>>
      %dma_wait3A_13 = arith.constant 0 : i32
      %dma_wait3A_14 = tpu.memref_slice %arg3[%add3A, %dma_wait3A_13] : memref<32x4096xf32, #tpu.memory_space<hbm>> -> memref<1x4096xf32, #tpu.memory_space<hbm>>
      %dma_wait3A_15 = tpu.memref_squeeze %dma_wait3A_14 : memref<1x4096xf32, #tpu.memory_space<hbm>> -> memref<4096xf32, #tpu.memory_space<hbm>>
      tpu.wait_dma2 semaphore(%run_scoped3A : memref<!tpu.dma_semaphore, #tpu.memory_space<semaphore_mem>>) src(%arg5 : memref<4096xf32, #tpu.memory_space<vmem>>) dst(%dma_wait3A_15 : memref<4096xf32, #tpu.memory_space<hbm>>)
      tpu.yield
    }) : () -> ()
    return
  }
}

module attributes {stable_mosaic.version = 14 : i64} {
  func.func @_prep_kernel(%arg0: memref<768x256xf32, #tpu.memory_space<vmem>>, %arg1: memref<256x1024xf32, #tpu.memory_space<vmem>>, %arg2: memref<1x1024xf32, #tpu.memory_space<vmem>>, %arg3: memref<1024x769xf32, #tpu.memory_space<vmem>>, %arg4: memref<512x1024xbf16, #tpu.memory_space<vmem>>, %arg5: memref<256x1024xbf16, #tpu.memory_space<vmem>>, %arg6: memref<1024x768xbf16, #tpu.memory_space<vmem>>, %arg7: memref<1024x128xbf16, #tpu.memory_space<vmem>>) attributes {dimension_semantics = [], scalar_prefetch = 0 : i64, scratch_operands = 0 : i64, tpu.core_type = #tpu.core_type<tc>} {
    %get3A = arith.constant 0 : index
    %get3A_0 = arith.constant 0 : index
    %get3A_1 = vector.load %arg0[%get3A, %get3A_0] : memref<768x256xf32, #tpu.memory_space<vmem>>, vector<768x256xf32>
    %get3A_2 = arith.constant 0 : index
    %get3A_3 = arith.constant 0 : index
    %get3A_4 = vector.load %arg1[%get3A_2, %get3A_3] : memref<256x1024xf32, #tpu.memory_space<vmem>>, vector<256x1024xf32>
    %dot_general3A = arith.constant dense<0.000000e+00> : vector<768x1024xf32>
    %dot_general3A_5 = tpu.matmul %get3A_1, %get3A_4, %dot_general3A {dimension_numbers = #tpu.dot_dimension_numbers<[1], [0], [0], [1], [0, 0, 1, 1], [], []>, precision = #tpu.contract_precision<fp32>, transpose_lhs_hint = false} : vector<768x256xf32>, vector<256x1024xf32>, vector<768x1024xf32> -> vector<768x1024xf32>
    %slice3A = vector.extract_strided_slice %dot_general3A_5 {offsets = [0, 0], sizes = [512, 1024], strides = [1, 1]} : vector<768x1024xf32> to vector<512x1024xf32>
    %convert_element_type3A = arith.truncf %slice3A : vector<512x1024xf32> to vector<512x1024xbf16>
    %swap3A = arith.constant 0 : index
    %swap3A_6 = arith.constant 0 : index
    %swap3A_7 = vector.load %arg4[%swap3A, %swap3A_6] : memref<512x1024xbf16, #tpu.memory_space<vmem>>, vector<512x1024xbf16>
    tpu.vector_store %arg4[%swap3A, %swap3A_6], %convert_element_type3A {strides = array<i32>} : memref<512x1024xbf16, #tpu.memory_space<vmem>>, vector<512x1024xbf16>,
    %slice3A_8 = vector.extract_strided_slice %dot_general3A_5 {offsets = [512, 0], sizes = [256, 1024], strides = [1, 1]} : vector<768x1024xf32> to vector<256x1024xf32>
    %get3A_9 = arith.constant 0 : index
    %get3A_10 = arith.constant 0 : index
    %get3A_11 = vector.load %arg2[%get3A_9, %get3A_10] : memref<1x1024xf32, #tpu.memory_space<vmem>>, vector<1x1024xf32>
    %add3A = vector.broadcast %get3A_11 : vector<1x1024xf32> to vector<256x1024xf32>
    %add3A_12 = arith.addf %slice3A_8, %add3A : vector<256x1024xf32>
    %convert_element_type3A_13 = arith.truncf %add3A_12 : vector<256x1024xf32> to vector<256x1024xbf16>
    %swap3A_14 = arith.constant 0 : index
    %swap3A_15 = arith.constant 0 : index
    %swap3A_16 = vector.load %arg5[%swap3A_14, %swap3A_15] : memref<256x1024xbf16, #tpu.memory_space<vmem>>, vector<256x1024xbf16>
    tpu.vector_store %arg5[%swap3A_14, %swap3A_15], %convert_element_type3A_13 {strides = array<i32>} : memref<256x1024xbf16, #tpu.memory_space<vmem>>, vector<256x1024xbf16>,
    %get3A_17 = arith.constant 0 : index
    %get3A_18 = arith.constant 0 : index
    %get3A_19 = vector.load %arg3[%get3A_17, %get3A_18] : memref<1024x769xf32, #tpu.memory_space<vmem>>, vector<1024x768xf32>
    %mul3A = arith.constant 5.000000e-01 : f32
    %mul3A_20 = vector.broadcast %mul3A : f32 to vector<1024x768xf32>
    %mul3A_21 = arith.mulf %mul3A_20, %get3A_19 : vector<1024x768xf32>
    %convert_element_type3A_22 = arith.truncf %mul3A_21 : vector<1024x768xf32> to vector<1024x768xbf16>
    %swap3A_23 = arith.constant 0 : index
    %swap3A_24 = arith.constant 0 : index
    %swap3A_25 = vector.load %arg6[%swap3A_23, %swap3A_24] : memref<1024x768xbf16, #tpu.memory_space<vmem>>, vector<1024x768xbf16>
    tpu.vector_store %arg6[%swap3A_23, %swap3A_24], %convert_element_type3A_22 {strides = array<i32>} : memref<1024x768xbf16, #tpu.memory_space<vmem>>, vector<1024x768xbf16>,
    %get3A_26 = arith.constant 0 : index
    %get3A_27 = arith.constant 768 : index
    %get3A_28 = vector.load %arg3[%get3A_26, %get3A_27] : memref<1024x769xf32, #tpu.memory_space<vmem>>, vector<1024x1xf32>
    %mul3A_29 = arith.constant 5.000000e-01 : f32
    %mul3A_30 = vector.broadcast %mul3A_29 : f32 to vector<1024x1xf32>
    %mul3A_31 = arith.mulf %mul3A_30, %get3A_28 : vector<1024x1xf32>
    %broadcast_in_dim3A = arith.constant 0.000000e+00 : f32
    %broadcast_in_dim3A_32 = vector.broadcast %broadcast_in_dim3A : f32 to vector<1024x127xf32>
    %concatenate3A = tpu.concatenate %mul3A_31, %broadcast_in_dim3A_32 in 1 : vector<1024x1xf32>, vector<1024x127xf32> -> vector<1024x128xf32>
    %convert_element_type3A_33 = arith.truncf %concatenate3A : vector<1024x128xf32> to vector<1024x128xbf16>
    %swap3A_34 = arith.constant 0 : index
    %swap3A_35 = arith.constant 0 : index
    %swap3A_36 = vector.load %arg7[%swap3A_34, %swap3A_35] : memref<1024x128xbf16, #tpu.memory_space<vmem>>, vector<1024x128xbf16>
    tpu.vector_store %arg7[%swap3A_34, %swap3A_35], %convert_element_type3A_33 {strides = array<i32>} : memref<1024x128xbf16, #tpu.memory_space<vmem>>, vector<1024x128xbf16>,
    return
  }
}

module attributes {stable_mosaic.version = 14 : i64} {
  func.func @_decode_kernel(%arg0: i32, %arg1: memref<1x16x1024xbf16, #tpu.memory_space<vmem>>, %arg2: memref<1x16x256xf32, #tpu.memory_space<vmem>>, %arg3: memref<256x1024xbf16, #tpu.memory_space<vmem>>, %arg4: memref<1024x768xbf16, #tpu.memory_space<vmem>>, %arg5: memref<1024x128xbf16, #tpu.memory_space<vmem>>, %arg6: memref<1x768xf32, #tpu.memory_space<vmem>>, %arg7: memref<1x256x768xf32, #tpu.memory_space<vmem>>) attributes {dimension_semantics = [#tpu.dimension_semantics<arbitrary>], iteration_bounds = array<i64: 32>, scalar_prefetch = 0 : i64, scratch_operands = 0 : i64, tpu.core_type = #tpu.core_type<tc>, window_params = [{transform_indices = @transform_0, window_bounds = array<i64: 1, 16, 1024>}, {transform_indices = @transform_1, window_bounds = array<i64: 1, 16, 256>}, {pipeline_mode = #tpu.pipeline_mode<synchronous>, transform_indices = @transform_2, window_bounds = array<i64: 256, 1024>}, {pipeline_mode = #tpu.pipeline_mode<synchronous>, transform_indices = @transform_3, window_bounds = array<i64: 1024, 768>}, {pipeline_mode = #tpu.pipeline_mode<synchronous>, transform_indices = @transform_4, window_bounds = array<i64: 1024, 128>}, {pipeline_mode = #tpu.pipeline_mode<synchronous>, transform_indices = @transform_5, window_bounds = array<i64: 1, 768>}, {transform_indices = @transform_6, window_bounds = array<i64: 1, 256, 768>}]} {
    %get3A = arith.constant 0 : index
    %get3A_0 = arith.constant 0 : index
    %get3A_1 = arith.constant 0 : index
    %get3A_2 = vector.load %arg1[%get3A, %get3A_0, %get3A_1] : memref<1x16x1024xbf16, #tpu.memory_space<vmem>>, vector<1x16x1024xbf16>
    %get3A_3 = vector.shape_cast %get3A_2 : vector<1x16x1024xbf16> to vector<16x1024xbf16>
    %get3A_4 = arith.constant 0 : index
    %get3A_5 = arith.constant 0 : index
    %get3A_6 = arith.constant 0 : index
    %get3A_7 = vector.load %arg2[%get3A_4, %get3A_5, %get3A_6] : memref<1x16x256xf32, #tpu.memory_space<vmem>>, vector<1x16x256xf32>
    %get3A_8 = vector.shape_cast %get3A_7 : vector<1x16x256xf32> to vector<16x256xf32>
    %get3A_9 = arith.constant 0 : index
    %get3A_10 = arith.constant 0 : index
    %get3A_11 = vector.load %arg3[%get3A_9, %get3A_10] : memref<256x1024xbf16, #tpu.memory_space<vmem>>, vector<256x1024xbf16>
    %slice3A = vector.extract_strided_slice %get3A_3 {offsets = [0, 0], sizes = [4, 1024], strides = [1, 1]} : vector<16x1024xbf16> to vector<4x1024xbf16>
    %broadcast_in_dim3A = vector.shape_cast %slice3A : vector<4x1024xbf16> to vector<4x1x1024xbf16>
    %broadcast_in_dim3A_12 = vector.shape_cast %get3A_11 : vector<256x1024xbf16> to vector<1x256x1024xbf16>
    %add3A = vector.broadcast %broadcast_in_dim3A : vector<4x1x1024xbf16> to vector<4x256x1024xbf16>
    %add3A_13 = vector.broadcast %broadcast_in_dim3A_12 : vector<1x256x1024xbf16> to vector<4x256x1024xbf16>
    %add3A_14 = arith.addf %add3A, %add3A_13 : vector<4x256x1024xbf16>
    %mul3A = arith.mulf %add3A_14, %add3A_14 : vector<4x256x1024xbf16>
    %mul3A_15 = arith.constant 3.564450e-02 : bf16
    %mul3A_16 = vector.broadcast %mul3A_15 : bf16 to vector<4x256x1024xbf16>
    %mul3A_17 = arith.mulf %mul3A_16, %mul3A : vector<4x256x1024xbf16>
    %add3A_18 = arith.constant 7.968750e-01 : bf16
    %add3A_19 = vector.broadcast %add3A_18 : bf16 to vector<4x256x1024xbf16>
    %add3A_20 = arith.addf %add3A_19, %mul3A_17 : vector<4x256x1024xbf16>
    %mul3A_21 = arith.mulf %add3A_14, %add3A_20 : vector<4x256x1024xbf16>
    %tanh3A = math.tanh %mul3A_21 : vector<4x256x1024xbf16>
    %mul3A_22 = arith.mulf %add3A_14, %tanh3A : vector<4x256x1024xbf16>
    %add3A_23 = arith.addf %add3A_14, %mul3A_22 : vector<4x256x1024xbf16>
    %reshape3A = vector.shape_cast %add3A_23 : vector<4x256x1024xbf16> to vector<1024x1024xbf16>
    %get3A_24 = arith.constant 0 : index
    %get3A_25 = arith.constant 0 : index
    %get3A_26 = vector.load %arg5[%get3A_24, %get3A_25] : memref<1024x128xbf16, #tpu.memory_space<vmem>>, vector<1024x128xbf16>
    %dot_general3A = arith.constant dense<0.000000e+00> : vector<1024x128xf32>
    %dot_general3A_27 = tpu.matmul %reshape3A, %get3A_26, %dot_general3A {dimension_numbers = #tpu.dot_dimension_numbers<[1], [0], [0], [1], [0, 0, 1, 1], [], []>, transpose_lhs_hint = false} : vector<1024x1024xbf16>, vector<1024x128xbf16>, vector<1024x128xf32> -> vector<1024x128xf32>
    %slice3A_28 = vector.extract_strided_slice %dot_general3A_27 {offsets = [0, 0], sizes = [1024, 1], strides = [1, 1]} : vector<1024x128xf32> to vector<1024x1xf32>
    %squeeze3A = vector.shape_cast %slice3A_28 : vector<1024x1xf32> to vector<1024xf32>
    %reshape3A_29 = vector.shape_cast %squeeze3A : vector<1024xf32> to vector<4x256xf32>
    %slice3A_30 = vector.extract_strided_slice %get3A_3 {offsets = [4, 0], sizes = [4, 1024], strides = [1, 1]} : vector<16x1024xbf16> to vector<4x1024xbf16>
    %broadcast_in_dim3A_31 = vector.shape_cast %slice3A_30 : vector<4x1024xbf16> to vector<4x1x1024xbf16>
    %broadcast_in_dim3A_32 = vector.shape_cast %get3A_11 : vector<256x1024xbf16> to vector<1x256x1024xbf16>
    %add3A_33 = vector.broadcast %broadcast_in_dim3A_31 : vector<4x1x1024xbf16> to vector<4x256x1024xbf16>
    %add3A_34 = vector.broadcast %broadcast_in_dim3A_32 : vector<1x256x1024xbf16> to vector<4x256x1024xbf16>
    %add3A_35 = arith.addf %add3A_33, %add3A_34 : vector<4x256x1024xbf16>
    %mul3A_36 = arith.mulf %add3A_35, %add3A_35 : vector<4x256x1024xbf16>
    %mul3A_37 = arith.constant 3.564450e-02 : bf16
    %mul3A_38 = vector.broadcast %mul3A_37 : bf16 to vector<4x256x1024xbf16>
    %mul3A_39 = arith.mulf %mul3A_38, %mul3A_36 : vector<4x256x1024xbf16>
    %add3A_40 = arith.constant 7.968750e-01 : bf16
    %add3A_41 = vector.broadcast %add3A_40 : bf16 to vector<4x256x1024xbf16>
    %add3A_42 = arith.addf %add3A_41, %mul3A_39 : vector<4x256x1024xbf16>
    %mul3A_43 = arith.mulf %add3A_35, %add3A_42 : vector<4x256x1024xbf16>
    %tanh3A_44 = math.tanh %mul3A_43 : vector<4x256x1024xbf16>
    %mul3A_45 = arith.mulf %add3A_35, %tanh3A_44 : vector<4x256x1024xbf16>
    %add3A_46 = arith.addf %add3A_35, %mul3A_45 : vector<4x256x1024xbf16>
    %reshape3A_47 = vector.shape_cast %add3A_46 : vector<4x256x1024xbf16> to vector<1024x1024xbf16>
    %get3A_48 = arith.constant 0 : index
    %get3A_49 = arith.constant 0 : index
    %get3A_50 = vector.load %arg5[%get3A_48, %get3A_49] : memref<1024x128xbf16, #tpu.memory_space<vmem>>, vector<1024x128xbf16>
    %dot_general3A_51 = arith.constant dense<0.000000e+00> : vector<1024x128xf32>
    %dot_general3A_52 = tpu.matmul %reshape3A_47, %get3A_50, %dot_general3A_51 {dimension_numbers = #tpu.dot_dimension_numbers<[1], [0], [0], [1], [0, 0, 1, 1], [], []>, transpose_lhs_hint = false} : vector<1024x1024xbf16>, vector<1024x128xbf16>, vector<1024x128xf32> -> vector<1024x128xf32>
    %slice3A_53 = vector.extract_strided_slice %dot_general3A_52 {offsets = [0, 0], sizes = [1024, 1], strides = [1, 1]} : vector<1024x128xf32> to vector<1024x1xf32>
    %squeeze3A_54 = vector.shape_cast %slice3A_53 : vector<1024x1xf32> to vector<1024xf32>
    %reshape3A_55 = vector.shape_cast %squeeze3A_54 : vector<1024xf32> to vector<4x256xf32>
    %slice3A_56 = vector.extract_strided_slice %get3A_3 {offsets = [8, 0], sizes = [4, 1024], strides = [1, 1]} : vector<16x1024xbf16> to vector<4x1024xbf16>
    %broadcast_in_dim3A_57 = vector.shape_cast %slice3A_56 : vector<4x1024xbf16> to vector<4x1x1024xbf16>
    %broadcast_in_dim3A_58 = vector.shape_cast %get3A_11 : vector<256x1024xbf16> to vector<1x256x1024xbf16>
    %add3A_59 = vector.broadcast %broadcast_in_dim3A_57 : vector<4x1x1024xbf16> to vector<4x256x1024xbf16>
    %add3A_60 = vector.broadcast %broadcast_in_dim3A_58 : vector<1x256x1024xbf16> to vector<4x256x1024xbf16>
    %add3A_61 = arith.addf %add3A_59, %add3A_60 : vector<4x256x1024xbf16>
    %mul3A_62 = arith.mulf %add3A_61, %add3A_61 : vector<4x256x1024xbf16>
    %mul3A_63 = arith.constant 3.564450e-02 : bf16
    %mul3A_64 = vector.broadcast %mul3A_63 : bf16 to vector<4x256x1024xbf16>
    %mul3A_65 = arith.mulf %mul3A_64, %mul3A_62 : vector<4x256x1024xbf16>
    %add3A_66 = arith.constant 7.968750e-01 : bf16
    %add3A_67 = vector.broadcast %add3A_66 : bf16 to vector<4x256x1024xbf16>
    %add3A_68 = arith.addf %add3A_67, %mul3A_65 : vector<4x256x1024xbf16>
    %mul3A_69 = arith.mulf %add3A_61, %add3A_68 : vector<4x256x1024xbf16>
    %tanh3A_70 = math.tanh %mul3A_69 : vector<4x256x1024xbf16>
    %mul3A_71 = arith.mulf %add3A_61, %tanh3A_70 : vector<4x256x1024xbf16>
    %add3A_72 = arith.addf %add3A_61, %mul3A_71 : vector<4x256x1024xbf16>
    %reshape3A_73 = vector.shape_cast %add3A_72 : vector<4x256x1024xbf16> to vector<1024x1024xbf16>
    %get3A_74 = arith.constant 0 : index
    %get3A_75 = arith.constant 0 : index
    %get3A_76 = vector.load %arg5[%get3A_74, %get3A_75] : memref<1024x128xbf16, #tpu.memory_space<vmem>>, vector<1024x128xbf16>
    %dot_general3A_77 = arith.constant dense<0.000000e+00> : vector<1024x128xf32>
    %dot_general3A_78 = tpu.matmul %reshape3A_73, %get3A_76, %dot_general3A_77 {dimension_numbers = #tpu.dot_dimension_numbers<[1], [0], [0], [1], [0, 0, 1, 1], [], []>, transpose_lhs_hint = false} : vector<1024x1024xbf16>, vector<1024x128xbf16>, vector<1024x128xf32> -> vector<1024x128xf32>
    %slice3A_79 = vector.extract_strided_slice %dot_general3A_78 {offsets = [0, 0], sizes = [1024, 1], strides = [1, 1]} : vector<1024x128xf32> to vector<1024x1xf32>
    %squeeze3A_80 = vector.shape_cast %slice3A_79 : vector<1024x1xf32> to vector<1024xf32>
    %reshape3A_81 = vector.shape_cast %squeeze3A_80 : vector<1024xf32> to vector<4x256xf32>
    %slice3A_82 = vector.extract_strided_slice %get3A_3 {offsets = [12, 0], sizes = [4, 1024], strides = [1, 1]} : vector<16x1024xbf16> to vector<4x1024xbf16>
    %broadcast_in_dim3A_83 = vector.shape_cast %slice3A_82 : vector<4x1024xbf16> to vector<4x1x1024xbf16>
    %broadcast_in_dim3A_84 = vector.shape_cast %get3A_11 : vector<256x1024xbf16> to vector<1x256x1024xbf16>
    %add3A_85 = vector.broadcast %broadcast_in_dim3A_83 : vector<4x1x1024xbf16> to vector<4x256x1024xbf16>
    %add3A_86 = vector.broadcast %broadcast_in_dim3A_84 : vector<1x256x1024xbf16> to vector<4x256x1024xbf16>
    %add3A_87 = arith.addf %add3A_85, %add3A_86 : vector<4x256x1024xbf16>
    %mul3A_88 = arith.mulf %add3A_87, %add3A_87 : vector<4x256x1024xbf16>
    %mul3A_89 = arith.constant 3.564450e-02 : bf16
    %mul3A_90 = vector.broadcast %mul3A_89 : bf16 to vector<4x256x1024xbf16>
    %mul3A_91 = arith.mulf %mul3A_90, %mul3A_88 : vector<4x256x1024xbf16>
    %add3A_92 = arith.constant 7.968750e-01 : bf16
    %add3A_93 = vector.broadcast %add3A_92 : bf16 to vector<4x256x1024xbf16>
    %add3A_94 = arith.addf %add3A_93, %mul3A_91 : vector<4x256x1024xbf16>
    %mul3A_95 = arith.mulf %add3A_87, %add3A_94 : vector<4x256x1024xbf16>
    %tanh3A_96 = math.tanh %mul3A_95 : vector<4x256x1024xbf16>
    %mul3A_97 = arith.mulf %add3A_87, %tanh3A_96 : vector<4x256x1024xbf16>
    %add3A_98 = arith.addf %add3A_87, %mul3A_97 : vector<4x256x1024xbf16>
    %reshape3A_99 = vector.shape_cast %add3A_98 : vector<4x256x1024xbf16> to vector<1024x1024xbf16>
    %get3A_100 = arith.constant 0 : index
    %get3A_101 = arith.constant 0 : index
    %get3A_102 = vector.load %arg5[%get3A_100, %get3A_101] : memref<1024x128xbf16, #tpu.memory_space<vmem>>, vector<1024x128xbf16>
    %dot_general3A_103 = arith.constant dense<0.000000e+00> : vector<1024x128xf32>
    %dot_general3A_104 = tpu.matmul %reshape3A_99, %get3A_102, %dot_general3A_103 {dimension_numbers = #tpu.dot_dimension_numbers<[1], [0], [0], [1], [0, 0, 1, 1], [], []>, transpose_lhs_hint = false} : vector<1024x1024xbf16>, vector<1024x128xbf16>, vector<1024x128xf32> -> vector<1024x128xf32>
    %slice3A_105 = vector.extract_strided_slice %dot_general3A_104 {offsets = [0, 0], sizes = [1024, 1], strides = [1, 1]} : vector<1024x128xf32> to vector<1024x1xf32>
    %squeeze3A_106 = vector.shape_cast %slice3A_105 : vector<1024x1xf32> to vector<1024xf32>
    %reshape3A_107 = vector.shape_cast %squeeze3A_106 : vector<1024xf32> to vector<4x256xf32>
    %concatenate3A = tpu.concatenate %reshape3A_29, %reshape3A_55, %reshape3A_81, %reshape3A_107 in 0 : vector<4x256xf32>, vector<4x256xf32>, vector<4x256xf32>, vector<4x256xf32> -> vector<16x256xf32>
    %add3A_108 = arith.addf %concatenate3A, %get3A_8 : vector<16x256xf32>
    %reduce_max3A = arith.constant dense<0xFF800000> : vector<256xf32>
    %reduce_max3A_109 = vector.multi_reduction <maximumf>, %add3A_108, %reduce_max3A [0] : vector<16x256xf32> to vector<256xf32>
    %broadcast_in_dim3A_110 = vector.shape_cast %reduce_max3A_109 : vector<256xf32> to vector<1x256xf32>
    %sub3A = vector.broadcast %broadcast_in_dim3A_110 : vector<1x256xf32> to vector<16x256xf32>
    %sub3A_111 = arith.subf %add3A_108, %sub3A : vector<16x256xf32>
    %exp3A = math.exp %sub3A_111 : vector<16x256xf32>
    %reduce_sum3A = arith.constant dense<0.000000e+00> : vector<256xf32>
    %reduce_sum3A_112 = vector.multi_reduction <add>, %exp3A, %reduce_sum3A [0] : vector<16x256xf32> to vector<256xf32>
    %broadcast_in_dim3A_113 = vector.shape_cast %reduce_sum3A_112 : vector<256xf32> to vector<1x256xf32>
    %div3A = vector.broadcast %broadcast_in_dim3A_113 : vector<1x256xf32> to vector<16x256xf32>
    %div3A_114 = arith.divf %exp3A, %div3A : vector<16x256xf32>
    %broadcast_in_dim3A_115 = vector.shape_cast %div3A_114 : vector<16x256xf32> to vector<16x256x1xf32>
    %slice3A_116 = vector.extract_strided_slice %broadcast_in_dim3A_115 {offsets = [0, 0, 0], sizes = [4, 256, 1], strides = [1, 1, 1]} : vector<16x256x1xf32> to vector<4x256x1xf32>
    %convert_element_type3A = arith.truncf %slice3A_116 : vector<4x256x1xf32> to vector<4x256x1xbf16>
    %mul3A_117 = vector.broadcast %convert_element_type3A : vector<4x256x1xbf16> to vector<4x256x1024xbf16>
    %mul3A_118 = arith.mulf %add3A_23, %mul3A_117 : vector<4x256x1024xbf16>
    %slice3A_119 = vector.extract_strided_slice %broadcast_in_dim3A_115 {offsets = [4, 0, 0], sizes = [4, 256, 1], strides = [1, 1, 1]} : vector<16x256x1xf32> to vector<4x256x1xf32>
    %convert_element_type3A_120 = arith.truncf %slice3A_119 : vector<4x256x1xf32> to vector<4x256x1xbf16>
    %mul3A_121 = vector.broadcast %convert_element_type3A_120 : vector<4x256x1xbf16> to vector<4x256x1024xbf16>
    %mul3A_122 = arith.mulf %add3A_46, %mul3A_121 : vector<4x256x1024xbf16>
    %slice3A_123 = vector.extract_strided_slice %broadcast_in_dim3A_115 {offsets = [8, 0, 0], sizes = [4, 256, 1], strides = [1, 1, 1]} : vector<16x256x1xf32> to vector<4x256x1xf32>
    %convert_element_type3A_124 = arith.truncf %slice3A_123 : vector<4x256x1xf32> to vector<4x256x1xbf16>
    %mul3A_125 = vector.broadcast %convert_element_type3A_124 : vector<4x256x1xbf16> to vector<4x256x1024xbf16>
    %mul3A_126 = arith.mulf %add3A_72, %mul3A_125 : vector<4x256x1024xbf16>
    %slice3A_127 = vector.extract_strided_slice %broadcast_in_dim3A_115 {offsets = [12, 0, 0], sizes = [4, 256, 1], strides = [1, 1, 1]} : vector<16x256x1xf32> to vector<4x256x1xf32>
    %convert_element_type3A_128 = arith.truncf %slice3A_127 : vector<4x256x1xf32> to vector<4x256x1xbf16>
    %mul3A_129 = vector.broadcast %convert_element_type3A_128 : vector<4x256x1xbf16> to vector<4x256x1024xbf16>
    %mul3A_130 = arith.mulf %add3A_98, %mul3A_129 : vector<4x256x1024xbf16>
    %slice3A_131 = vector.extract_strided_slice %mul3A_118 {offsets = [0, 0, 0], sizes = [1, 128, 1024], strides = [1, 1, 1]} : vector<4x256x1024xbf16> to vector<1x128x1024xbf16>
    %squeeze3A_132 = vector.shape_cast %slice3A_131 : vector<1x128x1024xbf16> to vector<128x1024xbf16>
    %slice3A_133 = vector.extract_strided_slice %mul3A_118 {offsets = [1, 0, 0], sizes = [1, 128, 1024], strides = [1, 1, 1]} : vector<4x256x1024xbf16> to vector<1x128x1024xbf16>
    %squeeze3A_134 = vector.shape_cast %slice3A_133 : vector<1x128x1024xbf16> to vector<128x1024xbf16>
    %slice3A_135 = vector.extract_strided_slice %mul3A_118 {offsets = [2, 0, 0], sizes = [1, 128, 1024], strides = [1, 1, 1]} : vector<4x256x1024xbf16> to vector<1x128x1024xbf16>
    %squeeze3A_136 = vector.shape_cast %slice3A_135 : vector<1x128x1024xbf16> to vector<128x1024xbf16>
    %slice3A_137 = vector.extract_strided_slice %mul3A_118 {offsets = [3, 0, 0], sizes = [1, 128, 1024], strides = [1, 1, 1]} : vector<4x256x1024xbf16> to vector<1x128x1024xbf16>
    %squeeze3A_138 = vector.shape_cast %slice3A_137 : vector<1x128x1024xbf16> to vector<128x1024xbf16>
    %slice3A_139 = vector.extract_strided_slice %mul3A_122 {offsets = [0, 0, 0], sizes = [1, 128, 1024], strides = [1, 1, 1]} : vector<4x256x1024xbf16> to vector<1x128x1024xbf16>
    %squeeze3A_140 = vector.shape_cast %slice3A_139 : vector<1x128x1024xbf16> to vector<128x1024xbf16>
    %slice3A_141 = vector.extract_strided_slice %mul3A_122 {offsets = [1, 0, 0], sizes = [1, 128, 1024], strides = [1, 1, 1]} : vector<4x256x1024xbf16> to vector<1x128x1024xbf16>
    %squeeze3A_142 = vector.shape_cast %slice3A_141 : vector<1x128x1024xbf16> to vector<128x1024xbf16>
    %slice3A_143 = vector.extract_strided_slice %mul3A_122 {offsets = [2, 0, 0], sizes = [1, 128, 1024], strides = [1, 1, 1]} : vector<4x256x1024xbf16> to vector<1x128x1024xbf16>
    %squeeze3A_144 = vector.shape_cast %slice3A_143 : vector<1x128x1024xbf16> to vector<128x1024xbf16>
    %slice3A_145 = vector.extract_strided_slice %mul3A_122 {offsets = [3, 0, 0], sizes = [1, 128, 1024], strides = [1, 1, 1]} : vector<4x256x1024xbf16> to vector<1x128x1024xbf16>
    %squeeze3A_146 = vector.shape_cast %slice3A_145 : vector<1x128x1024xbf16> to vector<128x1024xbf16>
    %slice3A_147 = vector.extract_strided_slice %mul3A_126 {offsets = [0, 0, 0], sizes = [1, 128, 1024], strides = [1, 1, 1]} : vector<4x256x1024xbf16> to vector<1x128x1024xbf16>
    %squeeze3A_148 = vector.shape_cast %slice3A_147 : vector<1x128x1024xbf16> to vector<128x1024xbf16>
    %slice3A_149 = vector.extract_strided_slice %mul3A_126 {offsets = [1, 0, 0], sizes = [1, 128, 1024], strides = [1, 1, 1]} : vector<4x256x1024xbf16> to vector<1x128x1024xbf16>
    %squeeze3A_150 = vector.shape_cast %slice3A_149 : vector<1x128x1024xbf16> to vector<128x1024xbf16>
    %slice3A_151 = vector.extract_strided_slice %mul3A_126 {offsets = [2, 0, 0], sizes = [1, 128, 1024], strides = [1, 1, 1]} : vector<4x256x1024xbf16> to vector<1x128x1024xbf16>
    %squeeze3A_152 = vector.shape_cast %slice3A_151 : vector<1x128x1024xbf16> to vector<128x1024xbf16>
    %slice3A_153 = vector.extract_strided_slice %mul3A_126 {offsets = [3, 0, 0], sizes = [1, 128, 1024], strides = [1, 1, 1]} : vector<4x256x1024xbf16> to vector<1x128x1024xbf16>
    %squeeze3A_154 = vector.shape_cast %slice3A_153 : vector<1x128x1024xbf16> to vector<128x1024xbf16>
    %slice3A_155 = vector.extract_strided_slice %mul3A_130 {offsets = [0, 0, 0], sizes = [1, 128, 1024], strides = [1, 1, 1]} : vector<4x256x1024xbf16> to vector<1x128x1024xbf16>
    %squeeze3A_156 = vector.shape_cast %slice3A_155 : vector<1x128x1024xbf16> to vector<128x1024xbf16>
    %slice3A_157 = vector.extract_strided_slice %mul3A_130 {offsets = [1, 0, 0], sizes = [1, 128, 1024], strides = [1, 1, 1]} : vector<4x256x1024xbf16> to vector<1x128x1024xbf16>
    %squeeze3A_158 = vector.shape_cast %slice3A_157 : vector<1x128x1024xbf16> to vector<128x1024xbf16>
    %slice3A_159 = vector.extract_strided_slice %mul3A_130 {offsets = [2, 0, 0], sizes = [1, 128, 1024], strides = [1, 1, 1]} : vector<4x256x1024xbf16> to vector<1x128x1024xbf16>
    %squeeze3A_160 = vector.shape_cast %slice3A_159 : vector<1x128x1024xbf16> to vector<128x1024xbf16>
    %slice3A_161 = vector.extract_strided_slice %mul3A_130 {offsets = [3, 0, 0], sizes = [1, 128, 1024], strides = [1, 1, 1]} : vector<4x256x1024xbf16> to vector<1x128x1024xbf16>
    %squeeze3A_162 = vector.shape_cast %slice3A_161 : vector<1x128x1024xbf16> to vector<128x1024xbf16>
    %add3A_163 = arith.addf %squeeze3A_132, %squeeze3A_134 : vector<128x1024xbf16>
    %add3A_164 = arith.addf %squeeze3A_136, %squeeze3A_138 : vector<128x1024xbf16>
    %add3A_165 = arith.addf %squeeze3A_140, %squeeze3A_142 : vector<128x1024xbf16>
    %add3A_166 = arith.addf %squeeze3A_144, %squeeze3A_146 : vector<128x1024xbf16>
    %add3A_167 = arith.addf %squeeze3A_148, %squeeze3A_150 : vector<128x1024xbf16>
    %add3A_168 = arith.addf %squeeze3A_152, %squeeze3A_154 : vector<128x1024xbf16>
    %add3A_169 = arith.addf %squeeze3A_156, %squeeze3A_158 : vector<128x1024xbf16>
    %add3A_170 = arith.addf %squeeze3A_160, %squeeze3A_162 : vector<128x1024xbf16>
    %add3A_171 = arith.addf %add3A_163, %add3A_164 : vector<128x1024xbf16>
    %add3A_172 = arith.addf %add3A_165, %add3A_166 : vector<128x1024xbf16>
    %add3A_173 = arith.addf %add3A_167, %add3A_168 : vector<128x1024xbf16>
    %add3A_174 = arith.addf %add3A_169, %add3A_170 : vector<128x1024xbf16>
    %add3A_175 = arith.addf %add3A_171, %add3A_172 : vector<128x1024xbf16>
    %add3A_176 = arith.addf %add3A_173, %add3A_174 : vector<128x1024xbf16>
    %add3A_177 = arith.addf %add3A_175, %add3A_176 : vector<128x1024xbf16>
    %get3A_178 = arith.constant 0 : index
    %get3A_179 = arith.constant 0 : index
    %get3A_180 = vector.load %arg4[%get3A_178, %get3A_179] : memref<1024x768xbf16, #tpu.memory_space<vmem>>, vector<1024x768xbf16>
    %dot_general3A_181 = arith.constant dense<0.000000e+00> : vector<128x768xf32>
    %dot_general3A_182 = tpu.matmul %add3A_177, %get3A_180, %dot_general3A_181 {dimension_numbers = #tpu.dot_dimension_numbers<[1], [0], [0], [1], [0, 0, 1, 1], [], []>, transpose_lhs_hint = false} : vector<128x1024xbf16>, vector<1024x768xbf16>, vector<128x768xf32> -> vector<128x768xf32>
    %get3A_183 = arith.constant 0 : index
    %get3A_184 = arith.constant 0 : index
    %get3A_185 = vector.load %arg6[%get3A_183, %get3A_184] : memref<1x768xf32, #tpu.memory_space<vmem>>, vector<1x768xf32>
    %add3A_186 = vector.broadcast %get3A_185 : vector<1x768xf32> to vector<128x768xf32>
    %add3A_187 = arith.addf %dot_general3A_182, %add3A_186 : vector<128x768xf32>
    %swap3A = arith.constant 0 : index
    %swap3A_188 = arith.constant 0 : index
    %swap3A_189 = arith.constant 0 : index
    %swap3A_190 = vector.load %arg7[%swap3A, %swap3A_188, %swap3A_189] : memref<1x256x768xf32, #tpu.memory_space<vmem>>, vector<1x128x768xf32>
    %swap3A_191 = vector.shape_cast %swap3A_190 : vector<1x128x768xf32> to vector<128x768xf32>
    %swap3A_192 = vector.shape_cast %add3A_187 : vector<128x768xf32> to vector<1x128x768xf32>
    tpu.vector_store %arg7[%swap3A, %swap3A_188, %swap3A_189], %swap3A_192 {strides = array<i32>} : memref<1x256x768xf32, #tpu.memory_space<vmem>>, vector<1x128x768xf32>,
    %slice3A_193 = vector.extract_strided_slice %mul3A_118 {offsets = [0, 128, 0], sizes = [1, 128, 1024], strides = [1, 1, 1]} : vector<4x256x1024xbf16> to vector<1x128x1024xbf16>
    %squeeze3A_194 = vector.shape_cast %slice3A_193 : vector<1x128x1024xbf16> to vector<128x1024xbf16>
    %slice3A_195 = vector.extract_strided_slice %mul3A_118 {offsets = [1, 128, 0], sizes = [1, 128, 1024], strides = [1, 1, 1]} : vector<4x256x1024xbf16> to vector<1x128x1024xbf16>
    %squeeze3A_196 = vector.shape_cast %slice3A_195 : vector<1x128x1024xbf16> to vector<128x1024xbf16>
    %slice3A_197 = vector.extract_strided_slice %mul3A_118 {offsets = [2, 128, 0], sizes = [1, 128, 1024], strides = [1, 1, 1]} : vector<4x256x1024xbf16> to vector<1x128x1024xbf16>
    %squeeze3A_198 = vector.shape_cast %slice3A_197 : vector<1x128x1024xbf16> to vector<128x1024xbf16>
    %slice3A_199 = vector.extract_strided_slice %mul3A_118 {offsets = [3, 128, 0], sizes = [1, 128, 1024], strides = [1, 1, 1]} : vector<4x256x1024xbf16> to vector<1x128x1024xbf16>
    %squeeze3A_200 = vector.shape_cast %slice3A_199 : vector<1x128x1024xbf16> to vector<128x1024xbf16>
    %slice3A_201 = vector.extract_strided_slice %mul3A_122 {offsets = [0, 128, 0], sizes = [1, 128, 1024], strides = [1, 1, 1]} : vector<4x256x1024xbf16> to vector<1x128x1024xbf16>
    %squeeze3A_202 = vector.shape_cast %slice3A_201 : vector<1x128x1024xbf16> to vector<128x1024xbf16>
    %slice3A_203 = vector.extract_strided_slice %mul3A_122 {offsets = [1, 128, 0], sizes = [1, 128, 1024], strides = [1, 1, 1]} : vector<4x256x1024xbf16> to vector<1x128x1024xbf16>
    %squeeze3A_204 = vector.shape_cast %slice3A_203 : vector<1x128x1024xbf16> to vector<128x1024xbf16>
    %slice3A_205 = vector.extract_strided_slice %mul3A_122 {offsets = [2, 128, 0], sizes = [1, 128, 1024], strides = [1, 1, 1]} : vector<4x256x1024xbf16> to vector<1x128x1024xbf16>
    %squeeze3A_206 = vector.shape_cast %slice3A_205 : vector<1x128x1024xbf16> to vector<128x1024xbf16>
    %slice3A_207 = vector.extract_strided_slice %mul3A_122 {offsets = [3, 128, 0], sizes = [1, 128, 1024], strides = [1, 1, 1]} : vector<4x256x1024xbf16> to vector<1x128x1024xbf16>
    %squeeze3A_208 = vector.shape_cast %slice3A_207 : vector<1x128x1024xbf16> to vector<128x1024xbf16>
    %slice3A_209 = vector.extract_strided_slice %mul3A_126 {offsets = [0, 128, 0], sizes = [1, 128, 1024], strides = [1, 1, 1]} : vector<4x256x1024xbf16> to vector<1x128x1024xbf16>
    %squeeze3A_210 = vector.shape_cast %slice3A_209 : vector<1x128x1024xbf16> to vector<128x1024xbf16>
    %slice3A_211 = vector.extract_strided_slice %mul3A_126 {offsets = [1, 128, 0], sizes = [1, 128, 1024], strides = [1, 1, 1]} : vector<4x256x1024xbf16> to vector<1x128x1024xbf16>
    %squeeze3A_212 = vector.shape_cast %slice3A_211 : vector<1x128x1024xbf16> to vector<128x1024xbf16>
    %slice3A_213 = vector.extract_strided_slice %mul3A_126 {offsets = [2, 128, 0], sizes = [1, 128, 1024], strides = [1, 1, 1]} : vector<4x256x1024xbf16> to vector<1x128x1024xbf16>
    %squeeze3A_214 = vector.shape_cast %slice3A_213 : vector<1x128x1024xbf16> to vector<128x1024xbf16>
    %slice3A_215 = vector.extract_strided_slice %mul3A_126 {offsets = [3, 128, 0], sizes = [1, 128, 1024], strides = [1, 1, 1]} : vector<4x256x1024xbf16> to vector<1x128x1024xbf16>
    %squeeze3A_216 = vector.shape_cast %slice3A_215 : vector<1x128x1024xbf16> to vector<128x1024xbf16>
    %slice3A_217 = vector.extract_strided_slice %mul3A_130 {offsets = [0, 128, 0], sizes = [1, 128, 1024], strides = [1, 1, 1]} : vector<4x256x1024xbf16> to vector<1x128x1024xbf16>
    %squeeze3A_218 = vector.shape_cast %slice3A_217 : vector<1x128x1024xbf16> to vector<128x1024xbf16>
    %slice3A_219 = vector.extract_strided_slice %mul3A_130 {offsets = [1, 128, 0], sizes = [1, 128, 1024], strides = [1, 1, 1]} : vector<4x256x1024xbf16> to vector<1x128x1024xbf16>
    %squeeze3A_220 = vector.shape_cast %slice3A_219 : vector<1x128x1024xbf16> to vector<128x1024xbf16>
    %slice3A_221 = vector.extract_strided_slice %mul3A_130 {offsets = [2, 128, 0], sizes = [1, 128, 1024], strides = [1, 1, 1]} : vector<4x256x1024xbf16> to vector<1x128x1024xbf16>
    %squeeze3A_222 = vector.shape_cast %slice3A_221 : vector<1x128x1024xbf16> to vector<128x1024xbf16>
    %slice3A_223 = vector.extract_strided_slice %mul3A_130 {offsets = [3, 128, 0], sizes = [1, 128, 1024], strides = [1, 1, 1]} : vector<4x256x1024xbf16> to vector<1x128x1024xbf16>
    %squeeze3A_224 = vector.shape_cast %slice3A_223 : vector<1x128x1024xbf16> to vector<128x1024xbf16>
    %add3A_225 = arith.addf %squeeze3A_194, %squeeze3A_196 : vector<128x1024xbf16>
    %add3A_226 = arith.addf %squeeze3A_198, %squeeze3A_200 : vector<128x1024xbf16>
    %add3A_227 = arith.addf %squeeze3A_202, %squeeze3A_204 : vector<128x1024xbf16>
    %add3A_228 = arith.addf %squeeze3A_206, %squeeze3A_208 : vector<128x1024xbf16>
    %add3A_229 = arith.addf %squeeze3A_210, %squeeze3A_212 : vector<128x1024xbf16>
    %add3A_230 = arith.addf %squeeze3A_214, %squeeze3A_216 : vector<128x1024xbf16>
    %add3A_231 = arith.addf %squeeze3A_218, %squeeze3A_220 : vector<128x1024xbf16>
    %add3A_232 = arith.addf %squeeze3A_222, %squeeze3A_224 : vector<128x1024xbf16>
    %add3A_233 = arith.addf %add3A_225, %add3A_226 : vector<128x1024xbf16>
    %add3A_234 = arith.addf %add3A_227, %add3A_228 : vector<128x1024xbf16>
    %add3A_235 = arith.addf %add3A_229, %add3A_230 : vector<128x1024xbf16>
    %add3A_236 = arith.addf %add3A_231, %add3A_232 : vector<128x1024xbf16>
    %add3A_237 = arith.addf %add3A_233, %add3A_234 : vector<128x1024xbf16>
    %add3A_238 = arith.addf %add3A_235, %add3A_236 : vector<128x1024xbf16>
    %add3A_239 = arith.addf %add3A_237, %add3A_238 : vector<128x1024xbf16>
    %get3A_240 = arith.constant 0 : index
    %get3A_241 = arith.constant 0 : index
    %get3A_242 = vector.load %arg4[%get3A_240, %get3A_241] : memref<1024x768xbf16, #tpu.memory_space<vmem>>, vector<1024x768xbf16>
    %dot_general3A_243 = arith.constant dense<0.000000e+00> : vector<128x768xf32>
    %dot_general3A_244 = tpu.matmul %add3A_239, %get3A_242, %dot_general3A_243 {dimension_numbers = #tpu.dot_dimension_numbers<[1], [0], [0], [1], [0, 0, 1, 1], [], []>, transpose_lhs_hint = false} : vector<128x1024xbf16>, vector<1024x768xbf16>, vector<128x768xf32> -> vector<128x768xf32>
    %get3A_245 = arith.constant 0 : index
    %get3A_246 = arith.constant 0 : index
    %get3A_247 = vector.load %arg6[%get3A_245, %get3A_246] : memref<1x768xf32, #tpu.memory_space<vmem>>, vector<1x768xf32>
    %add3A_248 = vector.broadcast %get3A_247 : vector<1x768xf32> to vector<128x768xf32>
    %add3A_249 = arith.addf %dot_general3A_244, %add3A_248 : vector<128x768xf32>
    %swap3A_250 = arith.constant 0 : index
    %swap3A_251 = arith.constant 128 : index
    %swap3A_252 = arith.constant 0 : index
    %swap3A_253 = vector.load %arg7[%swap3A_250, %swap3A_251, %swap3A_252] : memref<1x256x768xf32, #tpu.memory_space<vmem>>, vector<1x128x768xf32>
    %swap3A_254 = vector.shape_cast %swap3A_253 : vector<1x128x768xf32> to vector<128x768xf32>
    %swap3A_255 = vector.shape_cast %add3A_249 : vector<128x768xf32> to vector<1x128x768xf32>
    tpu.vector_store %arg7[%swap3A_250, %swap3A_251, %swap3A_252], %swap3A_255 {strides = array<i32>} : memref<1x256x768xf32, #tpu.memory_space<vmem>>, vector<1x128x768xf32>,
    return
  }
  func.func @transform_0(%arg0: i32) -> (i32, i32, i32) {
    %c0_i32 = arith.constant 0 : i32
    %c0_i32_0 = arith.constant 0 : i32
    %c0_i32_1 = arith.constant 0 : i32
    return %arg0, %c0_i32, %c0_i32_0 : i32, i32, i32
  }
  func.func @transform_1(%arg0: i32) -> (i32, i32, i32) {
    %c0_i32 = arith.constant 0 : i32
    %c0_i32_0 = arith.constant 0 : i32
    %c0_i32_1 = arith.constant 0 : i32
    return %arg0, %c0_i32, %c0_i32_0 : i32, i32, i32
  }
  func.func @transform_2(%arg0: i32) -> (i32, i32) {
    %c0_i32 = arith.constant 0 : i32
    %c0_i32_0 = arith.constant 0 : i32
    %c0_i32_1 = arith.constant 0 : i32
    return %c0_i32, %c0_i32_0 : i32, i32
  }
  func.func @transform_3(%arg0: i32) -> (i32, i32) {
    %c0_i32 = arith.constant 0 : i32
    %c0_i32_0 = arith.constant 0 : i32
    %c0_i32_1 = arith.constant 0 : i32
    return %c0_i32, %c0_i32_0 : i32, i32
  }
  func.func @transform_4(%arg0: i32) -> (i32, i32) {
    %c0_i32 = arith.constant 0 : i32
    %c0_i32_0 = arith.constant 0 : i32
    %c0_i32_1 = arith.constant 0 : i32
    return %c0_i32, %c0_i32_0 : i32, i32
  }
  func.func @transform_5(%arg0: i32) -> (i32, i32) {
    %c0_i32 = arith.constant 0 : i32
    %c0_i32_0 = arith.constant 0 : i32
    %c0_i32_1 = arith.constant 0 : i32
    return %c0_i32, %c0_i32_0 : i32, i32
  }
  func.func @transform_6(%arg0: i32) -> (i32, i32, i32) {
    %c0_i32 = arith.constant 0 : i32
    %c0_i32_0 = arith.constant 0 : i32
    %c0_i32_1 = arith.constant 0 : i32
    return %arg0, %c0_i32, %c0_i32_0 : i32, i32, i32
  }
}

</mosaic_0001>

<sc_bundles>
// kernel: kernel.5.cloned.1.call-start
scs
__scs_entry_jumppad:
0x0: {  	(pc) =	sbr.rel $0x88, $3  }
0x1: {  	(tag) =	ssettag $0x0;
	lr =	simm.s32 $0x1  }
0x2: {  	[smem:$0x3F9A] =	sst lr;
	_ =	strace $0xD0000000  }
0x3: {  	_ = 	snop  }
0x4: {  	_ = 	snop  }
0x5: {  	_ = 	snop  }
0x6: {  	_ = 	snop  }
0x7: {  	_ = 	snop  }
__scs_overlays_trampoline_lowered:
0x8: {  	[smem:$0x3FA9] =	sst s0  }
0x9: {  	[smem:$0x3FAA] =	sst s1  }
0xa: {  	[smem:$0x3FAB] =	sst s2  }
0xb: {  	[smem:$0x3FAC] =	sst s3  }
0xc: {  	[smem:$0x3FAD] =	sst s4  }
0xd: {  	[smem:$0x3FAE] =	sst s5  }
0xe: {  	[smem:$0x3FAF] =	sst s6  }
0xf: {  	[smem:$0x3FB0] =	sst s7  }
0x10: {  	[smem:$0x3FB1] =	sst s8  }
0x11: {  	[smem:$0x3FB2] =	sst s9;
	s0 =	simm.s32 @!p0 $0x0  }
0x12: {  	s1 =	sld [smem:$0x3F98];
	s0 =	simm.s32 @p0 $0x1  }
0x13: {  	[smem:$0x3FB3] =	sst s0;
	s0 =	simm.s32 @!p1 $0x0  }
0x14: {  	s2 =	sld [smem:$0x3F97];
	s0 =	simm.s32 @p1 $0x1  }
0x15: {  	[smem:$0x3FB4] =	sst s0;
	s0 =	simm.s32 @!p2 $0x0  }
0x16: {  	s3 =	sld [smem:$0x3FDB];
	s0 =	simm.s32 @p2 $0x1  }
0x17: {  	s4 =	simm.s32 $0x1BF5;
	[smem:$0x3FB6] =	sst s0  }
0x18: {  	s0 =	sld [smem:$0x3F99];
	_ =	swait.ge [sflag:s4], $0x0  }
0x19: {  	s7 =	sld [smem:$0x3F9A]  }
0x1a: {  	s8 =	sadd.s32 $0xFFFFE003, lr  }
0x1b: {  	s9 =	sadd.s32 $0xFFFFFEF7, lr;
	s5 =	simm.s32 $0xFFFFFFFF;
	p2 =	slt.u32 s8, $0xFFFFF086  }
0x1c: {  	p1 =	slt.u32 s9, $0xF7A;
	s5 =	simm.s32 @!p2 $0x0  }
0x1d: {  	s5 =	simm.s32 @p1 $0x1;
	p0 =	seq.s32 s7, s2  }
0x1e: {  	s7 =	smul.u32 @!p0 $0xF7A, s2;
	p2 =	seq.s32 @!p0 s5, $0x0  }
0x1f: {  	s9 =	smul.u32 $0xF7A, s1;
	s8 =	simm.s32 @!p0 $0x1BF5;
	p2 =	por !p2, p0  }
0x20: {  	[sflag:s8] =	ssyncset.s32 @!p0 $0xFFFFF086;
	s6 =	sadd.s32 @!p0 s3, s7;
	s7 =	simm.s32 @!p0 $0x108  }
0x21: {  	s3 =	sadd.s32 s3, s9;
	s6 =	sadd.s32 @!p0 $0x88, s6;
	s7 =	simm.s32 @p2 $0x1082  }
0x22: {  	[simem:s7], [sflag:s8] =	dma.local @!p0 [hbm:s6], $0xF7A  }
0x23: {  	s9 =	sor.u32 $0xD0000000, s2;
	s6 =	simm.s32 $0x108;
	_ =	swait.ge @!p0 [sflag:s8], $0x0  }
0x24: {  	s3 =	sadd.s32 $0x88, s3;
	s6 =	simm.s32 @!p1 $0x1082;
	[sflag:s4] =	ssyncset.s32 $0xFFFFF086  }
0x25: {  	[simem:s6], [sflag:s4] =	dma.local [hbm:s3], $0xF7A  }
0x26: {  	[smem:$0x3F9A] =	sst s1;
	(tag) =	ssettag s2;
	_ =	strace s9  }
0x27: {  	s1 =	sld [smem:$0x3FAA]  }
0x28: {  	s2 =	sld [smem:$0x3FAB]  }
0x29: {  	s4 =	sld [smem:$0x3FAD]  }
0x2a: {  	p0 =	seq.s32 s5, $0x0;
	s5 =	sld [smem:$0x3FAE]  }
0x2b: {  	s6 =	sld [smem:$0x3FAF]  }
0x2c: {  	s7 =	sld [smem:$0x3FB0]  }
0x2d: {  	s3 =	simm.s32 $0x108;
	s8 =	sld [smem:$0x3FB1]  }
0x2e: {  	s3 =	simm.s32 @!p0 $0x1082;
	s9 =	sld [smem:$0x3FB2]  }
0x2f: {  	lr =	sadd.s32 s0, s3;
	s0 =	sld [smem:$0x3FA9]  }
0x30: {  	s3 =	sld [smem:$0x3FAC]  }
0x31: {  	[smem:$0x3FB5] =	sst s10  }
0x32: {  	s10 =	sld [smem:$0x3FB3];
	_ =	sdelay $0x3  }
0x33: {  	p0 =	seq.s32 s10, $0x1;
	s10 =	sld [smem:$0x3FB5];
	_ =	sdelay $0x3  }
0x34: {  	[smem:$0x3FB5] =	sst s10  }
0x35: {  	s10 =	sld [smem:$0x3FB4];
	_ =	sdelay $0x3  }
0x36: {  	p1 =	seq.s32 s10, $0x1;
	s10 =	sld [smem:$0x3FB5];
	_ =	sdelay $0x3  }
0x37: {  	[smem:$0x3FB5] =	sst s10  }
0x38: {  	s10 =	sld [smem:$0x3FB6]  }
0x39: {  	_ = 	snop;
	(pc) =	sbr.ind lr, $3  }
0x3a: {  	_ = 	snop  }
0x3b: {  	_ = 	snop  }
0x3c: {  	p2 =	seq.s32 s10, $0x1;
	s10 =	sld [smem:$0x3FB5]  }
0x3d: {  	_ =	shalt  }
0x3e: {  	_ =	shalt  }
0x3f: {  	_ =	shalt  }
0x40: {  	_ =	shalt  }
0x41: {  	_ =	shalt  }
0x42: {  	_ =	shalt  }
0x43: {  	_ =	shalt  }
0x44: {  	_ =	shalt  }
0x45: {  	_ =	shalt  }
0x46: {  	_ =	shalt  }
0x47: {  	_ =	shalt  }
0x48: {  	_ =	shalt  }
0x49: {  	_ =	shalt  }
0x4a: {  	_ =	shalt  }
0x4b: {  	_ =	shalt  }
0x4c: {  	_ =	shalt  }
0x4d: {  	_ =	shalt  }
0x4e: {  	_ =	shalt  }
0x4f: {  	_ =	shalt  }
0x50: {  	_ =	shalt  }
0x51: {  	_ =	shalt  }
0x52: {  	_ =	shalt  }
0x53: {  	_ =	shalt  }
0x54: {  	_ =	shalt  }
0x55: {  	_ =	shalt  }
0x56: {  	_ =	shalt  }
0x57: {  	_ =	shalt  }
0x58: {  	_ =	shalt  }
0x59: {  	_ =	shalt  }
0x5a: {  	_ =	shalt  }
0x5b: {  	_ =	shalt  }
0x5c: {  	_ =	shalt  }
0x5d: {  	_ =	shalt  }
0x5e: {  	_ =	shalt  }
0x5f: {  	_ =	shalt  }
0x60: {  	_ =	shalt  }
0x61: {  	_ =	shalt  }
0x62: {  	_ =	shalt  }
0x63: {  	_ =	shalt  }
0x64: {  	_ =	shalt  }
0x65: {  	_ =	shalt  }
0x66: {  	_ =	shalt  }
0x67: {  	_ =	shalt  }
0x68: {  	_ =	shalt  }
0x69: {  	_ =	shalt  }
0x6a: {  	_ =	shalt  }
0x6b: {  	_ =	shalt  }
0x6c: {  	_ =	shalt  }
0x6d: {  	_ =	shalt  }
0x6e: {  	_ =	shalt  }
0x6f: {  	_ =	shalt  }
0x70: {  	_ =	shalt  }
0x71: {  	_ =	shalt  }
0x72: {  	_ =	shalt  }
0x73: {  	_ =	shalt  }
0x74: {  	_ =	shalt  }
0x75: {  	_ =	shalt  }
0x76: {  	_ =	shalt  }
0x77: {  	_ =	shalt  }
0x78: {  	_ =	shalt  }
0x79: {  	_ =	shalt  }
0x7a: {  	_ =	shalt  }
0x7b: {  	_ =	shalt  }
0x7c: {  	_ =	shalt  }
0x7d: {  	_ =	shalt  }
0x7e: {  	_ =	shalt  }
0x7f: {  	_ =	shalt  }
0x80: {  	_ =	shalt  }
0x81: {  	_ =	shalt  }
0x82: {  	_ =	shalt  }
0x83: {  	_ =	shalt  }
0x84: {  	_ =	shalt  }
0x85: {  	_ =	shalt  }
0x86: {  	_ =	shalt  }
0x87: {  	_ =	shalt  }
.Lfunc_end0:
.L_simem_size_0:
called_computation_lowered:
.L_overlay_start_0:
0x88: {  	s2 =	sld [smem:$0x3FD9]  }
0x89: {  	s3 =	sld [smem:$0x3FFE];
	_ =	sdelay $0x1  }
0x8a: {  	s1 =	srdreg.scid  }
0x8b: {  	s0 =	sand.u32 $0x1, s1  }
0x8c: {  	s17 =	sshll.u32 s0, $0xA;
	s2 =	sadd.s32 s3, s2  }
0x8d: {  	s2 =	sadd.s32 s2, s17  }
0x8e: {  	[smem:$0x3FC1] =	sst s2  }
0x8f: {  	_ = 	snop  }
0x90: {  	s2 =	sld [smem:$0x3FD0];
	(tm) =	ssettm $0x1  }
0x91: {  	s18 =	sld [smem:$0x3FFB];
	_ =	sdelay $0x3  }
0x92: {  	_ =	strace s18  }
0x93: {  	s3 =	sld [smem:$0x3FFC];
	_ =	sdelay $0x3  }
0x94: {  	_ =	strace s3  }
0x95: {  	s3 =	sld [smem:$0x3FFD];
	_ =	sdelay $0x3  }
0x96: {  	_ =	strace s3  }
0x97: {  	_ =	strace $0x8FFFFFFF  }
0x98: {  	s19 =	sld [smem:$0x3FDB];
	_ =	sdelay $0x1  }
0x99: {  	s4 =	simm.s32 $_scs_section_size  }
0x9a: {  	s5 =	simm.s32 $_size__tile_overlayer_lowered;
	s6 =	simm.s32 $_tile_overlayer_lowered  }
0x9b: {  	s22 =	simm.s32 $0x1BFF;
	s21 =	sshll.u32 s6, $0x1;
	s3 =	sadd.s32 s4, s19  }
0x9c: {  	s7 =	simm.s32 $0x0;
	s20 =	sshll.u32 s5, $0x1;
	s5 =	sadd.s32 s21, s3  }
0x9d: {  	[timem:s7], [sflag:s22] =	dma.local [hbm:s5], s20  }
0x9e: {  	_ =	swait.ge [sflag:s22], s20  }
0x9f: {  	s4 =	ssub.s32 $0x0, s20;
	[sflag:s22] =	ssyncset.done $0x0  }
0xa0: {  	[sflag:s22] =	ssyncadd.s32 s4;
	_ =	sdelay $0x1  }
0xa1: {  	s23 =	simm.s32 $0x1B8B  }
0xa2: {  	_ =	swait.ge [sflag:s23], $0x1  }
0xa3: {  	[sflag:s23] =	ssyncset.done $0x0  }
0xa4: {  	s25 =	simm.s32 $0x1B8E;
	s24 =	sld [smem:$0x3FFE];
	[sflag:s23] =	ssyncadd.s32 $0xFFFFFFFF  }
0xa5: {  	s26 =	simm.s32 $execute0_lowered;
	[smem:$0x3FD2] =	sst s25  }
0xa6: {  	s5 =	sshll.u32 s26, $0x1;
	_ =	strace $0x80000046;
	[dreg:$0x1] =	wrdreg $0xFFFFFFFF  }
0xa7: {  	s28 =	simm.s32 $_size_execute0_lowered;
	s3 =	sadd.s32 s3, s5;
	[dreg:$0x0] =	wrdreg $0x0  }
0xa8: {  	s5 =	sshll.u32 s28, $0x1;
	[dreg:$0x2] =	wrdreg s3  }
0xa9: {  	[dreg:$0x3] =	wrdreg s5  }
0xaa: {  	[dreg:$0x4] =	wrdreg $0xC0  }
0xab: {  	_ =	task [dreg:s7], $0x5FFFF  }
0xac: {  	[dreg:$0x1] =	wrdreg $0xFFFFFFFF  }
0xad: {  	[dreg:$0x0] =	wrdreg $0x60  }
0xae: {  	[dreg:$0x2] =	wrdreg s2  }
0xaf: {  	[dreg:$0x3] =	wrdreg s24  }
0xb0: {  	[dreg:$0x4] =	wrdreg $0x9  }
0xb1: {  	_ =	task.clear_ibuf [dreg:s7], $0x5FFFF;
	_ =	strace $0x90000046  }
0xb2: {  	s29 =	simm.s32 $0x9;
	_ =	strace $0x80000048  }
0xb3: {  	_ =	swait.ge [sflag:s29], $0x1  }
0xb4: {  	[sflag:s29] =	ssyncadd.s32 $0xFFFFFFFF  }
0xb5: {  	_ =	strace $0x90000048  }
0xb6: {  	_ =	sfence  }
0xb7: {  	s30 =	sld [smem:$0x0];
	_ =	sdelay $0x2  }
0xb8: {  	s31 =	sshll.u32 s1, $0xD;
	s1 =	sshrl.u32 s1, $0x2  }
0xb9: {  	s3 =	sand.u32 $0x4000, s31;
	s1 =	sadd.s32 s1, s30  }
0xba: {  	s0 =	sor.u32 s3, s0;
	s1 =	sshll.u32 s1, $0x11  }
0xbb: {  	s0 =	sor.u32 s1, s0  }
0xbc: {  	s0 =	sadd.s32 $0x8F2B, s0  }
0xbd: {  	[sflag:s0] =	ssyncadd.remote.s32 $0x1  }
0xbe: {  	_ =	sfence.sel $0xFFFF  }
0xbf: {  	[dreg:$0x0] =	wrdreg $0xFFFFFFFF;
	(pc) =	sbr.abs _section_cstart, $3  }
0xc0: {  	[dreg:$0x1] =	wrdreg $0xFFFFFFFF  }
0xc1: {  	_ =	task.clear_ibuf [dreg:s7], $0x2FFFF;
	_ =	strace $0x9FFFFFFF  }
0xc2: {  	(tm) =	ssettm $0x7FFFFFFF  }
0xc3: {  	_ =	shalt  }
tec
execute0_lowered:
.L_overlay_start_1:
0x0: {  	(tag) =	ssettag $0x1  }
0x1: {  	s3 =	rddreg [dreg:$0x0]  }
0x2: {  	s4 =	rddreg [dreg:$0x1]  }
0x3: {  	s2 =	srdreg.scid;
	s1 =	stileid.u32  }
0x4: {  	s0 =	rddreg [dreg:$0x2];
	s9 =	simm.s32 $0x1000;
	s10 =	simm.s32 $0x0  }
0x5: {  	s5 =	sand.u32 $0x1, s2;
	s30 =	sshll.u32 s1, $0x5;
	s6 =	sshll.u32 s1, $0xA  }
0x6: {  	s2 =	simm.s32 $0x0;
	s7 =	sshll.u32 s5, $0x4;
	s8 =	sand.u32 $0x60, s30  }
0x7: {  	s6 =	sand.u32 $0x3000, s6;
	[smem:$0x7FF] =	sst s2;
	s5 =	ssub.s32 $0x2, s5  }
0x8: {  	s7 =	sor.u32 s7, s8;
	_ =	strace $0x80000047;
	s31 =	sshrl.u32 s5, $0x1  }
0x9: {  	s8 =	simm.s32 $0x1;
	s6 =	sor.u32 s6, s7;
	s5 =	ssub.s32 s5, s31  }
0xa: {  	s7 =	simm.s32 $0x400;
	s4 =	sadd.s32 s6, s4;
	s3 =	sadd.s32 s3, s6  }
0xb: {  	v0 =	vimm.s32 $0x0;
	v1 =	vimm.f32 $-1.000000020e+30;
	s5 =	smax.u32 s5, $0x1;
	s6 =	simm.s32 $0x80;
	s4 =	sadd.s32 $0x1200, s4  }
.LBB2_1:
0xc: {  	[tilespmem:s2], [sflag:$0x1] =	stream.strided.gather [hbm4b:s3+s6], $0x1000, s7, s6, $0x38;
	[tilespmem:$0x2000] =	vst v63  }
0xd: {  	_ =	swait.ge [sflag:s8], $0x1000  }
0xe: {  	[sflag:s8] =	ssyncset.done $0x0  }
0xf: {  	s11 =	simm.s32 $0xFFFFFF00;
	[sflag:s8] =	ssyncadd.s32 $0xFFFFF000  }
0x10: {  	v2 =	vld [tilespmem:s11+$0x1000]  }
0x11: {  	v3 =	vld [tilespmem:s11+$0x100]  }
0x12: {  	v4 =	vld [tilespmem:s11+$0x200]  }
0x13: {  	v5 =	vld [tilespmem:s11+$0x300]  }
0x14: {  	v6 =	vld [tilespmem:s11+$0x400]  }
0x15: {  	v7 =	vld [tilespmem:s11+$0x500]  }
0x16: {  	v8 =	vld [tilespmem:s11+$0x600]  }
0x17: {  	v9 =	vld [tilespmem:s11+$0x700]  }
0x18: {  	v10 =	vld [tilespmem:s11+$0x800]  }
0x19: {  	v11 =	vld [tilespmem:s11+$0x900]  }
0x1a: {  	v12 =	vld [tilespmem:s11+$0xA00]  }
0x1b: {  	v13 =	vld [tilespmem:s11+$0xB00]  }
0x1c: {  	v15 =	vld [tilespmem:s11+$0xC00]  }
0x1d: {  	v16 =	vld [tilespmem:s11+$0xD00]  }
0x1e: {  	v17 =	vld [tilespmem:s11+$0xE00];
	v3 =	vshll.u32 v3, $0x4  }
0x1f: {  	v2 =	vshll.u32 v2, $0x4;
	v4 =	vshll.u32 v4, $0x4;
	v5 =	vshll.u32 v5, $0x4  }
0x20: {  	v6 =	vshll.u32 v6, $0x4;
	v7 =	vshll.u32 v7, $0x4;
	v18 =	vshll.u32 v8, $0x4  }
0x21: {  	v19 =	vshll.u32 v9, $0x4;
	v14 =	vshll.u32 v10, $0x4;
	v20 =	vshll.u32 v11, $0x4  }
0x22: {  	v12 =	vshll.u32 v12, $0x4;
	v13 =	vshll.u32 v13, $0x4;
	v15 =	vshll.u32 v15, $0x4  }
0x23: {  	v21 =	vshll.u32 v16, $0x4;
	v16 =	vshll.u32 v17, $0x4;
	vm0 =	vge.s32 v15, v2  }
0x24: {  	v11 =	vor.u32 $0xF, v3;
	v9 =	vor.u32 $0xE, v4;
	vm1 =	vge.s32 v14, v2  }
0x25: {  	v10 =	vor.u32 $0xD, v5;
	v8 =	vor.u32 $0xC, v6;
	v7 =	vor.u32 $0xB, v7  }
0x26: {  	v6 =	vor.u32 $0xA, v18;
	v5 =	vor.u32 $0x9, v19;
	v4 =	vor.u32 $0x7, v20  }
0x27: {  	v3 =	vor.u32 $0x6, v12;
	vm6 =	vge.s32 v16, v2;
	vm2 =	vgt.s32 v11, v2  }
0x28: {  	vm3 =	vgt.s32 v9, v2;
	vm9 =	vgt.s32 v10, v2;
	vm10 =	vgt.s32 v8, v2  }
0x29: {  	vm11 =	vgt.s32 v7, v2;
	vm12 =	vgt.s32 v6, v2;
	vm13 =	vgt.s32 v5, v2  }
0x2a: {  	vm14 =	vgt.s32 v4, v2;
	vm15 =	vgt.s32 v3, v2;
	vm8 =	vgt.s32 v9, v11  }
0x2b: {  	v12 =	vsel vm2, $0x1, v0;
	v17 =	vsel vm3, $0x1, v0;
	v18 =	vsel vm12, $0x1, v0  }
0x2c: {  	v19 =	vsel vm15, $0x1, v0;
	vm12 =	vgt.s32 v10, v9;
	v23 =	vsel vm8, $0x1, v0  }
0x2d: {  	vm15 =	vgt.s32 v9, v8;
	vm8 =	vgt.s32 v11, v7;
	v12 =	vadd.s32 v17, v12  }
0x2e: {  	v17 =	vsel vm9, $0x1, v0;
	v26 =	vsel vm12, $0x1, v0;
	v30 =	vsel vm15, $0x1, v0  }
0x2f: {  	vm12 =	vgt.s32 v11, v5;
	v31 =	vsel vm8, $0x1, v0;
	vm8 =	vgt.s32 v11, v4  }
0x30: {  	v12 =	vadd.s32 v17, v12;
	v17 =	vsel vm10, $0x1, v0;
	vm10 =	vgt.s32 v10, v11  }
0x31: {  	v35 =	vsel vm12, $0x1, v0;
	v39 =	vsel vm8, $0x1, v0;
	v12 =	vadd.s32 v17, v12  }
0x32: {  	v17 =	vsel vm11, $0x1, v0;
	vm11 =	vgt.s32 v11, v9;
	v24 =	vsel vm10, $0x1, v0  }
0x33: {  	vm10 =	vgt.s32 v11, v6;
	v17 =	vadd.s32 v17, v12;
	v12 =	vor.u32 $0x5, v13  }
0x34: {  	v25 =	vsel vm11, $0x1, v0;
	vm11 =	vgt.s32 v9, v6;
	v33 =	vsel vm10, $0x1, v0  }
0x35: {  	vm10 =	vgt.s32 v11, v3;
	v23 =	vadd.s32 v23, v24;
	v13 =	vadd.s32 v18, v17  }
0x36: {  	v17 =	vsel vm13, $0x1, v0;
	vm4 =	vgt.s32 v12, v2;
	vm13 =	vgt.s32 v9, v10  }
0x37: {  	v34 =	vsel vm11, $0x1, v0;
	vm11 =	vgt.s32 v9, v3;
	vm12 =	vgt.s32 v11, v12  }
0x38: {  	v41 =	vsel vm10, $0x1, v0;
	v24 =	vadd.s32 v25, v26;
	v13 =	vadd.s32 v17, v13  }
0x39: {  	v17 =	vsel vm1, $0x1, v0;
	v28 =	vsel vm13, $0x1, v0;
	vm13 =	vgt.s32 v9, v5  }
0x3a: {  	v42 =	vsel vm11, $0x1, v0;
	v43 =	vsel vm12, $0x1, v0;
	v13 =	vadd.s32 v17, v13  }
0x3b: {  	v17 =	vsel vm14, $0x1, v0;
	vm14 =	vgt.s32 v11, v8;
	v36 =	vsel vm13, $0x1, v0  }
0x3c: {  	v18 =	vld [tilespmem:s11+$0xF00];
	vm13 =	vgt.s32 v9, v12;
	v17 =	vadd.s32 v17, v13;
	v13 =	vor.u32 $0x3, v21  }
0x3d: {  	v21 =	vor.u32 $0x8, v14;
	v29 =	vsel vm14, $0x1, v0;
	v44 =	vsel vm13, $0x1, v0  }
0x3e: {  	v17 =	vadd.s32 v19, v17;
	v19 =	vsel vm4, $0x1, v0;
	vm5 =	vgt.s32 v13, v2  }
0x3f: {  	vm4 =	vgt.s32 v11, v10;
	vm14 =	vgt.s32 v11, v21;
	vm15 =	vgt.s32 v9, v21  }
0x40: {  	vm8 =	vgt.s32 v11, v13;
	v26 =	vadd.s32 v30, v29;
	v29 =	vadd.s32 v36, v35  }
0x41: {  	v17 =	vadd.s32 v19, v17;
	v19 =	vsel vm0, $0x1, v0;
	v22 =	vshll.u32 v18, $0x4  }
0x42: {  	v18 =	vsel vm6, $0x1, v0;
	v27 =	vsel vm4, $0x1, v0;
	v37 =	vsel vm14, $0x1, v0  }
0x43: {  	v38 =	vsel vm15, $0x1, v0;
	v47 =	vsel vm8, $0x1, v0;
	vm8 =	vgt.s32 v8, v10  }
0x44: {  	vm4 =	vgt.s32 v2, v5;
	vm6 =	vgt.s32 v2, v4;
	v17 =	vadd.s32 v19, v17  }
0x45: {  	v19 =	vsel vm5, $0x1, v0;
	vm7 =	vge.s32 v22, v2;
	v55 =	vsel vm8, $0x1, v0  }
0x46: {  	vm8 =	vgt.s32 v10, v12;
	v25 =	vadd.s32 v28, v27;
	v28 =	vadd.s32 v34, v33  }
0x47: {  	v30 =	vadd.s32 v38, v37;
	v33 =	vadd.s32 v44, v43;
	vm5 =	vgt.s32 v2, v21  }
0x48: {  	v17 =	vadd.s32 v19, v17;
	v20 =	vsel vm7, $0x1, v0;
	v19 =	vor.u32 $0x4, v15  }
0x49: {  	v38 =	vsel vm8, $0x1, v0;
	vm8 =	vgt.s32 v7, v8;
	v25 =	vadd.s32 v55, v25  }
0x4a: {  	vm7 =	vgt.s32 v2, v3;
	v17 =	vadd.s32 v18, v17;
	v18 =	vor.u32 $0x2, v16  }
0x4b: {  	vm14 =	vgt.s32 v11, v19;
	vm15 =	vgt.s32 v9, v19;
	v33 =	vadd.s32 v38, v33  }
0x4c: {  	v20 =	vadd.s32 v20, v17;
	v17 =	vor.u32 $0x1, v22;
	vm10 =	vgt.s32 v11, v18  }
0x4d: {  	v45 =	vsel vm14, $0x1, v0;
	vm11 =	vgt.s32 v9, v18;
	v46 =	vsel vm15, $0x1, v0  }
0x4e: {  	vm14 =	vgt.s32 v8, v11;
	vm15 =	vgt.s32 v8, v9;
	vm9 =	vlt.u32 v20, $0x8  }
0x4f: {  	vm12 =	vgt.s32 v11, v17;
	vm13 =	vgt.s32 v9, v17;
	v49 =	vsel vm10, $0x1, v0  }
0x50: {  	v50 =	vsel vm11, $0x1, v0;
	vm10 =	vgt.s32 v10, v7;
	v53 =	vsel vm14, $0x1, v0  }
0x51: {  	vm11 =	vgt.s32 v10, v6;
	v54 =	vsel vm15, $0x1, v0;
	vm14 =	vgt.s32 v10, v4  }
0x52: {  	vm15 =	vgt.s32 v10, v3;
	v34 =	vadd.s32 v46, v45;
	v46 =	vsel vm8, $0x1, v0  }
0x53: {  	vm8 =	vgt.s32 v8, v19;
	v20 =	vsel vm9, $0x0, v1;
	vm9 =	vgt.s32 v9, v7  }
0x54: {  	v51 =	vsel vm12, $0x1, v0;
	v52 =	vsel vm13, $0x1, v0;
	vm12 =	vgt.s32 v10, v5  }
0x55: {  	vm13 =	vgt.s32 v10, v21;
	v57 =	vsel vm10, $0x1, v0;
	v58 =	vsel vm11, $0x1, v0  }
0x56: {  	vm10 =	vgt.s32 v10, v13;
	v61 =	vsel vm14, $0x1, v0;
	vm11 =	vgt.s32 v10, v18  }
0x57: {  	v62 =	vsel vm15, $0x1, v0;
	v36 =	vadd.s32 v50, v49;
	vm14 =	vgt.s32 v7, v9  }
0x58: {  	vm15 =	vgt.s32 v7, v10;
	v23 =	vadd.s32 v53, v23;
	v24 =	vadd.s32 v54, v24  }
0x59: {  	v32 =	vsel vm9, $0x1, v0;
	vm9 =	vgt.s32 v9, v4;
	v59 =	vsel vm12, $0x1, v0  }
0x5a: {  	v60 =	vsel vm13, $0x1, v0;
	vm12 =	vgt.s32 v10, v17;
	v37 =	vadd.s32 v52, v51  }
0x5b: {  	vm13 =	vgt.s32 v7, v11;
	v44 =	vsel vm14, $0x1, v0;
	v45 =	vsel vm15, $0x1, v0  }
0x5c: {  	vm14 =	vgt.s32 v8, v3;
	vm15 =	vgt.s32 v8, v12;
	v28 =	vadd.s32 v58, v28  }
0x5d: {  	v40 =	vsel vm9, $0x1, v0;
	vm9 =	vgt.s32 v9, v13;
	v27 =	vadd.s32 v32, v31  }
0x5e: {  	v32 =	vadd.s32 v42, v41;
	v41 =	vsel vm11, $0x1, v0;
	v63 =	vsel vm12, $0x1, v0  }
0x5f: {  	v43 =	vsel vm13, $0x1, v0;
	vm11 =	vgt.s32 v8, v5;
	vm12 =	vgt.s32 v8, v21  }
0x60: {  	vm13 =	vgt.s32 v8, v4;
	v52 =	vsel vm14, $0x1, v0;
	v29 =	vadd.s32 v59, v29  }
0x61: {  	v30 =	vadd.s32 v60, v30;
	v38 =	vsel vm15, $0x1, v0;
	vm14 =	vgt.s32 v6, v10  }
0x62: {  	vm15 =	vgt.s32 v6, v8;
	v24 =	vadd.s32 v44, v24;
	v25 =	vadd.s32 v45, v25  }
0x63: {  	v48 =	vsel vm9, $0x1, v0;
	vm9 =	vgt.s32 v10, v8;
	v31 =	vadd.s32 v40, v39  }
0x64: {  	v40 =	vsel vm10, $0x1, v0;
	vm10 =	vgt.s32 v8, v6;
	v49 =	vsel vm11, $0x1, v0  }
0x65: {  	v50 =	vsel vm12, $0x1, v0;
	v51 =	vsel vm13, $0x1, v0;
	vm11 =	vgt.s32 v8, v17  }
0x66: {  	v27 =	vadd.s32 v57, v27;
	v32 =	vadd.s32 v62, v32;
	v36 =	vadd.s32 v41, v36  }
0x67: {  	v37 =	vadd.s32 v63, v37;
	vm12 =	vgt.s32 v6, v11;
	vm13 =	vgt.s32 v6, v9  }
0x68: {  	v55 =	vsel vm14, $0x1, v0;
	vm14 =	vgt.s32 v7, v12;
	v23 =	vadd.s32 v43, v23  }
0x69: {  	v33 =	vadd.s32 v38, v33;
	v56 =	vsel vm9, $0x1, v0;
	vm9 =	vgt.s32 v10, v19  }
0x6a: {  	v35 =	vadd.s32 v48, v47;
	v48 =	vsel vm10, $0x1, v0;
	vm10 =	vgt.s32 v8, v18  }
0x6b: {  	v31 =	vadd.s32 v61, v31;
	v42 =	vsel vm11, $0x1, v0;
	v53 =	vsel vm12, $0x1, v0  }
0x6c: {  	v54 =	vsel vm13, $0x1, v0;
	vm11 =	vgt.s32 v7, v21;
	vm12 =	vgt.s32 v7, v4  }
0x6d: {  	vm13 =	vgt.s32 v7, v3;
	v29 =	vadd.s32 v49, v29;
	v30 =	vadd.s32 v50, v30  }
0x6e: {  	v32 =	vadd.s32 v52, v32;
	v38 =	vsel vm14, $0x1, v0;
	vm14 =	vgt.s32 v5, v8  }
0x6f: {  	v25 =	vadd.s32 v55, v25;
	v39 =	vsel vm9, $0x1, v0;
	vm9 =	vgt.s32 v8, v7  }
0x70: {  	v26 =	vadd.s32 v56, v26;
	v35 =	vadd.s32 v40, v35;
	v41 =	vsel vm10, $0x1, v0  }
0x71: {  	vm10 =	vgt.s32 v7, v5;
	v56 =	vsel vm15, $0x1, v0;
	vm15 =	vgt.s32 v7, v19  }
0x72: {  	v60 =	vsel vm11, $0x1, v0;
	v61 =	vsel vm12, $0x1, v0;
	v62 =	vsel vm13, $0x1, v0  }
0x73: {  	v28 =	vadd.s32 v48, v28;
	v31 =	vadd.s32 v51, v31;
	v37 =	vadd.s32 v42, v37  }
0x74: {  	vm11 =	vgt.s32 v5, v11;
	vm12 =	vgt.s32 v5, v9;
	vm13 =	vgt.s32 v5, v10  }
0x75: {  	v23 =	vadd.s32 v53, v23;
	v24 =	vadd.s32 v54, v24;
	v33 =	vadd.s32 v38, v33  }
0x76: {  	v47 =	vsel vm9, $0x1, v0;
	vm9 =	vgt.s32 v8, v13;
	v34 =	vadd.s32 v39, v34  }
0x77: {  	v39 =	vsel vm8, $0x1, v0;
	vm8 =	vgt.s32 v6, v7;
	v59 =	vsel vm10, $0x1, v0  }
0x78: {  	vm10 =	vgt.s32 v7, v17;
	v26 =	vadd.s32 v46, v26;
	v36 =	vadd.s32 v41, v36  }
0x79: {  	v43 =	vsel vm11, $0x1, v0;
	v44 =	vsel vm12, $0x1, v0;
	v45 =	vsel vm13, $0x1, v0  }
0x7a: {  	v46 =	vsel vm14, $0x1, v0;
	vm11 =	vgt.s32 v6, v4;
	vm12 =	vgt.s32 v6, v3  }
0x7b: {  	vm13 =	vgt.s32 v6, v12;
	vm14 =	vgt.s32 v6, v19;
	v30 =	vadd.s32 v60, v30  }
0x7c: {  	v31 =	vadd.s32 v61, v31;
	v32 =	vadd.s32 v62, v32;
	v40 =	vsel vm9, $0x1, v0  }
0x7d: {  	vm9 =	vgt.s32 v7, v6;
	v57 =	vsel vm8, $0x1, v0;
	vm8 =	vgt.s32 v7, v13  }
0x7e: {  	v27 =	vadd.s32 v47, v27;
	v34 =	vadd.s32 v39, v34;
	v39 =	vsel vm15, $0x1, v0  }
0x7f: {  	v63 =	vsel vm10, $0x1, v0;
	vm15 =	vgt.s32 v5, v7;
	vm10 =	vgt.s32 v6, v21  }
0x80: {  	v51 =	vsel vm11, $0x1, v0;
	v52 =	vsel vm12, $0x1, v0;
	v26 =	vadd.s32 v56, v26  }
0x81: {  	v29 =	vadd.s32 v59, v29;
	v38 =	vsel vm13, $0x1, v0;
	vm11 =	vgt.s32 v21, v9  }
0x82: {  	vm12 =	vgt.s32 v21, v10;
	vm13 =	vgt.s32 v21, v8;
	v23 =	vadd.s32 v43, v23  }
0x83: {  	v24 =	vadd.s32 v44, v24;
	v25 =	vadd.s32 v45, v25;
	v58 =	vsel vm9, $0x1, v0  }
0x84: {  	vm9 =	vgt.s32 v7, v18;
	v35 =	vadd.s32 v40, v35;
	v40 =	vsel vm8, $0x1, v0  }
0x85: {  	vm8 =	vgt.s32 v5, v6;
	v47 =	vsel vm15, $0x1, v0;
	v50 =	vsel vm10, $0x1, v0  }
0x86: {  	vm15 =	vgt.s32 v6, v13;
	v27 =	vadd.s32 v57, v27;
	v34 =	vadd.s32 v39, v34  }
0x87: {  	v37 =	vadd.s32 v63, v37;
	v39 =	vsel vm14, $0x1, v0;
	vm10 =	vgt.s32 v21, v11  }
0x88: {  	vm14 =	vgt.s32 v21, v7;
	v54 =	vsel vm11, $0x1, v0;
	v55 =	vsel vm12, $0x1, v0  }
0x89: {  	v56 =	vsel vm13, $0x1, v0;
	vm11 =	vgt.s32 v5, v3;
	vm12 =	vgt.s32 v5, v12  }
0x8a: {  	vm13 =	vgt.s32 v5, v19;
	v26 =	vadd.s32 v46, v26;
	v31 =	vadd.s32 v51, v31  }
0x8b: {  	v32 =	vadd.s32 v52, v32;
	v33 =	vadd.s32 v38, v33;
	v41 =	vsel vm9, $0x1, v0  }
0x8c: {  	vm9 =	vgt.s32 v6, v5;
	v48 =	vsel vm8, $0x1, v0;
	vm8 =	vgt.s32 v6, v18  }
0x8d: {  	v28 =	vadd.s32 v58, v28;
	v35 =	vadd.s32 v40, v35;
	v40 =	vsel vm15, $0x1, v0  }
0x8e: {  	v53 =	vsel vm10, $0x1, v0;
	vm15 =	vgt.s32 v21, v6;
	vm10 =	vgt.s32 v5, v4  }
0x8f: {  	v57 =	vsel vm14, $0x1, v0;
	vm14 =	vgt.s32 v5, v13;
	v62 =	vsel vm11, $0x1, v0  }
0x90: {  	v27 =	vadd.s32 v47, v27;
	v30 =	vadd.s32 v50, v30;
	v34 =	vadd.s32 v39, v34  }
0x91: {  	v38 =	vsel vm12, $0x1, v0;
	v39 =	vsel vm13, $0x1, v0;
	vm11 =	vgt.s32 v4, v10  }
0x92: {  	vm12 =	vgt.s32 v4, v8;
	vm13 =	vgt.s32 v4, v7;
	v24 =	vadd.s32 v54, v24  }
0x93: {  	v25 =	vadd.s32 v55, v25;
	v26 =	vadd.s32 v56, v26;
	v49 =	vsel vm9, $0x1, v0  }
0x94: {  	vm9 =	vgt.s32 v6, v17;
	v36 =	vadd.s32 v41, v36;
	v41 =	vsel vm8, $0x1, v0  }
0x95: {  	vm8 =	vgt.s32 v21, v5;
	v58 =	vsel vm15, $0x1, v0;
	v61 =	vsel vm10, $0x1, v0  }
0x96: {  	vm15 =	vgt.s32 v5, v18;
	v28 =	vadd.s32 v48, v28;
	v35 =	vadd.s32 v40, v35  }
0x97: {  	v40 =	vsel vm14, $0x1, v0;
	vm10 =	vgt.s32 v4, v9;
	vm14 =	vgt.s32 v4, v6  }
0x98: {  	v45 =	vsel vm11, $0x1, v0;
	v46 =	vsel vm12, $0x1, v0;
	v47 =	vsel vm13, $0x1, v0  }
0x99: {  	vm11 =	vgt.s32 v21, v12;
	vm12 =	vgt.s32 v21, v19;
	vm13 =	vgt.s32 v21, v13  }
0x9a: {  	v23 =	vadd.s32 v53, v23;
	v27 =	vadd.s32 v57, v27;
	v32 =	vadd.s32 v62, v32  }
0x9b: {  	v33 =	vadd.s32 v38, v33;
	v34 =	vadd.s32 v39, v34;
	v42 =	vsel vm9, $0x1, v0  }
0x9c: {  	vm9 =	vgt.s32 v5, v21;
	v59 =	vsel vm8, $0x1, v0;
	vm8 =	vgt.s32 v5, v17  }
0x9d: {  	v29 =	vadd.s32 v49, v29;
	v36 =	vadd.s32 v41, v36;
	v41 =	vsel vm15, $0x1, v0  }
0x9e: {  	v44 =	vsel vm10, $0x1, v0;
	vm15 =	vgt.s32 v4, v5;
	vm10 =	vgt.s32 v21, v3  }
0x9f: {  	v48 =	vsel vm14, $0x1, v0;
	vm14 =	vgt.s32 v21, v18;
	v28 =	vadd.s32 v58, v28  }
0xa0: {  	v31 =	vadd.s32 v61, v31;
	v35 =	vadd.s32 v40, v35;
	v38 =	vsel vm11, $0x1, v0  }
0xa1: {  	v39 =	vsel vm12, $0x1, v0;
	v40 =	vsel vm13, $0x1, v0;
	vm11 =	vgt.s32 v3, v8  }
0xa2: {  	vm12 =	vgt.s32 v3, v7;
	vm13 =	vgt.s32 v3, v6;
	v25 =	vadd.s32 v45, v25  }
0xa3: {  	v26 =	vadd.s32 v46, v26;
	v27 =	vadd.s32 v47, v27;
	v60 =	vsel vm9, $0x1, v0  }
0xa4: {  	v37 =	vadd.s32 v42, v37;
	v63 =	vsel vm8, $0x1, v0;
	vm9 =	vgt.s32 v4, v11  }
0xa5: {  	vm8 =	vgt.s32 v4, v21;
	v49 =	vsel vm15, $0x1, v0;
	v52 =	vsel vm10, $0x1, v0  }
0xa6: {  	vm15 =	vgt.s32 v21, v17;
	v29 =	vadd.s32 v59, v29;
	v36 =	vadd.s32 v41, v36  }
0xa7: {  	v41 =	vsel vm14, $0x1, v0;
	vm10 =	vgt.s32 v3, v10;
	vm14 =	vgt.s32 v3, v5  }
0xa8: {  	v56 =	vsel vm11, $0x1, v0;
	v57 =	vsel vm12, $0x1, v0;
	v58 =	vsel vm13, $0x1, v0  }
0xa9: {  	vm11 =	vgt.s32 v4, v19;
	vm12 =	vgt.s32 v4, v13;
	vm13 =	vgt.s32 v4, v18  }
0xaa: {  	v24 =	vadd.s32 v44, v24;
	v28 =	vadd.s32 v48, v28;
	v33 =	vadd.s32 v38, v33  }
0xab: {  	v34 =	vadd.s32 v39, v34;
	v35 =	vadd.s32 v40, v35;
	v43 =	vsel vm9, $0x1, v0  }
0xac: {  	vm9 =	vgt.s32 v21, v4;
	v50 =	vsel vm8, $0x1, v0;
	v30 =	vadd.s32 v60, v30  }
0xad: {  	v37 =	vadd.s32 v63, v37;
	v42 =	vsel vm15, $0x1, v0;
	vm8 =	vgt.s32 v3, v11  }
0xae: {  	v55 =	vsel vm10, $0x1, v0;
	vm15 =	vgt.s32 v3, v21;
	vm10 =	vgt.s32 v4, v12  }
0xaf: {  	v59 =	vsel vm14, $0x1, v0;
	vm14 =	vgt.s32 v4, v17;
	v29 =	vadd.s32 v49, v29  }
0xb0: {  	v32 =	vadd.s32 v52, v32;
	v36 =	vadd.s32 v41, v36;
	v39 =	vsel vm11, $0x1, v0  }
0xb1: {  	v40 =	vsel vm12, $0x1, v0;
	v41 =	vsel vm13, $0x1, v0;
	vm11 =	vgt.s32 v12, v7  }
0xb2: {  	vm12 =	vgt.s32 v12, v6;
	vm13 =	vgt.s32 v12, v5;
	v26 =	vadd.s32 v56, v26  }
0xb3: {  	v27 =	vadd.s32 v57, v27;
	v28 =	vadd.s32 v58, v28;
	v51 =	vsel vm9, $0x1, v0  }
0xb4: {  	vm9 =	vgt.s32 v3, v9;
	v53 =	vsel vm8, $0x1, v0;
	vm8 =	vgt.s32 v3, v4  }
0xb5: {  	v60 =	vsel vm15, $0x1, v0;
	v23 =	vadd.s32 v43, v23;
	v30 =	vadd.s32 v50, v30  }
0xb6: {  	v37 =	vadd.s32 v42, v37;
	v38 =	vsel vm10, $0x1, v0;
	v63 =	vsel vm14, $0x1, v0  }
0xb7: {  	vm15 =	vgt.s32 v12, v11;
	vm10 =	vgt.s32 v12, v8;
	vm14 =	vgt.s32 v12, v21  }
0xb8: {  	v47 =	vsel vm11, $0x1, v0;
	v48 =	vsel vm12, $0x1, v0;
	v49 =	vsel vm13, $0x1, v0  }
0xb9: {  	vm11 =	vgt.s32 v3, v13;
	vm12 =	vgt.s32 v3, v18;
	vm13 =	vgt.s32 v3, v17  }
0xba: {  	v25 =	vadd.s32 v55, v25;
	v29 =	vadd.s32 v59, v29;
	v34 =	vadd.s32 v39, v34  }
0xbb: {  	v35 =	vadd.s32 v40, v35;
	v36 =	vadd.s32 v41, v36;
	v54 =	vsel vm9, $0x1, v0  }
0xbc: {  	vm9 =	vgt.s32 v4, v3;
	v61 =	vsel vm8, $0x1, v0;
	v31 =	vadd.s32 v51, v31  }
0xbd: {  	vm8 =	vgt.s32 v12, v9;
	v43 =	vsel vm15, $0x1, v0;
	v46 =	vsel vm10, $0x1, v0  }
0xbe: {  	vm15 =	vgt.s32 v12, v4;
	vm10 =	vgt.s32 v3, v19;
	v50 =	vsel vm14, $0x1, v0  }
0xbf: {  	v23 =	vadd.s32 v53, v23;
	v30 =	vadd.s32 v60, v30;
	v33 =	vadd.s32 v38, v33  }
0xc0: {  	v37 =	vadd.s32 v63, v37;
	v40 =	vsel vm11, $0x1, v0;
	v41 =	vsel vm12, $0x1, v0  }
0xc1: {  	v42 =	vsel vm13, $0x1, v0;
	vm14 =	vgt.s32 v19, v11;
	vm11 =	vgt.s32 v19, v6  }
0xc2: {  	vm12 =	vgt.s32 v19, v5;
	vm13 =	vgt.s32 v19, v4;
	v27 =	vadd.s32 v47, v27  }
0xc3: {  	v28 =	vadd.s32 v48, v28;
	v29 =	vadd.s32 v49, v29;
	v62 =	vsel vm9, $0x1, v0  }
0xc4: {  	vm9 =	vgt.s32 v12, v10;
	v44 =	vsel vm8, $0x1, v0;
	vm8 =	vgt.s32 v12, v3  }
0xc5: {  	v51 =	vsel vm15, $0x1, v0;
	v24 =	vadd.s32 v54, v24;
	v31 =	vadd.s32 v61, v31  }
0xc6: {  	v39 =	vsel vm10, $0x1, v0;
	vm15 =	vgt.s32 v19, v9;
	vm10 =	vgt.s32 v19, v7  }
0xc7: {  	v53 =	vsel vm14, $0x1, v0;
	vm14 =	vgt.s32 v19, v3;
	v58 =	vsel vm11, $0x1, v0  }
0xc8: {  	v59 =	vsel vm12, $0x1, v0;
	v60 =	vsel vm13, $0x1, v0;
	vm11 =	vgt.s32 v12, v18  }
0xc9: {  	vm12 =	vgt.s32 v12, v17;
	v23 =	vadd.s32 v43, v23;
	v26 =	vadd.s32 v46, v26  }
0xca: {  	v30 =	vadd.s32 v50, v30;
	v35 =	vadd.s32 v40, v35;
	v36 =	vadd.s32 v41, v36  }
0xcb: {  	v37 =	vadd.s32 v42, v37;
	vm13 =	vgt.s32 v13, v11;
	v45 =	vsel vm9, $0x1, v0  }
0xcc: {  	vm9 =	vgt.s32 v3, v12;
	v52 =	vsel vm8, $0x1, v0;
	v32 =	vadd.s32 v62, v32  }
0xcd: {  	vm8 =	vgt.s32 v19, v10;
	v54 =	vsel vm15, $0x1, v0;
	v57 =	vsel vm10, $0x1, v0  }
0xce: {  	vm15 =	vgt.s32 v19, v12;
	vm10 =	vgt.s32 v15, v14;
	v61 =	vsel vm14, $0x1, v0  }
0xcf: {  	v24 =	vadd.s32 v44, v24;
	v31 =	vadd.s32 v51, v31;
	v34 =	vadd.s32 v39, v34  }
0xd0: {  	v40 =	vsel vm11, $0x1, v0;
	v41 =	vsel vm12, $0x1, v0;
	vm14 =	vgt.s32 v13, v9  }
0xd1: {  	v43 =	vsel vm13, $0x1, v0;
	vm11 =	vgt.s32 v13, v5;
	vm12 =	vgt.s32 v13, v21  }
0xd2: {  	vm13 =	vgt.s32 v13, v4;
	v23 =	vadd.s32 v53, v23;
	v28 =	vadd.s32 v58, v28  }
0xd3: {  	v29 =	vadd.s32 v59, v29;
	v21 =	vsel vm4, $0x1, v0;
	v38 =	vsel vm9, $0x1, v0  }
0xd4: {  	vm9 =	vge.s32 v15, v8;
	v55 =	vsel vm8, $0x1, v0;
	vm8 =	vgt.s32 v12, v19  }
0xd5: {  	v62 =	vsel vm15, $0x1, v0;
	v25 =	vadd.s32 v45, v25;
	v32 =	vadd.s32 v52, v32  }
0xd6: {  	vm15 =	vgt.s32 v13, v10;
	v63 =	vsel vm10, $0x1, v0;
	vm10 =	vgt.s32 v13, v6  }
0xd7: {  	v44 =	vsel vm14, $0x1, v0;
	vm14 =	vgt.s32 v13, v3;
	v49 =	vsel vm11, $0x1, v0  }
0xd8: {  	v50 =	vsel vm12, $0x1, v0;
	v52 =	vsel vm13, $0x1, v0;
	vm11 =	vgt.s32 v19, v17  }
0xd9: {  	v24 =	vadd.s32 v54, v24;
	v27 =	vadd.s32 v57, v27;
	v31 =	vadd.s32 v60, v31  }
0xda: {  	v36 =	vadd.s32 v40, v36;
	v37 =	vadd.s32 v41, v37;
	vm12 =	vgt.s32 v18, v11  }
0xdb: {  	vm13 =	vge.s32 v16, v9;
	v23 =	vadd.s32 v43, v23;
	v56 =	vsel vm9, $0x1, v0  }
0xdc: {  	vm9 =	vgt.s32 v12, v13;
	v33 =	vadd.s32 v38, v33;
	v38 =	vsel vm8, $0x1, v0  }
0xdd: {  	vm8 =	vgt.s32 v13, v8;
	v45 =	vsel vm15, $0x1, v0;
	v48 =	vsel vm10, $0x1, v0  }
0xde: {  	[tilespmem:$0x1FFF0] =	vst v20;
	vm15 =	vgt.s32 v13, v12;
	vm10 =	vgt.s32 v19, v18;
	v20 =	vsel vm14, $0x1, v0  }
0xdf: {  	v25 =	vadd.s32 v55, v25;
	v30 =	vadd.s32 v63, v30;
	v51 =	vadd.s32 v61, v32  }
0xe0: {  	v42 =	vsel vm11, $0x1, v0;
	vm14 =	vgt.s32 v18, v10;
	v53 =	vsel vm12, $0x1, v0  }
0xe1: {  	v54 =	vsel vm13, $0x1, v0;
	vm11 =	vgt.s32 v18, v4;
	vm12 =	vge.s32 v16, v3  }
0xe2: {  	vm13 =	vgt.s32 v18, v12;
	v24 =	vadd.s32 v44, v24;
	v29 =	vadd.s32 v49, v29  }
0xe3: {  	v31 =	vadd.s32 v52, v31;
	v39 =	vsel vm9, $0x1, v0;
	vm9 =	vgt.s32 v13, v7  }
0xe4: {  	v46 =	vsel vm8, $0x1, v0;
	vm8 =	vgt.s32 v13, v19;
	v26 =	vadd.s32 v56, v26  }
0xe5: {  	[tilespmem:$0x1FFB0] =	vst v20;
	v20 =	vadd.s32 v62, v33;
	v41 =	vsel vm10, $0x1, v0;
	vm10 =	vgt.s32 v18, v5  }
0xe6: {  	v55 =	vsel vm14, $0x1, v0;
	vm14 =	vgt.s32 v18, v13;
	v60 =	vsel vm11, $0x1, v0  }
0xe7: {  	v61 =	vsel vm12, $0x1, v0;
	v62 =	vsel vm13, $0x1, v0;
	v25 =	vadd.s32 v45, v25  }
0xe8: {  	v28 =	vadd.s32 v48, v28;
	v30 =	vadd.s32 v50, v30;
	vm11 =	vge.s32 v22, v11  }
0xe9: {  	vm12 =	vge.s32 v22, v9;
	vm13 =	vge.s32 v22, v10;
	v37 =	vadd.s32 v42, v37  }
0xea: {  	v23 =	vadd.s32 v53, v23;
	v24 =	vadd.s32 v54, v24;
	v47 =	vsel vm9, $0x1, v0  }
0xeb: {  	vm9 =	vgt.s32 v19, v13;
	[tilespmem:$0x1FFC0] =	vst v20;
	v20 =	vadd.s32 v38, v34;
	v38 =	vsel vm15, $0x1, v0  }
0xec: {  	vm15 =	vge.s32 v16, v8;
	v59 =	vsel vm10, $0x1, v0;
	vm10 =	vgt.s32 v13, v17  }
0xed: {  	v26 =	vadd.s32 v46, v26;
	v43 =	vsel vm14, $0x1, v0;
	vm14 =	vge.s32 v22, v8  }
0xee: {  	v48 =	vsel vm11, $0x1, v0;
	v49 =	vsel vm12, $0x1, v0;
	v50 =	vsel vm13, $0x1, v0  }
0xef: {  	vm11 =	vge.s32 v22, v3;
	vm12 =	vge.s32 v22, v12;
	vm13 =	vgt.s32 v22, v14  }
0xf0: {  	v36 =	vadd.s32 v41, v36;
	v25 =	vadd.s32 v55, v25;
	v31 =	vadd.s32 v60, v31  }
0xf1: {  	v3 =	vsel vm6, $0x1, v0;
	[tilespmem:$0x1FFD0] =	vst v20;
	v20 =	vadd.s32 v39, v35;
	v39 =	vsel vm8, $0x1, v0  }
0xf2: {  	v40 =	vsel vm9, $0x1, v0;
	vm8 =	vgt.s32 v18, v7;
	vm9 =	vge.s32 v16, v6  }
0xf3: {  	v56 =	vsel vm15, $0x1, v0;
	vm15 =	vgt.s32 v13, v18;
	v27 =	vadd.s32 v47, v27  }
0xf4: {  	v45 =	vsel vm10, $0x1, v0;
	vm10 =	vge.s32 v22, v4;
	v63 =	vsel vm14, $0x1, v0  }
0xf5: {  	vm14 =	vgt.s32 v22, v15;
	v29 =	vadd.s32 v59, v29;
	v4 =	vsel vm5, $0x1, v0  }
0xf6: {  	v57 =	vsel vm8, $0x1, v0;
	v58 =	vsel vm9, $0x1, v0;
	vm8 =	vgt.s32 v16, v14  }
0xf7: {  	vm9 =	vgt.s32 v16, v15;
	v44 =	vsel vm15, $0x1, v0;
	vm15 =	vge.s32 v22, v7  }
0xf8: {  	v32 =	vsel vm10, $0x1, v0;
	v15 =	vsel vm11, $0x1, v0;
	v26 =	vadd.s32 v56, v26  }
0xf9: {  	v37 =	vadd.s32 v45, v37;
	vm10 =	vgt.s32 v2, v11;
	vm11 =	vgt.s32 v2, v9  }
0xfa: {  	v46 =	vsel vm8, $0x1, v0;
	v47 =	vsel vm9, $0x1, v0;
	vm8 =	vge.s32 v22, v6  }
0xfb: {  	vm9 =	vge.s32 v22, v5;
	v34 =	vsel vm15, $0x1, v0;
	vm15 =	vgt.s32 v22, v16  }
0xfc: {  	v27 =	vadd.s32 v57, v27;
	v28 =	vadd.s32 v58, v28;
	v36 =	vadd.s32 v44, v36  }
0xfd: {  	v9 =	vsel vm10, $0x1, v0;
	vm10 =	vgt.s32 v2, v13;
	v33 =	vsel vm8, $0x1, v0  }
0xfe: {  	[tilespmem:$0x1FFE0] =	vst v20;
	v20 =	vsel vm9, $0x1, v0;
	vm8 =	vge.s32 v22, v13;
	v22 =	vsel vm12, $0x1, v0  }
0xff: {  	vm9 =	vgt.s32 v18, v17;
	v30 =	vadd.s32 v46, v30;
	v46 =	vsel vm14, $0x1, v0  }
0x100: {  	v14 =	vld [tilespmem:$0x1FFB0];
	v11 =	vsel vm15, $0x1, v0;
	vm12 =	vgt.s32 v2, v10;
	v10 =	vsel vm11, $0x1, v0  }
0x101: {  	v35 =	vld [tilespmem:$0x1FFD0];
	vm14 =	vgt.s32 v2, v7;
	vm15 =	vgt.s32 v2, v6;
	vm11 =	vgt.s32 v2, v18  }
0x102: {  	v18 =	vsel vm10, $0x1, v0;
	v52 =	vsel vm8, $0x1, v0;
	v16 =	vsel vm9, $0x1, v0  }
0x103: {  	v6 =	vsel vm14, $0x1, v0;
	v5 =	vsel vm15, $0x1, v0;
	vm8 =	vgt.s32 v2, v12  }
0x104: {  	vm9 =	vgt.s32 v2, v19;
	v12 =	vld [tilespmem:$0x1FFF0];
	v20 =	vadd.s32 v20, v29;
	v57 =	vadd.s32 v11, v36  }
0x105: {  	v58 =	vsel vm11, $0x1, v0;
	v19 =	vsel vm8, $0x1, v0;
	v51 =	vadd.s32 v14, v51;
	v14 =	vld [tilespmem:$0x1FFC0]  }
0x106: {  	v13 =	vsel vm9, $0x1, v0;
	v16 =	vadd.s32 v16, v37;
	v39 =	vadd.s32 v39, v35;
	v35 =	vld [tilespmem:$0x1FFE0]  }
0x107: {  	v61 =	vadd.s32 v61, v51;
	v39 =	vadd.s32 v47, v39;
	v47 =	vsel vm7, $0x1, v0  }
0x108: {  	v51 =	vadd.s32 v32, v31;
	v15 =	vadd.s32 v15, v61;
	v54 =	vadd.s32 v46, v39  }
0x109: {  	v3 =	vadd.s32 v3, v51;
	[tilespmem:s11+$0x2000] =	vst v12;
	v12 =	vadd.s32 v49, v24;
	v13 =	vadd.s32 v13, v54  }
0x10a: {  	vm9 =	vlt.u32 v3, $0x8;
	v38 =	vadd.s32 v38, v14;
	v14 =	vsel vm13, $0x1, v0  }
0x10b: {  	v35 =	vadd.s32 v40, v35;
	vm13 =	vgt.s32 v2, v8;
	v8 =	vsel vm12, $0x1, v0  }
0x10c: {  	vm12 =	vgt.s32 v2, v17;
	v2 =	vadd.s32 v48, v23;
	v17 =	vadd.s32 v50, v25  }
0x10d: {  	v23 =	vadd.s32 v63, v26;
	v25 =	vadd.s32 v34, v27;
	v26 =	vadd.s32 v33, v28  }
0x10e: {  	s13 =	simm.s32 $0xFFFFFF10;
	v38 =	vadd.s32 v62, v38;
	v35 =	vadd.s32 v43, v35;
	v7 =	vsel vm13, $0x1, v0  }
0x10f: {  	v24 =	vld [tilespmem:s13+$0x1000];
	v14 =	vadd.s32 v14, v30;
	v60 =	vsel vm12, $0x1, v0;
	v2 =	vadd.s32 v9, v2  }
0x110: {  	v53 =	vld [tilespmem:s13+$0x200];
	v9 =	vadd.s32 v10, v12;
	v8 =	vadd.s32 v8, v17;
	v6 =	vadd.s32 v6, v25  }
0x111: {  	v56 =	vld [tilespmem:s13+$0x300];
	v5 =	vadd.s32 v5, v26;
	v17 =	vadd.s32 v21, v20;
	v21 =	vadd.s32 v47, v15  }
0x112: {  	v59 =	vld [tilespmem:s13+$0x400];
	v25 =	vadd.s32 v58, v57;
	vm12 =	vlt.u32 v13, $0x8;
	v22 =	vadd.s32 v22, v38  }
0x113: {  	v11 =	vld [tilespmem:s13+$0x600];
	v55 =	vadd.s32 v52, v35;
	v7 =	vadd.s32 v7, v23;
	v4 =	vadd.s32 v4, v14  }
0x114: {  	v27 =	vld [tilespmem:s13+$0x100];
	v26 =	vadd.s32 v60, v16;
	vm13 =	vlt.u32 v2, $0x8;
	vm14 =	vlt.u32 v9, $0x8  }
0x115: {  	v10 =	vld [tilespmem:s13+$0x500];
	vm15 =	vlt.u32 v8, $0x8;
	vm5 =	vlt.u32 v6, $0x8;
	vm6 =	vlt.u32 v5, $0x8  }
0x116: {  	v12 =	vld [tilespmem:s13+$0x700];
	vm7 =	vlt.u32 v17, $0x8;
	vm10 =	vlt.u32 v21, $0x8;
	v5 =	vsel vm12, $0x0, v1  }
0x117: {  	v15 =	vld [tilespmem:s13+$0x900];
	v22 =	vadd.s32 v19, v22;
	v23 =	vadd.s32 v18, v55;
	v2 =	vsel vm13, $0x0, v1  }
0x118: {  	v14 =	vld [tilespmem:s13+$0x800];
	v8 =	vsel vm14, $0x0, v1;
	vm4 =	vlt.u32 v7, $0x8;
	v61 =	vsel vm15, $0x0, v1  }
0x119: {  	v16 =	vld [tilespmem:s13+$0xA00];
	v62 =	vsel vm5, $0x0, v1;
	v63 =	vsel vm6, $0x0, v1;
	vm8 =	vlt.u32 v4, $0x8  }
0x11a: {  	v18 =	vld [tilespmem:s13+$0xB00];
	v9 =	vsel vm7, $0x0, v1;
	v4 =	vsel vm9, $0x0, v1;
	v3 =	vsel vm10, $0x0, v1;
	[tilespmem:s11+$0x1100] =	vst v2  }
0x11b: {  	vm14 =	vlt.u32 v25, $0x8;
	vm15 =	vlt.u32 v26, $0x8;
	v2 =	vsel vm4, $0x0, v1;
	v19 =	vld [tilespmem:s13+$0xC00];
	[tilespmem:s11+$0x1200] =	vst v8  }
0x11c: {  	v7 =	vsel vm8, $0x0, v1;
	vm11 =	vlt.u32 v22, $0x8;
	vm13 =	vlt.u32 v23, $0x8;
	v20 =	vld [tilespmem:s13+$0xD00];
	[tilespmem:s11+$0x1300] =	vst v61  }
0x11d: {  	v17 =	vsel vm14, $0x0, v1;
	v13 =	vsel vm15, $0x0, v1;
	v26 =	vshll.u32 v53, $0x4;
	v21 =	vld [tilespmem:s13+$0xE00];
	[tilespmem:s11+$0x1400] =	vst v2  }
0x11e: {  	v23 =	vshll.u32 v56, $0x4;
	v6 =	vsel vm11, $0x0, v1;
	v8 =	vsel vm13, $0x0, v1;
	v25 =	vld [tilespmem:s13+$0xF00];
	[tilespmem:s11+$0x1500] =	vst v62  }
0x11f: {  	s12 =	simm.s32 $0xFFFFFC80;
	v22 =	vshll.u32 v27, $0x4;
	v2 =	vshll.u32 v24, $0x4;
	v24 =	vshll.u32 v59, $0x4;
	[tilespmem:s11+$0x1600] =	vst v63  }
.LBB2_2:
0x120: {  	v10 =	vshll.u32 v10, $0x4;
	v11 =	vshll.u32 v11, $0x4;
	[tilespmem:s11+$0x1700] =	vst v9  }
0x121: {  	v27 =	vshll.u32 v12, $0x4;
	v12 =	vshll.u32 v14, $0x4;
	v28 =	vshll.u32 v15, $0x4;
	[tilespmem:s11+$0x1900] =	vst v4  }
0x122: {  	v29 =	vshll.u32 v16, $0x4;
	v18 =	vshll.u32 v18, $0x4;
	[tilespmem:s11+$0x1A00] =	vst v3;
	v3 =	vor.u32 $0xF, v22  }
0x123: {  	v4 =	vor.u32 $0xE, v26;
	[tilespmem:s11+$0x1B00] =	vst v6;
	v9 =	vor.u32 $0xD, v23;
	v6 =	vor.u32 $0xC, v24  }
0x124: {  	[tilespmem:s11+$0x1800] =	vst v7;
	v23 =	vimm.s32 $0x0;
	v14 =	vshll.u32 v19, $0x4;
	vm1 =	vge.s32 v12, v2  }
0x125: {  	[tilespmem:s11+$0x1C00] =	vst v5;
	v7 =	vor.u32 $0xB, v10;
	v11 =	vor.u32 $0xA, v11;
	v10 =	vor.u32 $0x9, v27  }
0x126: {  	[tilespmem:s11+$0x1D00] =	vst v8;
	v5 =	vor.u32 $0x7, v28;
	v8 =	vor.u32 $0x6, v29;
	vm2 =	vgt.s32 v3, v2  }
0x127: {  	vm3 =	vgt.s32 v4, v2;
	vm11 =	vgt.s32 v9, v2;
	vm12 =	vgt.s32 v6, v2  }
0x128: {  	vm10 =	vgt.s32 v4, v3;
	v19 =	vshll.u32 v20, $0x4;
	vm0 =	vge.s32 v14, v2  }
0x129: {  	[tilespmem:s11+$0x1E00] =	vst v17;
	v17 =	vsel vm2, $0x1, v0;
	v20 =	vsel vm3, $0x1, v0;
	vm13 =	vgt.s32 v7, v2  }
0x12a: {  	vm14 =	vgt.s32 v11, v2;
	vm15 =	vgt.s32 v10, v2;
	vm4 =	vgt.s32 v5, v2  }
0x12b: {  	vm5 =	vgt.s32 v8, v2;
	v23 =	vsel vm10, $0xFFFFFFFF, v23;
	vm10 =	vgt.s32 v3, v11  }
0x12c: {  	vm2 =	vgt.s32 v3, v8;
	vm3 =	vgt.s32 v4, v8;
	v15 =	vshll.u32 v21, $0x4  }
0x12d: {  	[tilespmem:s11+$0x1F00] =	vst v13;
	v13 =	vadd.s32 v20, v17;
	v17 =	vsel vm11, $0x1, v0;
	v20 =	vsel vm14, $0x1, v0  }
0x12e: {  	v21 =	vor.u32 $0x8, v12;
	[tilespmem:$0x1FEC0] =	vst v23;
	vm14 =	vgt.s32 v9, v4;
	v23 =	vimm.s32 $0x0  }
0x12f: {  	v32 =	vsel vm10, $0x1, v0;
	v40 =	vsel vm2, $0x1, v0;
	v41 =	vsel vm3, $0x1, v0  }
0x130: {  	vm2 =	vgt.s32 v6, v9;
	vm3 =	vgt.s32 v9, v6;
	v16 =	vshll.u32 v25, $0x4  }
0x131: {  	v13 =	vadd.s32 v17, v13;
	v17 =	vsel vm12, $0x1, v0;
	vm8 =	vge.s32 v15, v2  }
0x132: {  	vm12 =	vgt.s32 v9, v3;
	v23 =	vsel vm14, $0xFFFFFFFF, v23;
	vm14 =	vgt.s32 v3, v21  }
0x133: {  	v13 =	vadd.s32 v17, v13;
	v17 =	vsel vm13, $0x1, v0;
	vm9 =	vge.s32 v16, v2  }
0x134: {  	vm13 =	vgt.s32 v3, v4;
	[tilespmem:$0x1FEF0] =	vst v23;
	v23 =	vimm.s32 $0x0;
	v36 =	vsel vm14, $0x1, v0  }
0x135: {  	v17 =	vadd.s32 v17, v13;
	v13 =	vor.u32 $0x5, v18;
	v18 =	vsel vm15, $0x1, v0  }
0x136: {  	v22 =	vsel vm9, $0x1, v0;
	vm15 =	vgt.s32 v3, v9;
	vm9 =	vgt.s32 v4, v7  }
0x137: {  	v17 =	vadd.s32 v20, v17;
	v20 =	vsel vm5, $0x1, v0;
	vm6 =	vgt.s32 v13, v2  }
0x138: {  	v23 =	vsel vm15, $0xFFFFFFFF, v23;
	vm15 =	vgt.s32 v4, v21;
	vm5 =	vgt.s32 v3, v5  }
0x139: {  	v31 =	vsel vm9, $0x1, v0;
	v17 =	vadd.s32 v18, v17;
	v18 =	vsel vm1, $0x1, v0  }
0x13a: {  	[tilespmem:$0x1FF00] =	vst v23;
	v23 =	vimm.s32 $0x0;
	v17 =	vadd.s32 v18, v17;
	v18 =	vsel vm4, $0x1, v0  }
0x13b: {  	vm1 =	vgt.s32 v4, v5;
	v37 =	vsel vm15, $0x1, v0;
	v18 =	vadd.s32 v18, v17  }
0x13c: {  	v17 =	vor.u32 $0x3, v19;
	v19 =	vsel vm6, $0x1, v0;
	v18 =	vadd.s32 v20, v18  }
0x13d: {  	vm7 =	vgt.s32 v17, v2;
	v18 =	vadd.s32 v19, v18;
	v19 =	vsel vm0, $0x1, v0  }
0x13e: {  	vm15 =	vgt.s32 v16, v12;
	v18 =	vadd.s32 v19, v18;
	v19 =	vsel vm7, $0x1, v0  }
0x13f: {  	vm4 =	vgt.s32 v4, v9;
	v18 =	vadd.s32 v19, v18;
	v19 =	vsel vm8, $0x1, v0  }
0x140: {  	v39 =	vsel vm1, $0x1, v0;
	vm1 =	vgt.s32 v6, v4;
	v19 =	vadd.s32 v19, v18  }
0x141: {  	v29 =	vadd.s32 v37, v36;
	v23 =	vsel vm4, $0xFFFFFFFF, v23;
	v22 =	vadd.s32 v22, v19  }
0x142: {  	vm6 =	vgt.s32 v3, v6;
	vm11 =	vlt.u32 v22, $0x8;
	v22 =	vimm.s32 $0x0  }
0x143: {  	vm4 =	vgt.s32 v3, v13;
	v20 =	vor.u32 $0x4, v14;
	v22 =	vsel vm12, $0xFFFFFFFF, v22  }
0x144: {  	v55 =	vsel vm6, $0x1, v0;
	v42 =	vsel vm4, $0x1, v0;
	[tilespmem:$0x1FED0] =	vst v22;
	v22 =	vimm.s32 $0x0  }
0x145: {  	vm4 =	vgt.s32 v9, v7;
	vm0 =	vgt.s32 v3, v20;
	v22 =	vsel vm13, $0xFFFFFFFF, v22  }
0x146: {  	s11 =	smov.u32 s13;
	vm7 =	vgt.s32 v4, v6;
	vm8 =	vgt.s32 v3, v7;
	[tilespmem:$0x1FEE0] =	vst v22;
	v22 =	vsel vm11, $0x0, v1  }
0x147: {  	v56 =	vsel vm7, $0x1, v0;
	v18 =	vor.u32 $0x2, v15;
	[tilespmem:s11+$0x2000] =	vst v22;
	v22 =	vimm.s32 $0x0  }
0x148: {  	v30 =	vsel vm8, $0x1, v0;
	vm12 =	vgt.s32 v3, v10;
	v22 =	vsel vm5, $0xFFFFFFFF, v22  }
0x149: {  	v19 =	vor.u32 $0x1, v16;
	v34 =	vsel vm12, $0x1, v0;
	[tilespmem:$0x1FF20] =	vst v22;
	v22 =	vimm.s32 $0x0  }
0x14a: {  	vm13 =	vgt.s32 v4, v10;
	vm11 =	vgt.s32 v4, v11;
	v22 =	vsel vm0, $0xFFFFFFFF, v22  }
0x14b: {  	v35 =	vsel vm13, $0x1, v0;
	vm0 =	vgt.s32 v4, v20;
	v38 =	vld [tilespmem:$0x1FF20];
	[tilespmem:$0x1FF30] =	vst v22;
	v22 =	vimm.s32 $0x0  }
0x14c: {  	v33 =	vsel vm11, $0x1, v0;
	v28 =	vadd.s32 v35, v34;
	v22 =	vsel vm0, $0xFFFFFFFF, v22  }
0x14d: {  	vm5 =	vgt.s32 v4, v13;
	vm0 =	vgt.s32 v3, v17;
	v44 =	vld [tilespmem:$0x1FF30];
	[tilespmem:$0x1FF40] =	vst v22;
	v22 =	vimm.s32 $0x0  }
0x14e: {  	v43 =	vsel vm5, $0x1, v0;
	vm5 =	vgt.s32 v9, v11;
	v22 =	vsel vm0, $0xFFFFFFFF, v22  }
0x14f: {  	v57 =	vsel vm5, $0x1, v0;
	vm0 =	vgt.s32 v4, v17;
	[tilespmem:$0x1FF50] =	vst v22;
	v22 =	vimm.s32 $0x0  }
0x150: {  	vm5 =	vgt.s32 v6, v11;
	vm6 =	vnez.u8 v38;
	v22 =	vsel vm0, $0xFFFFFFFF, v22  }
0x151: {  	v45 =	vld [tilespmem:$0x1FF40];
	vm0 =	vgt.s32 v3, v18;
	v38 =	vsel vm6, $0x1, v0;
	vm6 =	vgt.s32 v9, v10  }
0x152: {  	[tilespmem:$0x1FF60] =	vst v22;
	v22 =	vimm.s32 $0x0;
	vm7 =	vnez.u8 v44;
	v58 =	vsel vm6, $0x1, v0  }
0x153: {  	vm6 =	vgt.s32 v6, v10;
	v22 =	vsel vm0, $0xFFFFFFFF, v22;
	vm0 =	vgt.s32 v4, v18  }
0x154: {  	v44 =	vsel vm7, $0x1, v0;
	vm7 =	vgt.s32 v9, v21;
	v28 =	vadd.s32 v58, v28  }
0x155: {  	v58 =	vsel vm6, $0x1, v0;
	vm6 =	vgt.s32 v7, v10;
	[tilespmem:$0x1FF70] =	vst v22;
	v22 =	vimm.s32 $0x0  }
0x156: {  	v46 =	vld [tilespmem:$0x1FF50];
	vm8 =	vnez.u8 v45;
	v59 =	vsel vm7, $0x1, v0;
	vm7 =	vgt.s32 v6, v21  }
0x157: {  	v28 =	vadd.s32 v58, v28;
	v58 =	vsel vm6, $0x1, v0;
	vm6 =	vgt.s32 v11, v10  }
0x158: {  	v22 =	vsel vm0, $0xFFFFFFFF, v22;
	vm0 =	vgt.s32 v3, v19;
	v45 =	vsel vm8, $0x1, v0  }
0x159: {  	vm8 =	vgt.s32 v9, v5;
	v29 =	vadd.s32 v59, v29;
	v59 =	vsel vm7, $0x1, v0  }
0x15a: {  	vm7 =	vgt.s32 v7, v21;
	v28 =	vadd.s32 v58, v28;
	v58 =	vsel vm6, $0x1, v0  }
0x15b: {  	vm6 =	vgt.s32 v21, v10;
	[tilespmem:$0x1FF80] =	vst v22;
	v22 =	vimm.s32 $0x0;
	vm9 =	vnez.u8 v46  }
0x15c: {  	v60 =	vsel vm8, $0x1, v0;
	vm8 =	vgt.s32 v6, v5;
	v29 =	vadd.s32 v59, v29  }
0x15d: {  	v47 =	vld [tilespmem:$0x1FF60];
	v59 =	vsel vm7, $0x1, v0;
	vm7 =	vgt.s32 v11, v21;
	v28 =	vadd.s32 v58, v28  }
0x15e: {  	v58 =	vsel vm6, $0x1, v0;
	vm6 =	vgt.s32 v5, v10;
	v22 =	vsel vm0, $0xFFFFFFFF, v22  }
0x15f: {  	vm0 =	vgt.s32 v4, v19;
	v46 =	vsel vm9, $0x1, v0;
	vm9 =	vgt.s32 v9, v8  }
0x160: {  	v29 =	vadd.s32 v59, v29;
	v59 =	vsel vm7, $0x1, v0;
	vm7 =	vgt.s32 v10, v21  }
0x161: {  	v28 =	vadd.s32 v58, v28;
	v58 =	vsel vm6, $0x1, v0;
	vm6 =	vgt.s32 v8, v10  }
0x162: {  	[tilespmem:$0x1FF90] =	vst v22;
	v22 =	vimm.s32 $0x0;
	vm10 =	vnez.u8 v47;
	v61 =	vsel vm9, $0x1, v0  }
0x163: {  	v48 =	vld [tilespmem:$0x1FF70];
	vm9 =	vgt.s32 v6, v8;
	v29 =	vadd.s32 v59, v29;
	v59 =	vsel vm7, $0x1, v0  }
0x164: {  	vm7 =	vgt.s32 v5, v21;
	v28 =	vadd.s32 v58, v28;
	v58 =	vsel vm6, $0x1, v0  }
0x165: {  	vm6 =	vgt.s32 v13, v10;
	v22 =	vsel vm0, $0xFFFFFFFF, v22;
	v47 =	vsel vm10, $0x1, v0  }
0x166: {  	vm10 =	vgt.s32 v9, v13;
	v29 =	vadd.s32 v59, v29;
	v59 =	vsel vm7, $0x1, v0  }
0x167: {  	v49 =	vld [tilespmem:$0x1FF80];
	vm7 =	vgt.s32 v8, v21;
	v28 =	vadd.s32 v58, v28;
	v58 =	vsel vm6, $0x1, v0  }
0x168: {  	vm6 =	vgt.s32 v20, v11;
	vm11 =	vnez.u8 v48;
	v34 =	vadd.s32 v47, v46  }
0x169: {  	v62 =	vsel vm10, $0x1, v0;
	vm10 =	vgt.s32 v6, v13;
	v29 =	vadd.s32 v59, v29  }
0x16a: {  	v50 =	vld [tilespmem:$0x1FF90];
	v59 =	vsel vm7, $0x1, v0;
	vm7 =	vgt.s32 v13, v21;
	v28 =	vadd.s32 v58, v28  }
0x16b: {  	v48 =	vsel vm11, $0x1, v0;
	vm11 =	vgt.s32 v9, v20;
	v29 =	vadd.s32 v59, v29  }
0x16c: {  	[tilespmem:$0x1FFA0] =	vst v22;
	v22 =	vld [tilespmem:$0x1FEC0];
	v59 =	vsel vm7, $0x1, v0;
	vm7 =	vgt.s32 v20, v10;
	vm12 =	vnez.u8 v49  }
0x16d: {  	[tilespmem:$0x1FF10] =	vst v23;
	v23 =	vld [tilespmem:$0x1FED0];
	v63 =	vsel vm11, $0x1, v0;
	vm11 =	vgt.s32 v6, v20;
	v29 =	vadd.s32 v59, v29  }
0x16e: {  	v51 =	vld [tilespmem:$0x1FFA0];
	v58 =	vsel vm7, $0x1, v0;
	vm7 =	vgt.s32 v17, v11;
	v49 =	vsel vm12, $0x1, v0  }
0x16f: {  	vm12 =	vgt.s32 v9, v17;
	v28 =	vadd.s32 v58, v28;
	vm13 =	vnez.u8 v50  }
0x170: {  	v24 =	vld [tilespmem:$0x1FEE0];
	v35 =	vadd.s32 v49, v48;
	v54 =	vsel vm12, $0x1, v0;
	vm12 =	vgt.s32 v6, v17  }
0x171: {  	vm0 =	vnez.u8 v22;
	v50 =	vsel vm13, $0x1, v0;
	vm13 =	vgt.s32 v9, v18  }
0x172: {  	v25 =	vld [tilespmem:$0x1FEF0];
	v34 =	vadd.s32 v54, v34;
	v54 =	vsel vm12, $0x1, v0;
	vm12 =	vgt.s32 v7, v17  }
0x173: {  	v22 =	vsel vm0, $0x1, v0;
	vm0 =	vnez.u8 v23;
	vm14 =	vnez.u8 v51  }
0x174: {  	v34 =	vadd.s32 v54, v34;
	v54 =	vsel vm12, $0x1, v0;
	vm12 =	vgt.s32 v11, v17  }
0x175: {  	v26 =	vld [tilespmem:$0x1FF00];
	v23 =	vsel vm0, $0x1, v0;
	vm0 =	vnez.u8 v24;
	v51 =	vsel vm14, $0x1, v0  }
0x176: {  	v27 =	vld [tilespmem:$0x1FF10];
	vm14 =	vgt.s32 v9, v19;
	v34 =	vadd.s32 v54, v34;
	v54 =	vsel vm12, $0x1, v0  }
0x177: {  	vm12 =	vgt.s32 v10, v17;
	v24 =	vsel vm0, $0x1, v0;
	vm0 =	vnez.u8 v25  }
0x178: {  	v22 =	vadd.s32 v22, v23;
	v36 =	vadd.s32 v51, v50;
	v34 =	vadd.s32 v54, v34  }
0x179: {  	v54 =	vsel vm12, $0x1, v0;
	vm12 =	vgt.s32 v21, v17;
	v25 =	vsel vm0, $0x1, v0  }
0x17a: {  	vm0 =	vnez.u8 v26;
	v34 =	vadd.s32 v54, v34;
	v54 =	vsel vm12, $0x1, v0  }
0x17b: {  	vm12 =	vgt.s32 v5, v17;
	v26 =	vsel vm0, $0x1, v0;
	vm0 =	vnez.u8 v27  }
0x17c: {  	v23 =	vadd.s32 v24, v25;
	v25 =	vadd.s32 v56, v55;
	v55 =	vsel vm13, $0x1, v0  }
0x17d: {  	v56 =	vsel vm14, $0x1, v0;
	vm13 =	vgt.s32 v6, v18;
	vm14 =	vgt.s32 v6, v19  }
0x17e: {  	v34 =	vadd.s32 v54, v34;
	v54 =	vsel vm12, $0x1, v0;
	vm12 =	vgt.s32 v8, v17  }
0x17f: {  	v27 =	vsel vm0, $0x1, v0;
	vm0 =	vgt.s32 v6, v3;
	v35 =	vadd.s32 v55, v35  }
0x180: {  	v36 =	vadd.s32 v56, v36;
	v55 =	vsel vm13, $0x1, v0;
	v56 =	vsel vm14, $0x1, v0  }
0x181: {  	vm13 =	vgt.s32 v7, v18;
	vm14 =	vgt.s32 v7, v19;
	v34 =	vadd.s32 v54, v34  }
0x182: {  	v54 =	vsel vm12, $0x1, v0;
	vm12 =	vgt.s32 v13, v17;
	v24 =	vadd.s32 v27, v26  }
0x183: {  	v26 =	vadd.s32 v31, v30;
	v27 =	vadd.s32 v33, v32;
	v30 =	vadd.s32 v39, v38  }
0x184: {  	v31 =	vadd.s32 v41, v40;
	v32 =	vadd.s32 v43, v42;
	v33 =	vadd.s32 v45, v44  }
0x185: {  	v37 =	vsel vm0, $0x1, v0;
	v38 =	vsel vm1, $0x1, v0;
	v39 =	vsel vm2, $0x1, v0  }
0x186: {  	v40 =	vsel vm3, $0x1, v0;
	v41 =	vsel vm4, $0x1, v0;
	vm0 =	vgt.s32 v7, v3  }
0x187: {  	vm1 =	vgt.s32 v7, v4;
	vm2 =	vgt.s32 v7, v9;
	vm3 =	vgt.s32 v7, v6  }
0x188: {  	vm4 =	vgt.s32 v6, v7;
	v35 =	vadd.s32 v55, v35;
	v36 =	vadd.s32 v56, v36  }
0x189: {  	v55 =	vsel vm13, $0x1, v0;
	v56 =	vsel vm14, $0x1, v0;
	vm13 =	vgt.s32 v11, v18  }
0x18a: {  	vm14 =	vgt.s32 v11, v19;
	v34 =	vadd.s32 v54, v34;
	v22 =	vadd.s32 v37, v22  }
0x18b: {  	v23 =	vadd.s32 v38, v23;
	v24 =	vadd.s32 v39, v24;
	v25 =	vadd.s32 v40, v25  }
0x18c: {  	v26 =	vadd.s32 v41, v26;
	v27 =	vadd.s32 v57, v27;
	v30 =	vadd.s32 v60, v30  }
0x18d: {  	v31 =	vadd.s32 v61, v31;
	v32 =	vadd.s32 v62, v32;
	v33 =	vadd.s32 v63, v33  }
0x18e: {  	v37 =	vsel vm0, $0x1, v0;
	v38 =	vsel vm1, $0x1, v0;
	v39 =	vsel vm2, $0x1, v0  }
0x18f: {  	v40 =	vsel vm3, $0x1, v0;
	v41 =	vsel vm4, $0x1, v0;
	v57 =	vsel vm5, $0x1, v0  }
0x190: {  	v60 =	vsel vm8, $0x1, v0;
	v61 =	vsel vm9, $0x1, v0;
	v62 =	vsel vm10, $0x1, v0  }
0x191: {  	v63 =	vsel vm11, $0x1, v0;
	vm0 =	vgt.s32 v11, v3;
	vm1 =	vgt.s32 v11, v4  }
0x192: {  	vm2 =	vgt.s32 v11, v9;
	vm3 =	vgt.s32 v11, v6;
	vm4 =	vgt.s32 v11, v7  }
0x193: {  	vm5 =	vgt.s32 v7, v11;
	vm8 =	vgt.s32 v7, v5;
	vm9 =	vgt.s32 v7, v8  }
0x194: {  	vm10 =	vgt.s32 v7, v13;
	vm11 =	vgt.s32 v7, v20;
	v35 =	vadd.s32 v55, v35  }
0x195: {  	v36 =	vadd.s32 v56, v36;
	v55 =	vsel vm13, $0x1, v0;
	v56 =	vsel vm14, $0x1, v0  }
0x196: {  	vm13 =	vgt.s32 v10, v18;
	vm14 =	vgt.s32 v10, v19;
	v22 =	vadd.s32 v37, v22  }
0x197: {  	v23 =	vadd.s32 v38, v23;
	v24 =	vadd.s32 v39, v24;
	v25 =	vadd.s32 v40, v25  }
0x198: {  	v26 =	vadd.s32 v41, v26;
	v27 =	vadd.s32 v57, v27;
	v30 =	vadd.s32 v60, v30  }
0x199: {  	v31 =	vadd.s32 v61, v31;
	v32 =	vadd.s32 v62, v32;
	v33 =	vadd.s32 v63, v33  }
0x19a: {  	v37 =	vsel vm0, $0x1, v0;
	v38 =	vsel vm1, $0x1, v0;
	v39 =	vsel vm2, $0x1, v0  }
0x19b: {  	v40 =	vsel vm3, $0x1, v0;
	v41 =	vsel vm4, $0x1, v0;
	v57 =	vsel vm5, $0x1, v0  }
0x19c: {  	v60 =	vsel vm8, $0x1, v0;
	v61 =	vsel vm9, $0x1, v0;
	v62 =	vsel vm10, $0x1, v0  }
0x19d: {  	v63 =	vsel vm11, $0x1, v0;
	vm0 =	vgt.s32 v10, v3;
	vm1 =	vgt.s32 v10, v4  }
0x19e: {  	vm2 =	vgt.s32 v10, v9;
	vm3 =	vgt.s32 v10, v6;
	vm4 =	vgt.s32 v10, v7  }
0x19f: {  	vm5 =	vgt.s32 v10, v11;
	vm8 =	vgt.s32 v11, v5;
	vm9 =	vgt.s32 v11, v8  }
0x1a0: {  	vm10 =	vgt.s32 v11, v13;
	vm11 =	vgt.s32 v11, v20;
	v35 =	vadd.s32 v55, v35  }
0x1a1: {  	v36 =	vadd.s32 v56, v36;
	v55 =	vsel vm13, $0x1, v0;
	v56 =	vsel vm14, $0x1, v0  }
0x1a2: {  	vm13 =	vgt.s32 v21, v18;
	vm14 =	vgt.s32 v21, v19;
	v22 =	vadd.s32 v37, v22  }
0x1a3: {  	v23 =	vadd.s32 v38, v23;
	v24 =	vadd.s32 v39, v24;
	v25 =	vadd.s32 v40, v25  }
0x1a4: {  	v26 =	vadd.s32 v41, v26;
	v27 =	vadd.s32 v57, v27;
	v30 =	vadd.s32 v60, v30  }
0x1a5: {  	v31 =	vadd.s32 v61, v31;
	v32 =	vadd.s32 v62, v32;
	v33 =	vadd.s32 v63, v33  }
0x1a6: {  	v37 =	vsel vm0, $0x1, v0;
	v38 =	vsel vm1, $0x1, v0;
	v39 =	vsel vm2, $0x1, v0  }
0x1a7: {  	v40 =	vsel vm3, $0x1, v0;
	v41 =	vsel vm4, $0x1, v0;
	v57 =	vsel vm5, $0x1, v0  }
0x1a8: {  	v60 =	vsel vm8, $0x1, v0;
	v61 =	vsel vm9, $0x1, v0;
	v62 =	vsel vm10, $0x1, v0  }
0x1a9: {  	v63 =	vsel vm11, $0x1, v0;
	vm0 =	vgt.s32 v21, v3;
	vm1 =	vgt.s32 v21, v4  }
0x1aa: {  	vm2 =	vgt.s32 v21, v9;
	vm3 =	vgt.s32 v21, v6;
	vm4 =	vgt.s32 v21, v7  }
0x1ab: {  	vm5 =	vgt.s32 v21, v11;
	vm8 =	vgt.s32 v10, v5;
	vm9 =	vgt.s32 v10, v8  }
0x1ac: {  	vm10 =	vgt.s32 v10, v13;
	vm11 =	vgt.s32 v10, v20;
	v35 =	vadd.s32 v55, v35  }
0x1ad: {  	v36 =	vadd.s32 v56, v36;
	v55 =	vsel vm13, $0x1, v0;
	v56 =	vsel vm14, $0x1, v0  }
0x1ae: {  	vm13 =	vgt.s32 v5, v18;
	vm14 =	vgt.s32 v5, v19;
	v22 =	vadd.s32 v37, v22  }
0x1af: {  	v23 =	vadd.s32 v38, v23;
	v24 =	vadd.s32 v39, v24;
	v25 =	vadd.s32 v40, v25  }
0x1b0: {  	v26 =	vadd.s32 v41, v26;
	v27 =	vadd.s32 v57, v27;
	v30 =	vadd.s32 v60, v30  }
0x1b1: {  	v31 =	vadd.s32 v61, v31;
	v32 =	vadd.s32 v62, v32;
	v33 =	vadd.s32 v63, v33  }
0x1b2: {  	v37 =	vsel vm0, $0x1, v0;
	v38 =	vsel vm1, $0x1, v0;
	v39 =	vsel vm2, $0x1, v0  }
0x1b3: {  	v40 =	vsel vm3, $0x1, v0;
	v41 =	vsel vm4, $0x1, v0;
	v57 =	vsel vm5, $0x1, v0  }
0x1b4: {  	v60 =	vsel vm8, $0x1, v0;
	v61 =	vsel vm9, $0x1, v0;
	v62 =	vsel vm10, $0x1, v0  }
0x1b5: {  	v63 =	vsel vm11, $0x1, v0;
	vm0 =	vgt.s32 v5, v3;
	vm1 =	vgt.s32 v5, v4  }
0x1b6: {  	vm2 =	vgt.s32 v5, v9;
	vm3 =	vgt.s32 v5, v6;
	vm4 =	vgt.s32 v5, v7  }
0x1b7: {  	vm5 =	vgt.s32 v5, v11;
	vm8 =	vgt.s32 v21, v5;
	vm9 =	vgt.s32 v21, v8  }
0x1b8: {  	vm10 =	vgt.s32 v21, v13;
	vm11 =	vgt.s32 v21, v20;
	v35 =	vadd.s32 v55, v35  }
0x1b9: {  	v36 =	vadd.s32 v56, v36;
	v55 =	vsel vm13, $0x1, v0;
	v56 =	vsel vm14, $0x1, v0  }
0x1ba: {  	vm13 =	vgt.s32 v8, v18;
	vm14 =	vgt.s32 v8, v19;
	v22 =	vadd.s32 v37, v22  }
0x1bb: {  	v23 =	vadd.s32 v38, v23;
	v24 =	vadd.s32 v39, v24;
	v25 =	vadd.s32 v40, v25  }
0x1bc: {  	v26 =	vadd.s32 v41, v26;
	v27 =	vadd.s32 v57, v27;
	v30 =	vadd.s32 v60, v30  }
0x1bd: {  	v31 =	vadd.s32 v61, v31;
	v32 =	vadd.s32 v62, v32;
	v33 =	vadd.s32 v63, v33  }
0x1be: {  	v37 =	vsel vm0, $0x1, v0;
	v38 =	vsel vm1, $0x1, v0;
	v39 =	vsel vm2, $0x1, v0  }
0x1bf: {  	v40 =	vsel vm3, $0x1, v0;
	v41 =	vsel vm4, $0x1, v0;
	v57 =	vsel vm5, $0x1, v0  }
0x1c0: {  	v60 =	vsel vm8, $0x1, v0;
	v61 =	vsel vm9, $0x1, v0;
	v62 =	vsel vm10, $0x1, v0  }
0x1c1: {  	v63 =	vsel vm11, $0x1, v0;
	vm0 =	vgt.s32 v8, v3;
	vm1 =	vgt.s32 v8, v4  }
0x1c2: {  	vm2 =	vgt.s32 v8, v9;
	vm3 =	vgt.s32 v8, v6;
	vm4 =	vgt.s32 v8, v7  }
0x1c3: {  	vm5 =	vgt.s32 v8, v11;
	vm8 =	vgt.s32 v8, v5;
	vm9 =	vgt.s32 v5, v8  }
0x1c4: {  	vm10 =	vgt.s32 v5, v13;
	vm11 =	vgt.s32 v5, v20;
	v35 =	vadd.s32 v55, v35  }
0x1c5: {  	v36 =	vadd.s32 v56, v36;
	v55 =	vsel vm13, $0x1, v0;
	v56 =	vsel vm14, $0x1, v0  }
0x1c6: {  	vm13 =	vgt.s32 v13, v18;
	vm14 =	vgt.s32 v13, v19;
	v22 =	vadd.s32 v37, v22  }
0x1c7: {  	v23 =	vadd.s32 v38, v23;
	v24 =	vadd.s32 v39, v24;
	v25 =	vadd.s32 v40, v25  }
0x1c8: {  	v26 =	vadd.s32 v41, v26;
	v27 =	vadd.s32 v57, v27;
	v30 =	vadd.s32 v60, v30  }
0x1c9: {  	v31 =	vadd.s32 v61, v31;
	v32 =	vadd.s32 v62, v32;
	v33 =	vadd.s32 v63, v33  }
0x1ca: {  	v37 =	vsel vm0, $0x1, v0;
	v38 =	vsel vm1, $0x1, v0;
	v39 =	vsel vm2, $0x1, v0  }
0x1cb: {  	v40 =	vsel vm3, $0x1, v0;
	v41 =	vsel vm4, $0x1, v0;
	v57 =	vsel vm5, $0x1, v0  }
0x1cc: {  	v60 =	vsel vm8, $0x1, v0;
	v61 =	vsel vm9, $0x1, v0;
	v62 =	vsel vm10, $0x1, v0  }
0x1cd: {  	v63 =	vsel vm11, $0x1, v0;
	vm0 =	vgt.s32 v13, v3;
	vm1 =	vgt.s32 v13, v4  }
0x1ce: {  	vm2 =	vgt.s32 v13, v9;
	vm3 =	vgt.s32 v13, v6;
	vm4 =	vgt.s32 v13, v7  }
0x1cf: {  	vm5 =	vgt.s32 v13, v11;
	vm8 =	vgt.s32 v13, v5;
	vm9 =	vgt.s32 v13, v8  }
0x1d0: {  	vm10 =	vgt.s32 v8, v13;
	vm11 =	vgt.s32 v8, v20;
	v35 =	vadd.s32 v55, v35  }
0x1d1: {  	v36 =	vadd.s32 v56, v36;
	v54 =	vsel vm13, $0x1, v0;
	v55 =	vsel vm14, $0x1, v0  }
0x1d2: {  	vm13 =	vgt.s32 v20, v18;
	vm14 =	vgt.s32 v20, v19;
	v22 =	vadd.s32 v37, v22  }
0x1d3: {  	v23 =	vadd.s32 v38, v23;
	v24 =	vadd.s32 v39, v24;
	v25 =	vadd.s32 v40, v25  }
0x1d4: {  	v26 =	vadd.s32 v41, v26;
	v27 =	vadd.s32 v57, v27;
	v30 =	vadd.s32 v60, v30  }
0x1d5: {  	v31 =	vadd.s32 v61, v31;
	v32 =	vadd.s32 v62, v32;
	v33 =	vadd.s32 v63, v33  }
0x1d6: {  	v37 =	vsel vm0, $0x1, v0;
	v38 =	vsel vm1, $0x1, v0;
	v39 =	vsel vm2, $0x1, v0  }
0x1d7: {  	v40 =	vsel vm3, $0x1, v0;
	v41 =	vsel vm4, $0x1, v0;
	v57 =	vsel vm5, $0x1, v0  }
0x1d8: {  	v60 =	vsel vm8, $0x1, v0;
	v61 =	vsel vm9, $0x1, v0;
	v62 =	vsel vm10, $0x1, v0  }
0x1d9: {  	v63 =	vsel vm11, $0x1, v0;
	vm1 =	vgt.s32 v20, v3;
	vm2 =	vgt.s32 v20, v4  }
0x1da: {  	vm3 =	vgt.s32 v20, v9;
	vm4 =	vge.s32 v14, v6;
	vm5 =	vgt.s32 v20, v7  }
0x1db: {  	vm8 =	vgt.s32 v20, v5;
	vm9 =	vgt.s32 v20, v8;
	vm10 =	vgt.s32 v20, v13  }
0x1dc: {  	vm11 =	vgt.s32 v13, v20;
	vm0 =	vgt.s32 v14, v12;
	v35 =	vadd.s32 v54, v35  }
0x1dd: {  	v36 =	vadd.s32 v55, v36;
	v55 =	vsel vm13, $0x1, v0;
	vm13 =	vgt.s32 v17, v18  }
0x1de: {  	v22 =	vadd.s32 v37, v22;
	v23 =	vadd.s32 v38, v23;
	v24 =	vadd.s32 v39, v24  }
0x1df: {  	v25 =	vadd.s32 v40, v25;
	v26 =	vadd.s32 v41, v26;
	v27 =	vadd.s32 v57, v27  }
0x1e0: {  	v30 =	vadd.s32 v60, v30;
	v31 =	vadd.s32 v61, v31;
	v32 =	vadd.s32 v62, v32  }
0x1e1: {  	v33 =	vadd.s32 v63, v33;
	v37 =	vsel vm1, $0x1, v0;
	v38 =	vsel vm2, $0x1, v0  }
0x1e2: {  	v39 =	vsel vm3, $0x1, v0;
	v40 =	vsel vm4, $0x1, v0;
	v41 =	vsel vm5, $0x1, v0  }
0x1e3: {  	v57 =	vsel vm6, $0x1, v0;
	v59 =	vsel vm8, $0x1, v0;
	v60 =	vsel vm9, $0x1, v0  }
0x1e4: {  	v61 =	vsel vm10, $0x1, v0;
	v62 =	vsel vm11, $0x1, v0;
	v63 =	vsel vm12, $0x1, v0  }
0x1e5: {  	vm1 =	vgt.s32 v17, v3;
	vm4 =	vgt.s32 v17, v4;
	vm5 =	vgt.s32 v17, v9  }
0x1e6: {  	vm2 =	vgt.s32 v17, v6;
	vm6 =	vgt.s32 v17, v7;
	vm3 =	vgt.s32 v17, v10  }
0x1e7: {  	v56 =	vsel vm0, $0x1, v0;
	vm0 =	vgt.s32 v17, v21;
	vm8 =	vgt.s32 v17, v5  }
0x1e8: {  	vm9 =	vgt.s32 v17, v8;
	vm10 =	vgt.s32 v17, v13;
	vm11 =	vgt.s32 v17, v20  }
0x1e9: {  	vm12 =	vgt.s32 v20, v17;
	v35 =	vadd.s32 v55, v35;
	v22 =	vadd.s32 v37, v22  }
0x1ea: {  	v23 =	vadd.s32 v38, v23;
	v24 =	vadd.s32 v39, v24;
	v25 =	vadd.s32 v40, v25  }
0x1eb: {  	v26 =	vadd.s32 v41, v26;
	v27 =	vadd.s32 v57, v27;
	v29 =	vadd.s32 v56, v29  }
0x1ec: {  	v30 =	vadd.s32 v59, v30;
	v31 =	vadd.s32 v60, v31;
	v32 =	vadd.s32 v61, v32  }
0x1ed: {  	v33 =	vadd.s32 v62, v33;
	v34 =	vadd.s32 v63, v34;
	v37 =	vsel vm1, $0x1, v0  }
0x1ee: {  	v38 =	vsel vm4, $0x1, v0;
	v39 =	vsel vm5, $0x1, v0;
	v40 =	vsel vm2, $0x1, v0  }
0x1ef: {  	v41 =	vsel vm6, $0x1, v0;
	v57 =	vsel vm7, $0x1, v0;
	v58 =	vsel vm3, $0x1, v0  }
0x1f0: {  	v59 =	vsel vm0, $0x1, v0;
	v60 =	vsel vm8, $0x1, v0;
	v61 =	vsel vm9, $0x1, v0  }
0x1f1: {  	v62 =	vsel vm10, $0x1, v0;
	v63 =	vsel vm11, $0x1, v0;
	v54 =	vsel vm12, $0x1, v0  }
0x1f2: {  	v56 =	vsel vm14, $0x1, v0;
	vm2 =	vgt.s32 v18, v3;
	vm3 =	vge.s32 v15, v4  }
0x1f3: {  	vm4 =	vgt.s32 v18, v9;
	vm5 =	vge.s32 v15, v6;
	vm6 =	vgt.s32 v18, v7  }
0x1f4: {  	vm7 =	vge.s32 v15, v11;
	vm8 =	vgt.s32 v18, v10;
	vm9 =	vgt.s32 v18, v5  }
0x1f5: {  	vm10 =	vge.s32 v15, v8;
	vm11 =	vgt.s32 v18, v13;
	vm12 =	vgt.s32 v18, v17  }
0x1f6: {  	vm1 =	vgt.s32 v15, v12;
	vm0 =	vgt.s32 v15, v14;
	vm14 =	vgt.s32 v17, v19  }
0x1f7: {  	v22 =	vadd.s32 v37, v22;
	v23 =	vadd.s32 v38, v23;
	v24 =	vadd.s32 v39, v24  }
0x1f8: {  	v25 =	vadd.s32 v40, v25;
	v26 =	vadd.s32 v41, v26;
	v27 =	vadd.s32 v57, v27  }
0x1f9: {  	v28 =	vadd.s32 v58, v28;
	v29 =	vadd.s32 v59, v29;
	v30 =	vadd.s32 v60, v30  }
0x1fa: {  	v31 =	vadd.s32 v61, v31;
	v32 =	vadd.s32 v62, v32;
	v33 =	vadd.s32 v63, v33  }
0x1fb: {  	v34 =	vadd.s32 v54, v34;
	v36 =	vadd.s32 v56, v36;
	v37 =	vsel vm2, $0x1, v0  }
0x1fc: {  	v38 =	vsel vm3, $0x1, v0;
	v39 =	vsel vm4, $0x1, v0;
	v40 =	vsel vm5, $0x1, v0  }
0x1fd: {  	v41 =	vsel vm6, $0x1, v0;
	v57 =	vsel vm7, $0x1, v0;
	v58 =	vsel vm8, $0x1, v0  }
0x1fe: {  	v59 =	vsel vm9, $0x1, v0;
	v60 =	vsel vm10, $0x1, v0;
	v61 =	vsel vm11, $0x1, v0  }
0x1ff: {  	v62 =	vsel vm12, $0x1, v0;
	v63 =	vsel vm13, $0x1, v0;
	vm3 =	vge.s32 v16, v3  }
0x200: {  	vm4 =	vge.s32 v16, v4;
	v54 =	vsel vm14, $0x1, v0;
	vm8 =	vge.s32 v16, v9  }
0x201: {  	vm5 =	vge.s32 v16, v6;
	vm6 =	vge.s32 v16, v7;
	vm9 =	vge.s32 v16, v11  }
0x202: {  	vm7 =	vge.s32 v16, v10;
	v55 =	vsel vm1, $0x1, v0;
	vm11 =	vge.s32 v16, v5  }
0x203: {  	vm12 =	vge.s32 v16, v8;
	vm10 =	vge.s32 v16, v13;
	v56 =	vsel vm0, $0x1, v0  }
0x204: {  	vm13 =	vge.s32 v16, v17;
	vm14 =	vgt.s32 v18, v19;
	vm1 =	vgt.s32 v16, v14  }
0x205: {  	vm0 =	vgt.s32 v16, v15;
	vm2 =	vgt.s32 v2, v21;
	v12 =	vadd.s32 v37, v22  }
0x206: {  	v14 =	vadd.s32 v38, v23;
	v15 =	vadd.s32 v39, v24;
	v16 =	vadd.s32 v40, v25  }
0x207: {  	v22 =	vadd.s32 v41, v26;
	v23 =	vadd.s32 v57, v27;
	v24 =	vadd.s32 v58, v28  }
0x208: {  	v25 =	vadd.s32 v55, v29;
	v26 =	vadd.s32 v59, v30;
	v27 =	vadd.s32 v60, v31  }
0x209: {  	v28 =	vadd.s32 v61, v32;
	v57 =	vadd.s32 v56, v33;
	v58 =	vadd.s32 v62, v34  }
0x20a: {  	v59 =	vadd.s32 v63, v35;
	v60 =	vadd.s32 v54, v36;
	v61 =	vsel vm3, $0x1, v0  }
0x20b: {  	v62 =	vsel vm4, $0x1, v0;
	v63 =	vsel vm8, $0x1, v0;
	v48 =	vsel vm5, $0x1, v0  }
0x20c: {  	v49 =	vsel vm6, $0x1, v0;
	v50 =	vsel vm9, $0x1, v0;
	v51 =	vsel vm7, $0x1, v0  }
0x20d: {  	v52 =	vsel vm11, $0x1, v0;
	v53 =	vsel vm12, $0x1, v0;
	v54 =	vsel vm10, $0x1, v0  }
0x20e: {  	v55 =	vsel vm13, $0x1, v0;
	v56 =	vsel vm14, $0x1, v0;
	vm3 =	vgt.s32 v2, v3  }
0x20f: {  	vm4 =	vgt.s32 v2, v4;
	vm5 =	vgt.s32 v2, v9;
	vm6 =	vgt.s32 v2, v6  }
0x210: {  	vm7 =	vgt.s32 v2, v7;
	vm8 =	vgt.s32 v2, v11;
	vm9 =	vgt.s32 v2, v10  }
0x211: {  	v3 =	vsel vm15, $0x1, v0;
	vm12 =	vgt.s32 v2, v5;
	vm10 =	vgt.s32 v2, v8  }
0x212: {  	vm11 =	vgt.s32 v2, v13;
	v4 =	vsel vm1, $0x1, v0;
	vm13 =	vgt.s32 v2, v20  }
0x213: {  	vm1 =	vgt.s32 v2, v17;
	v5 =	vsel vm0, $0x1, v0;
	vm0 =	vgt.s32 v2, v18  }
0x214: {  	vm14 =	vgt.s32 v2, v19;
	v2 =	vadd.s32 v61, v12;
	v6 =	vadd.s32 v62, v14  }
0x215: {  	v7 =	vadd.s32 v63, v15;
	v8 =	vadd.s32 v48, v16;
	v9 =	vadd.s32 v49, v22  }
0x216: {  	v10 =	vadd.s32 v50, v23;
	v11 =	vadd.s32 v51, v24;
	v3 =	vadd.s32 v3, v25  }
0x217: {  	v12 =	vadd.s32 v52, v26;
	v13 =	vadd.s32 v53, v27;
	v14 =	vadd.s32 v54, v28  }
0x218: {  	v4 =	vadd.s32 v4, v57;
	v15 =	vadd.s32 v55, v58;
	v5 =	vadd.s32 v5, v59  }
0x219: {  	v16 =	vadd.s32 v56, v60;
	v17 =	vsel vm3, $0x1, v0;
	v18 =	vsel vm4, $0x1, v0  }
0x21a: {  	v19 =	vsel vm5, $0x1, v0;
	v20 =	vsel vm6, $0x1, v0;
	v21 =	vsel vm7, $0x1, v0  }
0x21b: {  	v22 =	vsel vm8, $0x1, v0;
	v23 =	vsel vm9, $0x1, v0;
	v24 =	vsel vm2, $0x1, v0  }
0x21c: {  	v25 =	vsel vm12, $0x1, v0;
	v26 =	vsel vm10, $0x1, v0;
	v27 =	vsel vm11, $0x1, v0  }
0x21d: {  	s13 =	sshra.s32 s12, $0x2;
	v57 =	vsel vm13, $0x1, v0;
	v58 =	vsel vm1, $0x1, v0;
	v59 =	vsel vm0, $0x1, v0  }
0x21e: {  	v60 =	vsel vm14, $0x1, v0;
	v61 =	vld [tilespmem:s13+$0x1000];
	v2 =	vadd.s32 v17, v2;
	v6 =	vadd.s32 v18, v6  }
0x21f: {  	v62 =	vld [tilespmem:s13+$0x100];
	v7 =	vadd.s32 v19, v7;
	v8 =	vadd.s32 v20, v8;
	v9 =	vadd.s32 v21, v9  }
0x220: {  	v63 =	vld [tilespmem:s13+$0x200];
	v17 =	vadd.s32 v22, v10;
	v18 =	vadd.s32 v23, v11;
	v3 =	vadd.s32 v24, v3  }
0x221: {  	v19 =	vadd.s32 v25, v12;
	v23 =	vld [tilespmem:s13+$0x300];
	v13 =	vadd.s32 v26, v13;
	v20 =	vadd.s32 v27, v14  }
0x222: {  	v4 =	vadd.s32 v57, v4;
	v24 =	vld [tilespmem:s13+$0x400];
	v21 =	vadd.s32 v58, v15;
	v5 =	vadd.s32 v59, v5  }
0x223: {  	v16 =	vadd.s32 v60, v16;
	v10 =	vld [tilespmem:s13+$0x500];
	vm0 =	vlt.u32 v2, $0x8;
	vm1 =	vlt.u32 v6, $0x8  }
0x224: {  	v11 =	vld [tilespmem:s13+$0x600];
	vm2 =	vlt.u32 v7, $0x8;
	vm3 =	vlt.u32 v8, $0x8;
	vm4 =	vlt.u32 v9, $0x8  }
0x225: {  	v12 =	vld [tilespmem:s13+$0x700];
	vm5 =	vlt.u32 v17, $0x8;
	vm6 =	vlt.u32 v18, $0x8;
	vm7 =	vlt.u32 v3, $0x8  }
0x226: {  	v14 =	vld [tilespmem:s13+$0x800];
	vm8 =	vlt.u32 v19, $0x8;
	vm9 =	vlt.u32 v13, $0x8;
	vm10 =	vlt.u32 v20, $0x8  }
0x227: {  	v15 =	vld [tilespmem:s13+$0x900];
	vm11 =	vlt.u32 v4, $0x8;
	vm12 =	vlt.u32 v21, $0x8;
	vm13 =	vlt.u32 v5, $0x8  }
0x228: {  	vm14 =	vlt.u32 v16, $0x8;
	v16 =	vld [tilespmem:s13+$0xA00];
	v2 =	vsel vm0, $0x0, v1;
	v3 =	vsel vm1, $0x0, v1  }
0x229: {  	p0 =	sne.s32 s12, $0xFFFFFFC0;
	v18 =	vld [tilespmem:s13+$0xB00];
	v5 =	vsel vm2, $0x0, v1;
	v26 =	vsel vm4, $0x0, v1;
	v27 =	vsel vm5, $0x0, v1;
	[tilespmem:s11+$0x1100] =	vst v2  }
.Ltmp0:
0x22a: {  	v9 =	vsel vm6, $0x0, v1;
	v7 =	vsel vm7, $0x0, v1;
	v4 =	vsel vm8, $0x0, v1;
	v19 =	vld [tilespmem:s13+$0xC00];
	[tilespmem:s11+$0x1200] =	vst v3;
	(pc) =	sbr.rel @p0 .LBB2_2-.Ltmp0, $4  }
0x22b: {  	v6 =	vsel vm10, $0x0, v1;
	v8 =	vsel vm12, $0x0, v1;
	v2 =	vsel vm3, $0x0, v1;
	v20 =	vld [tilespmem:s13+$0xD00];
	[tilespmem:s11+$0x1300] =	vst v5  }
0x22c: {  	v17 =	vsel vm13, $0x0, v1;
	v13 =	vsel vm14, $0x0, v1;
	v3 =	vsel vm9, $0x0, v1;
	v21 =	vld [tilespmem:s13+$0xE00];
	[tilespmem:s11+$0x1400] =	vst v2  }
0x22d: {  	v22 =	vshll.u32 v62, $0x4;
	v5 =	vsel vm11, $0x0, v1;
	v23 =	vshll.u32 v23, $0x4;
	v25 =	vld [tilespmem:s13+$0xF00];
	[tilespmem:s11+$0x1500] =	vst v26  }
0x22e: {  	s12 =	sadd.s32 $0x40, s12;
	v24 =	vshll.u32 v24, $0x4;
	v2 =	vshll.u32 v61, $0x4;
	v26 =	vshll.u32 v63, $0x4;
	[tilespmem:s11+$0x1600] =	vst v27  }
0x22f: {  	v27 =	vshll.u32 v10, $0x4  }
0x230: {  	v11 =	vshll.u32 v11, $0x4;
	v12 =	vshll.u32 v12, $0x4;
	v29 =	vshll.u32 v14, $0x4  }
0x231: {  	v28 =	vshll.u32 v15, $0x4;
	v31 =	vshll.u32 v16, $0x4;
	v32 =	vshll.u32 v18, $0x4  }
0x232: {  	v30 =	vshll.u32 v19, $0x4;
	v22 =	vor.u32 $0xF, v22;
	v19 =	vor.u32 $0xE, v26  }
0x233: {  	v18 =	vor.u32 $0xC, v24;
	v33 =	vshll.u32 v20, $0x4;
	vm0 =	vge.s32 v30, v2  }
0x234: {  	vm1 =	vge.s32 v29, v2;
	v20 =	vor.u32 $0xD, v23;
	v16 =	vor.u32 $0xB, v27  }
0x235: {  	v15 =	vor.u32 $0xA, v11;
	v14 =	vor.u32 $0x9, v12;
	v12 =	vor.u32 $0x7, v28  }
0x236: {  	v11 =	vor.u32 $0x6, v31;
	vm2 =	vgt.s32 v22, v2;
	vm3 =	vgt.s32 v19, v2  }
0x237: {  	vm11 =	vgt.s32 v18, v2;
	v28 =	vor.u32 $0x8, v29;
	v27 =	vor.u32 $0x4, v30  }
0x238: {  	v10 =	vshll.u32 v21, $0x4;
	v34 =	vsel vm2, $0x1, v0;
	v35 =	vsel vm3, $0x1, v0  }
0x239: {  	vm10 =	vgt.s32 v20, v2;
	v37 =	vsel vm11, $0x1, v0;
	vm12 =	vgt.s32 v16, v2  }
0x23a: {  	vm13 =	vgt.s32 v15, v2;
	vm14 =	vgt.s32 v14, v2;
	v41 =	vsel vm1, $0x1, v0  }
0x23b: {  	vm15 =	vgt.s32 v12, v2;
	vm4 =	vgt.s32 v11, v2;
	v45 =	vsel vm0, $0x1, v0  }
0x23c: {  	vm2 =	vgt.s32 v20, v22;
	vm3 =	vgt.s32 v22, v19;
	vm1 =	vgt.s32 v20, v19  }
0x23d: {  	vm11 =	vgt.s32 v19, v15;
	v21 =	vshll.u32 v25, $0x4;
	v23 =	vadd.s32 v35, v34  }
0x23e: {  	v36 =	vsel vm10, $0x1, v0;
	v38 =	vsel vm12, $0x1, v0;
	v39 =	vsel vm13, $0x1, v0  }
0x23f: {  	v40 =	vsel vm14, $0x1, v0;
	v42 =	vsel vm15, $0x1, v0;
	v43 =	vsel vm4, $0x1, v0  }
0x240: {  	vm7 =	vge.s32 v10, v2;
	vm4 =	vgt.s32 v22, v20;
	vm10 =	vgt.s32 v22, v15  }
0x241: {  	vm12 =	vgt.s32 v22, v14;
	vm13 =	vgt.s32 v19, v14;
	vm14 =	vgt.s32 v22, v28  }
0x242: {  	vm15 =	vgt.s32 v19, v28;
	v34 =	vsel vm1, $0x1, v0;
	vm1 =	vgt.s32 v19, v11  }
0x243: {  	v52 =	vsel vm11, $0x1, v0;
	v23 =	vadd.s32 v36, v23;
	v47 =	vsel vm7, $0x1, v0  }
0x244: {  	vm8 =	vge.s32 v21, v2;
	vm7 =	vgt.s32 v19, v18;
	v35 =	vsel vm4, $0x1, v0  }
0x245: {  	v51 =	vsel vm10, $0x1, v0;
	[tilespmem:$0x1F3C0] =	vst v52;
	v53 =	vsel vm12, $0x1, v0;
	v54 =	vsel vm13, $0x1, v0  }
0x246: {  	v55 =	vsel vm14, $0x1, v0;
	v56 =	vsel vm15, $0x1, v0;
	v60 =	vsel vm1, $0x1, v0;
	[tilespmem:$0x1F3B0] =	vst v51  }
0x247: {  	vm1 =	vgt.s32 v18, v19;
	vm14 =	vgt.s32 v20, v11;
	v23 =	vadd.s32 v37, v23;
	[tilespmem:$0x1F3D0] =	vst v53  }
0x248: {  	v48 =	vsel vm8, $0x1, v0;
	vm8 =	vgt.s32 v22, v16;
	[tilespmem:$0x1F3E0] =	vst v54;
	v24 =	vadd.s32 v38, v23  }
0x249: {  	[tilespmem:$0x1F3F0] =	vst v55;
	v23 =	vor.u32 $0x5, v32;
	v32 =	vsel vm2, $0x1, v0;
	vm2 =	vgt.s32 v19, v12  }
0x24a: {  	[tilespmem:$0x1F400] =	vst v56;
	v38 =	vsel vm7, $0x1, v0;
	vm7 =	vgt.s32 v19, v27;
	v49 =	vsel vm8, $0x1, v0  }
0x24b: {  	[tilespmem:$0x1F440] =	vst v60;
	v24 =	vadd.s32 v39, v24;
	vm5 =	vgt.s32 v23, v2;
	vm4 =	vgt.s32 v22, v23  }
0x24c: {  	[tilespmem:$0x1F380] =	vst v38;
	v58 =	vsel vm2, $0x1, v0;
	vm2 =	vgt.s32 v18, v20;
	vm15 =	vgt.s32 v20, v23  }
0x24d: {  	[tilespmem:$0x1F390] =	vst v49;
	v24 =	vadd.s32 v40, v24;
	v44 =	vsel vm5, $0x1, v0;
	vm5 =	vgt.s32 v19, v20  }
0x24e: {  	[tilespmem:$0x1F420] =	vst v58;
	v61 =	vsel vm4, $0x1, v0;
	v40 =	vsel vm7, $0x1, v0;
	v49 =	vsel vm2, $0x1, v0  }
0x24f: {  	v60 =	vsel vm15, $0x1, v0;
	v24 =	vadd.s32 v41, v24;
	v36 =	vsel vm5, $0x1, v0;
	[tilespmem:$0x1F450] =	vst v61  }
0x250: {  	vm5 =	vgt.s32 v19, v23;
	[tilespmem:$0x1F480] =	vst v40;
	v25 =	vadd.s32 v42, v24;
	v24 =	vor.u32 $0x3, v33  }
0x251: {  	[tilespmem:$0x1F510] =	vst v49;
	v33 =	vsel vm3, $0x1, v0;
	vm3 =	vgt.s32 v22, v11;
	v62 =	vsel vm5, $0x1, v0  }
0x252: {  	[tilespmem:$0x1F570] =	vst v60;
	v25 =	vadd.s32 v43, v25;
	vm6 =	vgt.s32 v24, v2;
	vm8 =	vgt.s32 v22, v24  }
0x253: {  	v59 =	vsel vm3, $0x1, v0;
	[tilespmem:$0x1F460] =	vst v62;
	v25 =	vadd.s32 v44, v25;
	v46 =	vsel vm6, $0x1, v0  }
0x254: {  	vm6 =	vgt.s32 v22, v18;
	[tilespmem:$0x1F430] =	vst v59;
	v41 =	vsel vm8, $0x1, v0;
	v59 =	vsel vm14, $0x1, v0  }
0x255: {  	vm14 =	vgt.s32 v16, v22;
	v25 =	vadd.s32 v45, v25;
	v37 =	vsel vm6, $0x1, v0;
	[tilespmem:$0x1F490] =	vst v41  }
0x256: {  	vm6 =	vgt.s32 v22, v27;
	[tilespmem:$0x1F560] =	vst v59;
	v39 =	vsel vm14, $0x1, v0;
	v25 =	vadd.s32 v46, v25  }
0x257: {  	v63 =	vsel vm6, $0x1, v0;
	[tilespmem:$0x1F5C0] =	vst v39;
	v26 =	vadd.s32 v47, v25;
	v25 =	vor.u32 $0x2, v10  }
0x258: {  	[tilespmem:$0x1F470] =	vst v63;
	v31 =	vadd.s32 v48, v26;
	vm10 =	vgt.s32 v22, v25;
	v48 =	vsel vm1, $0x1, v0  }
0x259: {  	vm11 =	vgt.s32 v19, v25;
	v43 =	vsel vm10, $0x1, v0;
	[tilespmem:$0x1F500] =	vst v48  }
0x25a: {  	v26 =	vor.u32 $0x1, v21;
	vm9 =	vlt.u32 v31, $0x8;
	v44 =	vsel vm11, $0x1, v0;
	[tilespmem:$0x1F4B0] =	vst v43  }
0x25b: {  	vm12 =	vgt.s32 v22, v26;
	v31 =	vsel vm9, $0x0, v1;
	[tilespmem:$0x1F4C0] =	vst v44  }
0x25c: {  	vm13 =	vgt.s32 v19, v26;
	v45 =	vsel vm12, $0x1, v0;
	[tilespmem:$0x1FEB0] =	vst v31  }
0x25d: {  	v51 =	vimm.s32 $0x0;
	vm10 =	vgt.s32 v10, v29;
	v46 =	vsel vm13, $0x1, v0;
	[tilespmem:$0x1F4D0] =	vst v45  }
0x25e: {  	vm11 =	vgt.s32 v20, v14;
	v38 =	vsel vm10, $0xFFFFFFFF, v51;
	[tilespmem:$0x1F4E0] =	vst v46  }
0x25f: {  	vm14 =	vgt.s32 v18, v15;
	v56 =	vsel vm11, $0x1, v0;
	[tilespmem:$0x1F340] =	vst v38  }
0x260: {  	vm9 =	vgt.s32 v19, v16;
	v44 =	vsel vm14, $0x1, v0;
	[tilespmem:$0x1F530] =	vst v56  }
0x261: {  	v53 =	vimm.s32 $0x0;
	vm7 =	vgt.s32 v10, v30;
	v50 =	vsel vm9, $0x1, v0;
	[tilespmem:$0x1F610] =	vst v44  }
0x262: {  	vm13 =	vgt.s32 v20, v12;
	v38 =	vsel vm7, $0xFFFFFFFF, v53;
	[tilespmem:$0x1F3A0] =	vst v50  }
0x263: {  	vm11 =	vgt.s32 v20, v24;
	v58 =	vsel vm13, $0x1, v0;
	[tilespmem:$0x1F350] =	vst v38  }
0x264: {  	vm0 =	vgt.s32 v19, v22;
	vm14 =	vgt.s32 v18, v23;
	v62 =	vsel vm11, $0x1, v0;
	[tilespmem:$0x1F550] =	vst v58  }
0x265: {  	v31 =	vsel vm0, $0x1, v0;
	vm0 =	vgt.s32 v22, v12;
	v49 =	vsel vm14, $0x1, v0;
	[tilespmem:$0x1F590] =	vst v62  }
0x266: {  	vm9 =	vgt.s32 v19, v24;
	v57 =	vsel vm0, $0x1, v0;
	[tilespmem:$0x1F660] =	vst v49  }
0x267: {  	v52 =	vimm.s32 $0x0;
	vm3 =	vgt.s32 v20, v18;
	v42 =	vsel vm9, $0x1, v0;
	[tilespmem:$0x1F410] =	vst v57  }
0x268: {  	v54 =	vimm.s32 $0x0;
	vm6 =	vgt.s32 v21, v29;
	v50 =	vsel vm3, $0x1, v0;
	[tilespmem:$0x1F4A0] =	vst v42  }
0x269: {  	vm8 =	vgt.s32 v21, v30;
	vm9 =	vgt.s32 v30, v29;
	v29 =	vsel vm6, $0xFFFFFFFF, v52;
	[tilespmem:$0x1F520] =	vst v50  }
0x26a: {  	vm10 =	vge.s32 v30, v18;
	vm13 =	vgt.s32 v20, v26;
	v30 =	vsel vm8, $0xFFFFFFFF, v54;
	[tilespmem:$0x1F360] =	vst v29  }
0x26b: {  	v55 =	vimm.s32 $0x0;
	vm11 =	vgt.s32 v16, v20;
	v38 =	vsel vm13, $0x1, v0;
	[tilespmem:$0x1F370] =	vst v30  }
0x26c: {  	vm4 =	vgt.s32 v20, v16;
	vm14 =	vgt.s32 v15, v22;
	v41 =	vsel vm11, $0x1, v0;
	[tilespmem:$0x1F5B0] =	vst v38  }
0x26d: {  	vm5 =	vgt.s32 v20, v15;
	vm0 =	vgt.s32 v18, v22;
	v54 =	vsel vm14, $0x1, v0;
	[tilespmem:$0x1F5E0] =	vst v41  }
0x26e: {  	vm12 =	vgt.s32 v20, v28;
	vm7 =	vge.s32 v10, v18;
	v47 =	vsel vm0, $0x1, v0;
	[tilespmem:$0x1F6B0] =	vst v54  }
0x26f: {  	vm8 =	vge.s32 v10, v19;
	vm13 =	vgt.s32 v18, v16;
	v57 =	vsel vm12, $0x1, v0;
	[tilespmem:$0x1F4F0] =	vst v47  }
0x270: {  	vm6 =	vge.s32 v10, v15;
	vm11 =	vgt.s32 v18, v28;
	v43 =	vsel vm13, $0x1, v0;
	[tilespmem:$0x1F540] =	vst v57  }
0x271: {  	vm14 =	vgt.s32 v16, v15;
	v29 =	vsel vm4, $0x1, v0;
	v46 =	vsel vm11, $0x1, v0;
	[tilespmem:$0x1F600] =	vst v43  }
0x272: {  	v30 =	vsel vm5, $0x1, v0;
	vm4 =	vgt.s32 v21, v10;
	v59 =	vsel vm14, $0x1, v0;
	[tilespmem:$0x1F630] =	vst v46  }
0x273: {  	vm5 =	vge.s32 v10, v11;
	vm0 =	vgt.s32 v20, v27;
	v10 =	vsel vm4, $0xFFFFFFFF, v55;
	[tilespmem:$0x1F700] =	vst v59  }
0x274: {  	vm13 =	vgt.s32 v18, v11;
	v61 =	vsel vm0, $0x1, v0;
	[tilespmem:$0x1FD80] =	vst v10  }
0x275: {  	vm11 =	vgt.s32 v18, v24;
	v48 =	vsel vm13, $0x1, v0;
	[tilespmem:$0x1F580] =	vst v61  }
0x276: {  	vm14 =	vgt.s32 v16, v23;
	v51 =	vsel vm11, $0x1, v0;
	[tilespmem:$0x1F650] =	vst v48  }
0x277: {  	vm4 =	vgt.s32 v20, v25;
	v38 =	vsel vm14, $0x1, v0;
	[tilespmem:$0x1F680] =	vst v51  }
0x278: {  	vm0 =	vgt.s32 v16, v19;
	v63 =	vsel vm4, $0x1, v0;
	[tilespmem:$0x1F750] =	vst v38  }
0x279: {  	vm13 =	vgt.s32 v18, v26;
	v40 =	vsel vm0, $0x1, v0;
	[tilespmem:$0x1F5A0] =	vst v63  }
0x27a: {  	vm11 =	vgt.s32 v15, v20;
	v53 =	vsel vm13, $0x1, v0;
	[tilespmem:$0x1F5D0] =	vst v40  }
0x27b: {  	vm14 =	vgt.s32 v14, v22;
	v56 =	vsel vm11, $0x1, v0;
	[tilespmem:$0x1F6A0] =	vst v53  }
0x27c: {  	vm4 =	vgt.s32 v16, v18;
	v43 =	vsel vm14, $0x1, v0;
	[tilespmem:$0x1F6D0] =	vst v56  }
0x27d: {  	vm0 =	vgt.s32 v18, v14;
	v42 =	vsel vm4, $0x1, v0;
	[tilespmem:$0x1F7A0] =	vst v43  }
0x27e: {  	vm13 =	vgt.s32 v15, v16;
	v45 =	vsel vm0, $0x1, v0;
	[tilespmem:$0x1F5F0] =	vst v42  }
0x27f: {  	vm11 =	vgt.s32 v16, v28;
	v58 =	vsel vm13, $0x1, v0;
	[tilespmem:$0x1F620] =	vst v45  }
0x280: {  	vm14 =	vgt.s32 v14, v15;
	v61 =	vsel vm11, $0x1, v0;
	[tilespmem:$0x1F6F0] =	vst v58  }
0x281: {  	vm4 =	vgt.s32 v18, v12;
	v48 =	vsel vm14, $0x1, v0;
	[tilespmem:$0x1F720] =	vst v61  }
0x282: {  	vm0 =	vgt.s32 v18, v27;
	v47 =	vsel vm4, $0x1, v0;
	[tilespmem:$0x1F7F0] =	vst v48  }
0x283: {  	vm13 =	vgt.s32 v16, v11;
	v50 =	vsel vm0, $0x1, v0;
	[tilespmem:$0x1F640] =	vst v47  }
0x284: {  	vm11 =	vgt.s32 v16, v24;
	v63 =	vsel vm13, $0x1, v0;
	[tilespmem:$0x1F670] =	vst v50  }
0x285: {  	vm14 =	vgt.s32 v15, v23;
	v40 =	vsel vm11, $0x1, v0;
	[tilespmem:$0x1F740] =	vst v63  }
0x286: {  	vm4 =	vgt.s32 v18, v25;
	v53 =	vsel vm14, $0x1, v0;
	[tilespmem:$0x1F770] =	vst v40  }
0x287: {  	vm0 =	vgt.s32 v15, v19;
	v52 =	vsel vm4, $0x1, v0;
	[tilespmem:$0x1F840] =	vst v53  }
0x288: {  	vm13 =	vgt.s32 v16, v26;
	v55 =	vsel vm0, $0x1, v0;
	[tilespmem:$0x1F690] =	vst v52  }
0x289: {  	vm11 =	vgt.s32 v14, v20;
	v42 =	vsel vm13, $0x1, v0;
	[tilespmem:$0x1F6C0] =	vst v55  }
0x28a: {  	vm14 =	vgt.s32 v28, v22;
	v45 =	vsel vm11, $0x1, v0;
	[tilespmem:$0x1F790] =	vst v42  }
0x28b: {  	vm4 =	vgt.s32 v15, v18;
	v58 =	vsel vm14, $0x1, v0;
	[tilespmem:$0x1F7C0] =	vst v45  }
0x28c: {  	vm0 =	vgt.s32 v16, v14;
	v57 =	vsel vm4, $0x1, v0;
	[tilespmem:$0x1F890] =	vst v58  }
0x28d: {  	vm13 =	vgt.s32 v14, v16;
	v60 =	vsel vm0, $0x1, v0;
	[tilespmem:$0x1F6E0] =	vst v57  }
0x28e: {  	vm11 =	vgt.s32 v15, v28;
	v47 =	vsel vm13, $0x1, v0;
	[tilespmem:$0x1F710] =	vst v60  }
0x28f: {  	vm14 =	vgt.s32 v28, v15;
	v50 =	vsel vm11, $0x1, v0;
	[tilespmem:$0x1F7E0] =	vst v47  }
0x290: {  	vm4 =	vgt.s32 v16, v12;
	v63 =	vsel vm14, $0x1, v0;
	[tilespmem:$0x1F810] =	vst v50  }
0x291: {  	vm0 =	vgt.s32 v16, v27;
	v62 =	vsel vm4, $0x1, v0;
	[tilespmem:$0x1F8E0] =	vst v63  }
0x292: {  	vm13 =	vgt.s32 v15, v11;
	v39 =	vsel vm0, $0x1, v0;
	[tilespmem:$0x1F730] =	vst v62  }
0x293: {  	vm11 =	vgt.s32 v15, v24;
	v52 =	vsel vm13, $0x1, v0;
	[tilespmem:$0x1F760] =	vst v39  }
0x294: {  	vm14 =	vgt.s32 v14, v23;
	v55 =	vsel vm11, $0x1, v0;
	[tilespmem:$0x1F830] =	vst v52  }
0x295: {  	vm4 =	vgt.s32 v16, v25;
	v42 =	vsel vm14, $0x1, v0;
	[tilespmem:$0x1F860] =	vst v55  }
0x296: {  	vm0 =	vgt.s32 v14, v19;
	v41 =	vsel vm4, $0x1, v0;
	[tilespmem:$0x1F930] =	vst v42  }
0x297: {  	vm13 =	vgt.s32 v15, v26;
	v44 =	vsel vm0, $0x1, v0;
	[tilespmem:$0x1F780] =	vst v41  }
0x298: {  	vm11 =	vgt.s32 v28, v20;
	v57 =	vsel vm13, $0x1, v0;
	[tilespmem:$0x1F7B0] =	vst v44  }
0x299: {  	vm14 =	vgt.s32 v12, v22;
	v60 =	vsel vm11, $0x1, v0;
	[tilespmem:$0x1F880] =	vst v57  }
0x29a: {  	vm4 =	vgt.s32 v14, v18;
	v47 =	vsel vm14, $0x1, v0;
	[tilespmem:$0x1F8B0] =	vst v60  }
0x29b: {  	vm0 =	vgt.s32 v15, v14;
	v46 =	vsel vm4, $0x1, v0;
	[tilespmem:$0x1F980] =	vst v47  }
0x29c: {  	vm13 =	vgt.s32 v28, v16;
	v49 =	vsel vm0, $0x1, v0;
	[tilespmem:$0x1F7D0] =	vst v46  }
0x29d: {  	vm11 =	vgt.s32 v14, v28;
	v62 =	vsel vm13, $0x1, v0;
	[tilespmem:$0x1F800] =	vst v49  }
0x29e: {  	vm14 =	vgt.s32 v12, v15;
	v39 =	vsel vm11, $0x1, v0;
	[tilespmem:$0x1F8D0] =	vst v62  }
0x29f: {  	vm4 =	vgt.s32 v15, v12;
	v52 =	vsel vm14, $0x1, v0;
	[tilespmem:$0x1F900] =	vst v39  }
0x2a0: {  	vm0 =	vgt.s32 v15, v27;
	v51 =	vsel vm4, $0x1, v0;
	[tilespmem:$0x1F9D0] =	vst v52  }
0x2a1: {  	vm13 =	vgt.s32 v14, v11;
	v54 =	vsel vm0, $0x1, v0;
	[tilespmem:$0x1F820] =	vst v51  }
0x2a2: {  	vm11 =	vgt.s32 v14, v24;
	v41 =	vsel vm13, $0x1, v0;
	[tilespmem:$0x1F850] =	vst v54  }
0x2a3: {  	vm14 =	vgt.s32 v28, v23;
	v44 =	vsel vm11, $0x1, v0;
	[tilespmem:$0x1F920] =	vst v41  }
0x2a4: {  	vm4 =	vgt.s32 v15, v25;
	v57 =	vsel vm14, $0x1, v0;
	[tilespmem:$0x1F950] =	vst v44  }
0x2a5: {  	vm0 =	vgt.s32 v28, v19;
	v56 =	vsel vm4, $0x1, v0;
	[tilespmem:$0x1FA20] =	vst v57  }
0x2a6: {  	vm13 =	vgt.s32 v14, v26;
	v59 =	vsel vm0, $0x1, v0;
	[tilespmem:$0x1F870] =	vst v56  }
0x2a7: {  	vm11 =	vgt.s32 v12, v20;
	v46 =	vsel vm13, $0x1, v0;
	[tilespmem:$0x1F8A0] =	vst v59  }
0x2a8: {  	vm14 =	vgt.s32 v11, v22;
	v49 =	vsel vm11, $0x1, v0;
	[tilespmem:$0x1F970] =	vst v46  }
0x2a9: {  	vm4 =	vgt.s32 v28, v18;
	v62 =	vsel vm14, $0x1, v0;
	[tilespmem:$0x1F9A0] =	vst v49  }
0x2aa: {  	vm0 =	vgt.s32 v28, v14;
	v61 =	vsel vm4, $0x1, v0;
	[tilespmem:$0x1FA70] =	vst v62  }
0x2ab: {  	vm13 =	vgt.s32 v12, v16;
	v38 =	vsel vm0, $0x1, v0;
	[tilespmem:$0x1F8C0] =	vst v61  }
0x2ac: {  	vm11 =	vgt.s32 v12, v28;
	v51 =	vsel vm13, $0x1, v0;
	[tilespmem:$0x1F8F0] =	vst v38  }
0x2ad: {  	vm14 =	vgt.s32 v11, v15;
	v54 =	vsel vm11, $0x1, v0;
	[tilespmem:$0x1F9C0] =	vst v51  }
0x2ae: {  	vm4 =	vgt.s32 v14, v12;
	v41 =	vsel vm14, $0x1, v0;
	[tilespmem:$0x1F9F0] =	vst v54  }
0x2af: {  	vm0 =	vgt.s32 v14, v27;
	v40 =	vsel vm4, $0x1, v0;
	[tilespmem:$0x1FAC0] =	vst v41  }
0x2b0: {  	vm13 =	vgt.s32 v28, v11;
	v43 =	vsel vm0, $0x1, v0;
	[tilespmem:$0x1F910] =	vst v40  }
0x2b1: {  	vm11 =	vgt.s32 v28, v24;
	v56 =	vsel vm13, $0x1, v0;
	[tilespmem:$0x1F940] =	vst v43  }
0x2b2: {  	vm14 =	vgt.s32 v12, v23;
	v59 =	vsel vm11, $0x1, v0;
	[tilespmem:$0x1FA10] =	vst v56  }
0x2b3: {  	vm4 =	vgt.s32 v14, v25;
	v46 =	vsel vm14, $0x1, v0;
	[tilespmem:$0x1FA40] =	vst v59  }
0x2b4: {  	vm0 =	vgt.s32 v12, v19;
	v45 =	vsel vm4, $0x1, v0;
	[tilespmem:$0x1FB10] =	vst v46  }
0x2b5: {  	vm13 =	vgt.s32 v28, v26;
	v48 =	vsel vm0, $0x1, v0;
	[tilespmem:$0x1F960] =	vst v45  }
0x2b6: {  	vm11 =	vgt.s32 v11, v20;
	v61 =	vsel vm13, $0x1, v0;
	[tilespmem:$0x1F990] =	vst v48  }
0x2b7: {  	vm14 =	vgt.s32 v23, v22;
	v38 =	vsel vm11, $0x1, v0;
	[tilespmem:$0x1FA60] =	vst v61  }
0x2b8: {  	vm15 =	vge.s32 v21, v18;
	vm4 =	vgt.s32 v12, v18;
	v51 =	vsel vm14, $0x1, v0;
	[tilespmem:$0x1FA90] =	vst v38  }
0x2b9: {  	vm2 =	vge.s32 v21, v12;
	vm0 =	vgt.s32 v12, v14;
	v50 =	vsel vm4, $0x1, v0;
	[tilespmem:$0x1FB60] =	vst v51  }
0x2ba: {  	vm1 =	vge.s32 v21, v14;
	vm13 =	vgt.s32 v11, v16;
	v53 =	vsel vm0, $0x1, v0;
	[tilespmem:$0x1F9B0] =	vst v50  }
0x2bb: {  	vm3 =	vge.s32 v21, v11;
	vm11 =	vgt.s32 v11, v28;
	v40 =	vsel vm13, $0x1, v0;
	[tilespmem:$0x1F9E0] =	vst v53  }
0x2bc: {  	vm12 =	vge.s32 v21, v22;
	vm14 =	vgt.s32 v23, v15;
	v43 =	vsel vm11, $0x1, v0;
	[tilespmem:$0x1FAB0] =	vst v40  }
0x2bd: {  	vm4 =	vgt.s32 v28, v12;
	vm0 =	vgt.s32 v28, v27;
	v56 =	vsel vm14, $0x1, v0;
	[tilespmem:$0x1FAE0] =	vst v43  }
0x2be: {  	vm13 =	vgt.s32 v12, v11;
	vm11 =	vgt.s32 v12, v24;
	v55 =	vsel vm4, $0x1, v0;
	[tilespmem:$0x1FBB0] =	vst v56  }
0x2bf: {  	vm14 =	vgt.s32 v11, v23;
	vm4 =	vgt.s32 v28, v25;
	v58 =	vsel vm0, $0x1, v0;
	[tilespmem:$0x1FA00] =	vst v55  }
0x2c0: {  	vm0 =	vgt.s32 v11, v19;
	v45 =	vsel vm13, $0x1, v0;
	vm13 =	vgt.s32 v12, v26;
	[tilespmem:$0x1FA30] =	vst v58  }
0x2c1: {  	v48 =	vsel vm11, $0x1, v0;
	vm11 =	vgt.s32 v23, v20;
	v61 =	vsel vm14, $0x1, v0;
	[tilespmem:$0x1FB00] =	vst v45  }
0x2c2: {  	vm14 =	vgt.s32 v27, v22;
	v43 =	vsel vm10, $0x1, v0;
	vm10 =	vgt.s32 v27, v23;
	[tilespmem:$0x1FB30] =	vst v48  }
0x2c3: {  	v60 =	vsel vm4, $0x1, v0;
	vm4 =	vgt.s32 v11, v18;
	v63 =	vsel vm0, $0x1, v0;
	[tilespmem:$0x1FC00] =	vst v61  }
0x2c4: {  	vm0 =	vgt.s32 v11, v14;
	v50 =	vsel vm13, $0x1, v0;
	vm13 =	vgt.s32 v23, v16;
	[tilespmem:$0x1FC80] =	vst v43  }
0x2c5: {  	v53 =	vsel vm11, $0x1, v0;
	vm11 =	vgt.s32 v23, v28;
	v40 =	vsel vm14, $0x1, v0;
	[tilespmem:$0x1FA50] =	vst v60  }
0x2c6: {  	vm14 =	vgt.s32 v27, v14;
	[tilespmem:$0x1FA80] =	vst v63;
	v39 =	vsel vm4, $0x1, v0;
	vm4 =	vgt.s32 v11, v12  }
0x2c7: {  	v42 =	vsel vm0, $0x1, v0;
	vm0 =	vgt.s32 v12, v27;
	[tilespmem:$0x1FB50] =	vst v50;
	v55 =	vsel vm13, $0x1, v0  }
0x2c8: {  	[tilespmem:$0x1FB80] =	vst v53;
	vm13 =	vgt.s32 v23, v11;
	v58 =	vsel vm11, $0x1, v0;
	vm11 =	vgt.s32 v11, v24  }
0x2c9: {  	[tilespmem:$0x1FC50] =	vst v40;
	v46 =	vsel vm14, $0x1, v0;
	vm14 =	vgt.s32 v23, v25;
	v44 =	vsel vm4, $0x1, v0  }
0x2ca: {  	[tilespmem:$0x1FAA0] =	vst v39;
	vm4 =	vgt.s32 v12, v25;
	v47 =	vsel vm0, $0x1, v0;
	vm0 =	vgt.s32 v23, v19  }
0x2cb: {  	[tilespmem:$0x1FAD0] =	vst v42;
	v60 =	vsel vm13, $0x1, v0;
	vm13 =	vgt.s32 v11, v26;
	v63 =	vsel vm11, $0x1, v0  }
0x2cc: {  	vm11 =	vgt.s32 v27, v20;
	[tilespmem:$0x1FCB0] =	vst v46;
	v46 =	vsel vm9, $0x1, v0;
	vm9 =	vgt.s32 v24, v14  }
0x2cd: {  	[tilespmem:$0x1FBA0] =	vst v55;
	v49 =	vsel vm4, $0x1, v0;
	vm4 =	vgt.s32 v23, v18;
	v52 =	vsel vm0, $0x1, v0  }
0x2ce: {  	[tilespmem:$0x1FBD0] =	vst v58;
	vm0 =	vgt.s32 v23, v14;
	v39 =	vsel vm13, $0x1, v0;
	vm13 =	vgt.s32 v27, v15  }
0x2cf: {  	[tilespmem:$0x1FC20] =	vst v63;
	v42 =	vsel vm11, $0x1, v0;
	vm11 =	vgt.s32 v27, v11;
	v63 =	vsel vm9, $0x1, v0  }
0x2d0: {  	[tilespmem:$0x1FAF0] =	vst v44;
	vm9 =	vgt.s32 v27, v25;
	v54 =	vsel vm4, $0x1, v0;
	vm4 =	vgt.s32 v23, v12  }
0x2d1: {  	[tilespmem:$0x1FB20] =	vst v47;
	v57 =	vsel vm0, $0x1, v0;
	vm0 =	vgt.s32 v11, v27;
	v45 =	vsel vm13, $0x1, v0  }
0x2d2: {  	[tilespmem:$0x1FB40] =	vst v49;
	vm13 =	vgt.s32 v23, v24;
	v48 =	vsel vm11, $0x1, v0;
	vm11 =	vgt.s32 v24, v22  }
0x2d3: {  	[tilespmem:$0x1FB70] =	vst v52;
	v49 =	vsel vm10, $0x1, v0;
	vm10 =	vgt.s32 v24, v19;
	v52 =	vsel vm14, $0x1, v0  }
0x2d4: {  	[tilespmem:$0x1FBF0] =	vst v60;
	vm14 =	vgt.s32 v24, v16;
	v59 =	vsel vm4, $0x1, v0;
	vm4 =	vgt.s32 v11, v25  }
0x2d5: {  	[tilespmem:$0x1FC40] =	vst v39;
	v62 =	vsel vm0, $0x1, v0;
	vm0 =	vgt.s32 v27, v19;
	v51 =	vsel vm13, $0x1, v0  }
0x2d6: {  	[tilespmem:$0x1FB90] =	vst v54;
	vm13 =	vgt.s32 v24, v18;
	v54 =	vsel vm11, $0x1, v0;
	vm11 =	vgt.s32 v24, v28  }
0x2d7: {  	[tilespmem:$0x1FCE0] =	vst v49;
	v55 =	vsel vm10, $0x1, v0;
	vm10 =	vgt.s32 v24, v12;
	v58 =	vsel vm14, $0x1, v0  }
0x2d8: {  	[tilespmem:$0x1FD10] =	vst v52;
	vm14 =	vgt.s32 v24, v27;
	v49 =	vsel vm6, $0x1, v0;
	v52 =	vimm.s32 $0x0  }
0x2d9: {  	[tilespmem:$0x1FC70] =	vst v42;
	vm6 =	vgt.s32 v2, v18;
	v38 =	vsel vm4, $0x1, v0;
	vm4 =	vgt.s32 v27, v16  }
0x2da: {  	[tilespmem:$0x1FBC0] =	vst v57;
	v41 =	vsel vm0, $0x1, v0;
	vm0 =	vgt.s32 v27, v12;
	v57 =	vsel vm13, $0x1, v0  }
0x2db: {  	[tilespmem:$0x1FBE0] =	vst v59;
	vm13 =	vgt.s32 v24, v23;
	v59 =	vsel vm11, $0x1, v0;
	vm11 =	vgt.s32 v27, v26  }
0x2dc: {  	[tilespmem:$0x1FCA0] =	vst v45;
	v60 =	vsel vm10, $0x1, v0;
	vm10 =	vgt.s32 v25, v22;
	v39 =	vsel vm14, $0x1, v0  }
0x2dd: {  	[tilespmem:$0x1FD70] =	vst v58;
	vm14 =	vgt.s32 v25, v14;
	v58 =	vsel vm5, $0x1, v0;
	vm5 =	vge.s32 v21, v24  }
0x2de: {  	[tilespmem:$0x1FCD0] =	vst v48;
	v44 =	vsel vm4, $0x1, v0;
	vm4 =	vgt.s32 v23, v27;
	v47 =	vsel vm0, $0x1, v0  }
0x2df: {  	[tilespmem:$0x1FC30] =	vst v38;
	vm0 =	vgt.s32 v23, v26;
	v38 =	vsel vm13, $0x1, v0;
	vm13 =	vgt.s32 v25, v16  }
0x2e0: {  	[tilespmem:$0x1FC60] =	vst v41;
	v41 =	vsel vm9, $0x1, v0;
	vm9 =	vgt.s32 v25, v23;
	v42 =	vsel vm11, $0x1, v0  }
0x2e1: {  	[tilespmem:$0x1FC10] =	vst v62;
	vm11 =	vgt.s32 v25, v24;
	v43 =	vsel vm10, $0x1, v0;
	vm10 =	vgt.s32 v24, v25  }
0x2e2: {  	[tilespmem:$0x1FD60] =	vst v57;
	v57 =	vsel vm14, $0x1, v0;
	vm14 =	vge.s32 v21, v16;
	v50 =	vsel vm4, $0x1, v0  }
0x2e3: {  	[tilespmem:$0x1FC90] =	vst v44;
	vm4 =	vgt.s32 v24, v20;
	v53 =	vsel vm0, $0x1, v0;
	vm0 =	vgt.s32 v24, v15  }
0x2e4: {  	[tilespmem:$0x1FCC0] =	vst v47;
	v44 =	vsel vm8, $0x1, v0;
	vm8 =	vgt.s32 v24, v26;
	v47 =	vsel vm7, $0x1, v0  }
0x2e5: {  	[tilespmem:$0x1FDA0] =	vst v59;
	vm7 =	vge.s32 v21, v19;
	v48 =	vsel vm13, $0x1, v0;
	vm13 =	vge.s32 v21, v20  }
0x2e6: {  	v18 =	vld [tilespmem:$0x1F370];
	[tilespmem:$0x1FDC0] =	vst v60;
	v59 =	vsel vm9, $0x1, v0;
	v60 =	vsel vm11, $0x1, v0;
	vm9 =	vgt.s32 v2, v22  }
0x2e7: {  	[tilespmem:$0x1FD00] =	vst v51;
	v51 =	vld [tilespmem:$0x1F340];
	v56 =	vsel vm4, $0x1, v0;
	vm4 =	vgt.s32 v24, v11;
	v62 =	vsel vm0, $0x1, v0  }
0x2e8: {  	[tilespmem:$0x1FD30] =	vst v54;
	v22 =	vld [tilespmem:$0x1F3B0];
	vm0 =	vgt.s32 v27, v24;
	v61 =	vsel vm4, $0x1, v0;
	vm4 =	vgt.s32 v25, v20  }
0x2e9: {  	[tilespmem:$0x1FD20] =	vst v53;
	v53 =	vld [tilespmem:$0x1F350];
	v40 =	vsel vm0, $0x1, v0;
	vm0 =	vgt.s32 v25, v12;
	v45 =	vsel vm4, $0x1, v0  }
0x2ea: {  	[tilespmem:$0x1FCF0] =	vst v50;
	v50 =	vsel vm0, $0x1, v0;
	vm0 =	vge.s32 v21, v15;
	vm4 =	vge.s32 v21, v23;
	v21 =	vld [tilespmem:$0x1F3A0]  }
0x2eb: {  	[tilespmem:$0x1FE50] =	vst v44;
	v10 =	vsel vm9, $0xFFFFFFFF, v52;
	v52 =	vsel vm13, $0x1, v0;
	vm13 =	vgt.s32 v2, v23;
	v23 =	vld [tilespmem:$0x1F3C0]  }
0x2ec: {  	[tilespmem:$0x1FE10] =	vst v40;
	vm11 =	vnez.u8 v51;
	v51 =	vsel vm15, $0x1, v0;
	vm15 =	vgt.s32 v2, v24;
	v24 =	vld [tilespmem:$0x1F3D0]  }
0x2ed: {  	[tilespmem:$0x1FEA0] =	vst v50;
	v40 =	vsel vm11, $0x1, v0;
	vm11 =	vgt.s32 v2, v19;
	v50 =	vsel vm14, $0x1, v0;
	v19 =	vld [tilespmem:$0x1F380]  }
0x2ee: {  	[tilespmem:$0x1FE60] =	vst v45;
	v45 =	vsel vm0, $0x1, v0;
	v44 =	vsel vm4, $0x1, v0;
	vm14 =	vgt.s32 v2, v27;
	v27 =	vld [tilespmem:$0x1F3E0]  }
0x2ef: {  	[tilespmem:$0x1FD40] =	vst v55;
	vm4 =	vgt.s32 v25, v26;
	vm0 =	vgt.s32 v2, v25;
	v25 =	vadd.s32 v33, v34;
	v33 =	vld [tilespmem:$0x1F420]  }
0x2f0: {  	v54 =	vimm.s32 $0x0;
	[tilespmem:$0x1FE40] =	vst v43;
	v43 =	vsel vm1, $0x1, v0;
	vm1 =	vgt.s32 v2, v26;
	v34 =	vld [tilespmem:$0x1F430]  }
0x2f1: {  	v55 =	vsel vm8, $0x1, v0;
	vm8 =	vgt.s32 v2, v15;
	[tilespmem:$0x1FD50] =	vst v56;
	v26 =	vadd.s32 v36, v35;
	v35 =	vld [tilespmem:$0x1F440]  }
0x2f2: {  	vm9 =	vgt.s32 v2, v14;
	v56 =	vsel vm10, $0x1, v0;
	[tilespmem:$0x1FDE0] =	vst v61;
	v61 =	vimm.s32 $0x0;
	v36 =	vld [tilespmem:$0x1F450]  }
0x2f3: {  	[tilespmem:$0x1FD90] =	vst v10;
	v10 =	vsel vm11, $0xFFFFFFFF, v54;
	v54 =	vsel vm7, $0x1, v0;
	vm7 =	vgt.s32 v2, v16;
	v16 =	vld [tilespmem:$0x1F360]  }
0x2f4: {  	vm10 =	vnez.u8 v53;
	v53 =	vsel vm12, $0x1, v0;
	vm12 =	vgt.s32 v2, v20;
	v20 =	vld [tilespmem:$0x1F390]  }
0x2f5: {  	[tilespmem:$0x1FE80] =	vst v48;
	vm11 =	vgt.s32 v2, v12;
	v48 =	vsel vm10, $0x1, v0;
	vm10 =	vgt.s32 v2, v28;
	v28 =	vld [tilespmem:$0x1F3F0]  }
0x2f6: {  	[tilespmem:$0x1FDB0] =	vst v10;
	v10 =	vsel vm12, $0xFFFFFFFF, v61;
	vm12 =	vgt.s32 v2, v11;
	v2 =	vadd.s32 v31, v32;
	v31 =	vld [tilespmem:$0x1F400]  }
0x2f7: {  	v32 =	vld [tilespmem:$0x1F410]  }
0x2f8: {  	v61 =	vld [tilespmem:$0x1F470]  }
0x2f9: {  	[tilespmem:$0x1FDD0] =	vst v10;
	v10 =	vadd.s32 v19, v37;
	v37 =	vld [tilespmem:$0x1F460]  }
0x2fa: {  	v14 =	vadd.s32 v27, v24;
	v24 =	vld [tilespmem:$0x1F480]  }
0x2fb: {  	v27 =	vld [tilespmem:$0x1F490]  }
0x2fc: {  	[tilespmem:$0x1FE30] =	vst v42;
	v42 =	vsel vm5, $0x1, v0;
	vm5 =	vnez.u8 v18;
	v18 =	vadd.s32 v35, v34;
	v34 =	vld [tilespmem:$0x1F4E0]  }
0x2fd: {  	v12 =	vadd.s32 v23, v22;
	v35 =	vld [tilespmem:$0x1F4F0]  }
0x2fe: {  	v12 =	vadd.s32 v30, v12;
	v30 =	vld [tilespmem:$0x1F550]  }
0x2ff: {  	v15 =	vadd.s32 v31, v28;
	v28 =	vld [tilespmem:$0x1F4A0]  }
0x300: {  	v31 =	vld [tilespmem:$0x1F4B0]  }
0x301: {  	[tilespmem:$0x1FE90] =	vst v49;
	v49 =	vsel vm4, $0x1, v0;
	vm4 =	vnez.u8 v16;
	v16 =	vadd.s32 v33, v32;
	v32 =	vld [tilespmem:$0x1F4C0]  }
0x302: {  	v11 =	vadd.s32 v21, v20;
	v33 =	vld [tilespmem:$0x1F4D0]  }
0x303: {  	v11 =	vadd.s32 v29, v11;
	v29 =	vld [tilespmem:$0x1F540]  }
0x304: {  	v19 =	vadd.s32 v37, v36;
	v36 =	vld [tilespmem:$0x1F500]  }
0x305: {  	v37 =	vld [tilespmem:$0x1F510]  }
0x306: {  	v20 =	vadd.s32 v24, v61;
	v61 =	vld [tilespmem:$0x1F520]  }
0x307: {  	v2 =	vadd.s32 v35, v2;
	v35 =	vld [tilespmem:$0x1F5A0]  }
0x308: {  	v16 =	vadd.s32 v30, v16;
	v30 =	vld [tilespmem:$0x1F600]  }
0x309: {  	v21 =	vadd.s32 v28, v27;
	v28 =	vld [tilespmem:$0x1F530]  }
0x30a: {  	v22 =	vadd.s32 v32, v31;
	v31 =	vld [tilespmem:$0x1F560]  }
0x30b: {  	v32 =	vld [tilespmem:$0x1F570]  }
0x30c: {  	v23 =	vadd.s32 v34, v33;
	v33 =	vld [tilespmem:$0x1F580]  }
0x30d: {  	v34 =	vld [tilespmem:$0x1F590]  }
0x30e: {  	v15 =	vadd.s32 v29, v15;
	v29 =	vld [tilespmem:$0x1F5F0]  }
0x30f: {  	v25 =	vadd.s32 v36, v25;
	v36 =	vld [tilespmem:$0x1F5B0]  }
0x310: {  	v26 =	vadd.s32 v37, v26;
	v37 =	vld [tilespmem:$0x1F5C0]  }
0x311: {  	v10 =	vadd.s32 v61, v10;
	v61 =	vld [tilespmem:$0x1F5D0]  }
0x312: {  	v22 =	vadd.s32 v35, v22;
	v35 =	vld [tilespmem:$0x1F650]  }
0x313: {  	v11 =	vadd.s32 v30, v11;
	v30 =	vld [tilespmem:$0x1F6B0]  }
0x314: {  	v14 =	vadd.s32 v28, v14;
	v28 =	vld [tilespmem:$0x1F5E0]  }
0x315: {  	v18 =	vadd.s32 v31, v18;
	v31 =	vld [tilespmem:$0x1F610]  }
0x316: {  	v19 =	vadd.s32 v32, v19;
	v32 =	vld [tilespmem:$0x1F620]  }
0x317: {  	v20 =	vadd.s32 v33, v20;
	v33 =	vld [tilespmem:$0x1F630]  }
0x318: {  	v21 =	vadd.s32 v34, v21;
	v34 =	vld [tilespmem:$0x1F640]  }
0x319: {  	v10 =	vadd.s32 v29, v10;
	v29 =	vld [tilespmem:$0x1F6A0]  }
0x31a: {  	v23 =	vadd.s32 v36, v23;
	v36 =	vld [tilespmem:$0x1F660]  }
0x31b: {  	v2 =	vadd.s32 v37, v2;
	v37 =	vld [tilespmem:$0x1F670]  }
0x31c: {  	v25 =	vadd.s32 v61, v25;
	v61 =	vld [tilespmem:$0x1F680]  }
0x31d: {  	v18 =	vadd.s32 v35, v18;
	v35 =	vld [tilespmem:$0x1F700]  }
0x31e: {  	v2 =	vadd.s32 v30, v2;
	v30 =	vld [tilespmem:$0x1F760]  }
0x31f: {  	v26 =	vadd.s32 v28, v26;
	v28 =	vld [tilespmem:$0x1F690]  }
0x320: {  	v12 =	vadd.s32 v31, v12;
	v31 =	vld [tilespmem:$0x1F6C0]  }
0x321: {  	v14 =	vadd.s32 v32, v14;
	v32 =	vld [tilespmem:$0x1F6D0]  }
0x322: {  	v15 =	vadd.s32 v33, v15;
	v33 =	vld [tilespmem:$0x1F6E0]  }
0x323: {  	v16 =	vadd.s32 v34, v16;
	v34 =	vld [tilespmem:$0x1F6F0]  }
0x324: {  	v23 =	vadd.s32 v29, v23;
	v29 =	vld [tilespmem:$0x1F750]  }
0x325: {  	v19 =	vadd.s32 v36, v19;
	v36 =	vld [tilespmem:$0x1F710]  }
0x326: {  	v20 =	vadd.s32 v37, v20;
	v37 =	vld [tilespmem:$0x1F720]  }
0x327: {  	v21 =	vadd.s32 v61, v21;
	v61 =	vld [tilespmem:$0x1F730]  }
0x328: {  	v12 =	vadd.s32 v35, v12;
	v35 =	vld [tilespmem:$0x1F7B0]  }
0x329: {  	v20 =	vadd.s32 v30, v20;
	v30 =	vld [tilespmem:$0x1F810]  }
0x32a: {  	v22 =	vadd.s32 v28, v22;
	v28 =	vld [tilespmem:$0x1F740]  }
0x32b: {  	v25 =	vadd.s32 v31, v25;
	v31 =	vld [tilespmem:$0x1F770]  }
0x32c: {  	v26 =	vadd.s32 v32, v26;
	v32 =	vld [tilespmem:$0x1F780]  }
0x32d: {  	v10 =	vadd.s32 v33, v10;
	v33 =	vld [tilespmem:$0x1F790]  }
0x32e: {  	v11 =	vadd.s32 v34, v11;
	v34 =	vld [tilespmem:$0x1F7A0]  }
0x32f: {  	v19 =	vadd.s32 v29, v19;
	v29 =	vld [tilespmem:$0x1F800]  }
0x330: {  	v14 =	vadd.s32 v36, v14;
	v36 =	vld [tilespmem:$0x1F7C0]  }
0x331: {  	v15 =	vadd.s32 v37, v15;
	v37 =	vld [tilespmem:$0x1F7D0]  }
0x332: {  	v16 =	vadd.s32 v61, v16;
	v61 =	vld [tilespmem:$0x1F7E0]  }
0x333: {  	v25 =	vadd.s32 v35, v25;
	v35 =	vld [tilespmem:$0x1F860]  }
0x334: {  	v15 =	vadd.s32 v30, v15;
	v30 =	vld [tilespmem:$0x1F8C0]  }
0x335: {  	v18 =	vadd.s32 v28, v18;
	v28 =	vld [tilespmem:$0x1F7F0]  }
0x336: {  	v21 =	vadd.s32 v31, v21;
	v31 =	vld [tilespmem:$0x1F820]  }
0x337: {  	v22 =	vadd.s32 v32, v22;
	v32 =	vld [tilespmem:$0x1F830]  }
0x338: {  	v23 =	vadd.s32 v33, v23;
	v33 =	vld [tilespmem:$0x1F840]  }
0x339: {  	v2 =	vadd.s32 v34, v2;
	v34 =	vld [tilespmem:$0x1F850]  }
0x33a: {  	v14 =	vadd.s32 v29, v14;
	v29 =	vld [tilespmem:$0x1F8B0]  }
0x33b: {  	v26 =	vadd.s32 v36, v26;
	v36 =	vld [tilespmem:$0x1F870]  }
0x33c: {  	v10 =	vadd.s32 v37, v10;
	v37 =	vld [tilespmem:$0x1F880]  }
0x33d: {  	v11 =	vadd.s32 v61, v11;
	v61 =	vld [tilespmem:$0x1F890]  }
0x33e: {  	v21 =	vadd.s32 v35, v21;
	v35 =	vld [tilespmem:$0x1F910]  }
0x33f: {  	v10 =	vadd.s32 v30, v10;
	v30 =	vld [tilespmem:$0x1F970]  }
0x340: {  	v12 =	vadd.s32 v28, v12;
	v28 =	vld [tilespmem:$0x1F8A0]  }
0x341: {  	v16 =	vadd.s32 v31, v16;
	v31 =	vld [tilespmem:$0x1F8D0]  }
0x342: {  	v18 =	vadd.s32 v32, v18;
	v32 =	vld [tilespmem:$0x1F8E0]  }
0x343: {  	v19 =	vadd.s32 v33, v19;
	v33 =	vld [tilespmem:$0x1F8F0]  }
0x344: {  	v20 =	vadd.s32 v34, v20;
	v34 =	vld [tilespmem:$0x1F900]  }
0x345: {  	v26 =	vadd.s32 v29, v26;
	v29 =	vld [tilespmem:$0x1F960]  }
0x346: {  	v22 =	vadd.s32 v36, v22;
	v36 =	vld [tilespmem:$0x1F920]  }
0x347: {  	v23 =	vadd.s32 v37, v23;
	v37 =	vld [tilespmem:$0x1F930]  }
0x348: {  	v2 =	vadd.s32 v61, v2;
	v61 =	vld [tilespmem:$0x1F940]  }
0x349: {  	v16 =	vadd.s32 v35, v16;
	v35 =	vld [tilespmem:$0x1F9C0]  }
0x34a: {  	v23 =	vadd.s32 v30, v23;
	v30 =	vld [tilespmem:$0x1FA20]  }
0x34b: {  	v25 =	vadd.s32 v28, v25;
	v28 =	vld [tilespmem:$0x1F950]  }
0x34c: {  	v11 =	vadd.s32 v31, v11;
	v31 =	vld [tilespmem:$0x1F980]  }
0x34d: {  	v12 =	vadd.s32 v32, v12;
	v32 =	vld [tilespmem:$0x1F990]  }
0x34e: {  	v14 =	vadd.s32 v33, v14;
	v33 =	vld [tilespmem:$0x1F9A0]  }
0x34f: {  	v15 =	vadd.s32 v34, v15;
	v34 =	vld [tilespmem:$0x1F9B0]  }
0x350: {  	v22 =	vadd.s32 v29, v22;
	v29 =	vld [tilespmem:$0x1FA10]  }
0x351: {  	v18 =	vadd.s32 v36, v18;
	v36 =	vld [tilespmem:$0x1F9D0]  }
0x352: {  	v19 =	vadd.s32 v37, v19;
	v37 =	vld [tilespmem:$0x1F9E0]  }
0x353: {  	v20 =	vadd.s32 v61, v20;
	v61 =	vld [tilespmem:$0x1F9F0]  }
0x354: {  	v11 =	vadd.s32 v35, v11;
	v35 =	vld [tilespmem:$0x1FA70]  }
0x355: {  	v19 =	vadd.s32 v30, v19;
	v30 =	vld [tilespmem:$0x1FAD0]  }
0x356: {  	v21 =	vadd.s32 v28, v21;
	v28 =	vld [tilespmem:$0x1FA00]  }
0x357: {  	v2 =	vadd.s32 v31, v2;
	v31 =	vld [tilespmem:$0x1FA30]  }
0x358: {  	v25 =	vadd.s32 v32, v25;
	v32 =	vld [tilespmem:$0x1FA40]  }
0x359: {  	v26 =	vadd.s32 v33, v26;
	v33 =	vld [tilespmem:$0x1FA50]  }
0x35a: {  	v10 =	vadd.s32 v34, v10;
	v34 =	vld [tilespmem:$0x1FA60]  }
0x35b: {  	v18 =	vadd.s32 v29, v18;
	v29 =	vld [tilespmem:$0x1FAC0]  }
0x35c: {  	v12 =	vadd.s32 v36, v12;
	v36 =	vld [tilespmem:$0x1FA80]  }
0x35d: {  	v14 =	vadd.s32 v37, v14;
	v37 =	vld [tilespmem:$0x1FA90]  }
0x35e: {  	v15 =	vadd.s32 v61, v15;
	v61 =	vld [tilespmem:$0x1FAA0]  }
0x35f: {  	v2 =	vadd.s32 v35, v2;
	v35 =	vld [tilespmem:$0x1FB20]  }
0x360: {  	v14 =	vadd.s32 v30, v14;
	v30 =	vld [tilespmem:$0x1FB80]  }
0x361: {  	v16 =	vadd.s32 v28, v16;
	v28 =	vld [tilespmem:$0x1FAB0]  }
0x362: {  	v20 =	vadd.s32 v31, v20;
	v31 =	vld [tilespmem:$0x1FAE0]  }
0x363: {  	v21 =	vadd.s32 v32, v21;
	v32 =	vld [tilespmem:$0x1FAF0]  }
0x364: {  	v22 =	vadd.s32 v33, v22;
	v33 =	vld [tilespmem:$0x1FB00]  }
0x365: {  	v23 =	vadd.s32 v34, v23;
	v34 =	vld [tilespmem:$0x1FB10]  }
0x366: {  	v12 =	vadd.s32 v29, v12;
	v29 =	vld [tilespmem:$0x1FB70]  }
0x367: {  	v25 =	vadd.s32 v36, v25;
	v36 =	vld [tilespmem:$0x1FB30]  }
0x368: {  	v26 =	vadd.s32 v37, v26;
	v37 =	vld [tilespmem:$0x1FB40]  }
0x369: {  	v10 =	vadd.s32 v61, v10;
	v61 =	vld [tilespmem:$0x1FB50]  }
0x36a: {  	v20 =	vadd.s32 v35, v20;
	v35 =	vld [tilespmem:$0x1FBD0]  }
0x36b: {  	v26 =	vadd.s32 v30, v26;
	v30 =	vld [tilespmem:$0x1FC30]  }
0x36c: {  	v11 =	vadd.s32 v28, v11;
	v28 =	vld [tilespmem:$0x1FB60]  }
0x36d: {  	v15 =	vadd.s32 v31, v15;
	v31 =	vld [tilespmem:$0x1FB90]  }
0x36e: {  	v16 =	vadd.s32 v32, v16;
	v32 =	vld [tilespmem:$0x1FBA0]  }
0x36f: {  	v18 =	vadd.s32 v33, v18;
	v33 =	vld [tilespmem:$0x1FBB0]  }
0x370: {  	v19 =	vadd.s32 v34, v19;
	v34 =	vld [tilespmem:$0x1FBC0]  }
0x371: {  	v25 =	vadd.s32 v29, v25;
	v29 =	vld [tilespmem:$0x1FC20]  }
0x372: {  	v21 =	vadd.s32 v36, v21;
	v36 =	vld [tilespmem:$0x1FBE0]  }
0x373: {  	v22 =	vadd.s32 v37, v22;
	v37 =	vld [tilespmem:$0x1FBF0]  }
0x374: {  	v23 =	vadd.s32 v61, v23;
	v61 =	vld [tilespmem:$0x1FC00]  }
0x375: {  	v15 =	vadd.s32 v35, v15;
	v35 =	vld [tilespmem:$0x1FC80]  }
0x376: {  	v22 =	vadd.s32 v30, v22;
	v30 =	vld [tilespmem:$0x1FCE0]  }
0x377: {  	v15 =	vadd.s32 v46, v15;
	v46 =	vld [tilespmem:$0x1FD60]  }
0x378: {  	v2 =	vadd.s32 v28, v2;
	v28 =	vld [tilespmem:$0x1FC10]  }
0x379: {  	v10 =	vadd.s32 v31, v10;
	v31 =	vld [tilespmem:$0x1FC40]  }
0x37a: {  	v11 =	vadd.s32 v32, v11;
	v32 =	vld [tilespmem:$0x1FC50]  }
0x37b: {  	v12 =	vadd.s32 v33, v12;
	v33 =	vld [tilespmem:$0x1FC60]  }
0x37c: {  	v14 =	vadd.s32 v34, v14;
	v34 =	vld [tilespmem:$0x1FC70]  }
0x37d: {  	v21 =	vadd.s32 v29, v21;
	v29 =	vld [tilespmem:$0x1FCD0]  }
0x37e: {  	v16 =	vadd.s32 v36, v16;
	v36 =	vld [tilespmem:$0x1FC90]  }
0x37f: {  	v18 =	vadd.s32 v37, v18;
	v37 =	vld [tilespmem:$0x1FCA0]  }
0x380: {  	v19 =	vadd.s32 v61, v19;
	v61 =	vld [tilespmem:$0x1FCB0]  }
0x381: {  	v10 =	vadd.s32 v35, v10;
	v35 =	vld [tilespmem:$0x1FD30]  }
0x382: {  	v19 =	vadd.s32 v30, v19;
	v30 =	vld [tilespmem:$0x1FDC0]  }
0x383: {  	v20 =	vadd.s32 v28, v20;
	v28 =	vld [tilespmem:$0x1FCC0]  }
0x384: {  	v23 =	vadd.s32 v31, v23;
	v31 =	vld [tilespmem:$0x1FCF0]  }
0x385: {  	v2 =	vadd.s32 v32, v2;
	v32 =	vld [tilespmem:$0x1FD00]  }
0x386: {  	v25 =	vadd.s32 v33, v25;
	v33 =	vld [tilespmem:$0x1FD10]  }
0x387: {  	v26 =	vadd.s32 v34, v26;
	v34 =	vld [tilespmem:$0x1FD20]  }
0x388: {  	v18 =	vadd.s32 v29, v18;
	v29 =	vld [tilespmem:$0x1FDB0]  }
0x389: {  	v11 =	vadd.s32 v36, v11;
	v36 =	vld [tilespmem:$0x1FD40]  }
0x38a: {  	v12 =	vadd.s32 v37, v12;
	v37 =	vld [tilespmem:$0x1FD50]  }
0x38b: {  	v14 =	vadd.s32 v61, v14;
	v61 =	vld [tilespmem:$0x1FD70]  }
0x38c: {  	[tilespmem:$0x1FE00] =	vst v39;
	v2 =	vadd.s32 v35, v2;
	v35 =	vld [tilespmem:$0x1FE10]  }
0x38d: {  	[tilespmem:$0x1FE20] =	vst v41;
	v12 =	vadd.s32 v62, v12;
	v62 =	vld [tilespmem:$0x1FD80]  }
0x38e: {  	v41 =	vsel vm3, $0x1, v0;
	[tilespmem:$0x1FE70] =	vst v47;
	v47 =	vsel vm2, $0x1, v0;
	v14 =	vadd.s32 v63, v14;
	v63 =	vld [tilespmem:$0x1FD90]  }
0x38f: {  	[tilespmem:$0x1FDF0] =	vst v38;
	v39 =	vsel vm5, $0x1, v0;
	v38 =	vsel vm4, $0x1, v0;
	v16 =	vadd.s32 v28, v16;
	v28 =	vld [tilespmem:$0x1FDA0]  }
0x390: {  	v27 =	vsel vm6, $0x1, v0;
	v10 =	vadd.s32 v46, v10;
	v20 =	vadd.s32 v31, v20;
	v31 =	vld [tilespmem:$0x1FDD0]  }
0x391: {  	v14 =	vadd.s32 v57, v14;
	v21 =	vadd.s32 v32, v21;
	v22 =	vadd.s32 v33, v22;
	v32 =	vld [tilespmem:$0x1FDE0]  }
0x392: {  	v23 =	vadd.s32 v34, v23;
	v16 =	vadd.s32 v30, v16;
	v11 =	vadd.s32 v61, v11;
	v61 =	vld [tilespmem:$0x1FE40]  }
0x393: {  	v33 =	vld [tilespmem:$0x1FDF0];
	v30 =	vsel vm9, $0x1, v0;
	v25 =	vadd.s32 v36, v25;
	v26 =	vadd.s32 v37, v26  }
0x394: {  	v34 =	vld [tilespmem:$0x1FE00];
	v21 =	vadd.s32 v35, v21;
	vm4 =	vnez.u8 v62;
	vm5 =	vnez.u8 v63  }
0x395: {  	v36 =	vld [tilespmem:$0x1FE20];
	v35 =	vsel vm14, $0x1, v0;
	v46 =	vsel vm4, $0x1, v0;
	v62 =	vsel vm5, $0x1, v0  }
0x396: {  	v37 =	vld [tilespmem:$0x1FE30];
	vm4 =	vnez.u8 v29;
	v29 =	vsel vm8, $0x1, v0;
	v15 =	vadd.s32 v28, v15  }
0x397: {  	v63 =	vsel vm4, $0x1, v0;
	vm5 =	vnez.u8 v31;
	v2 =	vadd.s32 v61, v2;
	v61 =	vld [tilespmem:$0x1FE70]  }
0x398: {  	v18 =	vadd.s32 v32, v18;
	v19 =	vadd.s32 v33, v19;
	v28 =	vsel vm7, $0x1, v0  }
0x399: {  	[tilespmem:s11+$0x1700] =	vst v9;
	v20 =	vadd.s32 v34, v20;
	v31 =	vsel vm10, $0x1, v0;
	v9 =	vadd.s32 v40, v15;
	v40 =	vld [tilespmem:$0x1FEA0]  }
0x39a: {  	v32 =	vsel vm11, $0x1, v0;
	v33 =	vsel vm12, $0x1, v0;
	v22 =	vadd.s32 v36, v22;
	v36 =	vld [tilespmem:$0x1FE50]  }
0x39b: {  	v34 =	vsel vm13, $0x1, v0;
	v24 =	vsel vm5, $0x1, v0;
	v23 =	vadd.s32 v37, v23;
	v37 =	vld [tilespmem:$0x1FE60]  }
0x39c: {  	[tilespmem:s11+$0x1800] =	vst v7;
	v7 =	vadd.s32 v59, v19;
	v2 =	vadd.s32 v53, v2;
	v10 =	vadd.s32 v61, v10;
	v61 =	vld [tilespmem:$0x1FE80]  }
0x39d: {  	v57 =	vadd.s32 v48, v20;
	v59 =	vadd.s32 v56, v22;
	v2 =	vadd.s32 v62, v2  }
0x39e: {  	[tilespmem:s11+$0x1900] =	vst v4;
	v7 =	vadd.s32 v44, v7;
	v4 =	vadd.s32 v46, v59;
	vm13 =	vlt.u32 v2, $0x8  }
0x39f: {  	v15 =	vadd.s32 v40, v16;
	v16 =	vadd.s32 v58, v18;
	v58 =	vadd.s32 v60, v21  }
0x3a0: {  	v60 =	vadd.s32 v55, v23;
	v40 =	vadd.s32 v38, v9;
	v25 =	vadd.s32 v36, v25  }
0x3a1: {  	[tilespmem:s11+$0x1A00] =	vst v3;
	v26 =	vadd.s32 v37, v26;
	v3 =	vadd.s32 v54, v25;
	v11 =	vadd.s32 v61, v11;
	v61 =	vld [tilespmem:$0x1FE90]  }
0x3a2: {  	[tilespmem:s11+$0x1B00] =	vst v6;
	v36 =	vsel vm15, $0x1, v0;
	v10 =	vadd.s32 v51, v10;
	v3 =	vadd.s32 v63, v3  }
0x3a3: {  	[tilespmem:s11+$0x1C00] =	vst v5;
	v2 =	vld [tilespmem:$0x1FEB0];
	v37 =	vsel vm0, $0x1, v0;
	vm14 =	vlt.u32 v3, $0x8;
	v3 =	vadd.s32 v27, v10  }
0x3a4: {  	[tilespmem:s11+$0x1D00] =	vst v8;
	v48 =	vadd.s32 v42, v58;
	v49 =	vadd.s32 v49, v60;
	vm4 =	vlt.u32 v3, $0x8  }
0x3a5: {  	[tilespmem:s11+$0x1E00] =	vst v17;
	v51 =	vsel vm13, $0x0, v1;
	v54 =	vsel vm4, $0x0, v1;
	v23 =	vadd.s32 v50, v11  }
0x3a6: {  	[tilespmem:s11+$0x1F00] =	vst v13;
	v50 =	vsel vm1, $0x1, v0;
	v12 =	vadd.s32 v61, v12;
	v61 =	vadd.s32 v52, v26  }
0x3a7: {  	[tilespmem:s13+$0x1100] =	vst v51;
	v26 =	vadd.s32 v43, v14;
	v43 =	vadd.s32 v47, v15;
	v47 =	vadd.s32 v39, v57  }
0x3a8: {  	[tilespmem:s13+$0x2000] =	vst v2;
	v52 =	vsel vm14, $0x0, v1;
	v25 =	vadd.s32 v45, v12;
	v2 =	vadd.s32 v24, v61  }
0x3a9: {  	[tilespmem:s13+$0x1400] =	vst v54;
	v45 =	vadd.s32 v41, v16;
	vm15 =	vlt.u32 v2, $0x8;
	v2 =	vadd.s32 v28, v23  }
0x3aa: {  	[tilespmem:s13+$0x1200] =	vst v52;
	v3 =	vadd.s32 v29, v25;
	v53 =	vsel vm15, $0x0, v1;
	vm5 =	vlt.u32 v2, $0x8  }
0x3ab: {  	v2 =	vadd.s32 v30, v26;
	vm6 =	vlt.u32 v3, $0x8;
	[tilespmem:s13+$0x1300] =	vst v53;
	v55 =	vsel vm5, $0x0, v1  }
0x3ac: {  	v3 =	vadd.s32 v31, v40;
	v56 =	vsel vm6, $0x0, v1;
	vm7 =	vlt.u32 v2, $0x8;
	[tilespmem:s13+$0x1500] =	vst v55  }
0x3ad: {  	v2 =	vadd.s32 v32, v43;
	vm8 =	vlt.u32 v3, $0x8;
	v57 =	vsel vm7, $0x0, v1;
	[tilespmem:s13+$0x1600] =	vst v56  }
0x3ae: {  	v3 =	vadd.s32 v33, v45;
	v58 =	vsel vm8, $0x0, v1;
	vm9 =	vlt.u32 v2, $0x8;
	[tilespmem:s13+$0x1700] =	vst v57  }
0x3af: {  	v2 =	vadd.s32 v34, v7;
	vm10 =	vlt.u32 v3, $0x8;
	v59 =	vsel vm9, $0x0, v1;
	[tilespmem:s13+$0x1800] =	vst v58  }
0x3b0: {  	v3 =	vadd.s32 v35, v47;
	v60 =	vsel vm10, $0x0, v1;
	vm11 =	vlt.u32 v2, $0x8;
	[tilespmem:s13+$0x1900] =	vst v59  }
0x3b1: {  	v2 =	vadd.s32 v36, v48;
	vm12 =	vlt.u32 v3, $0x8;
	v61 =	vsel vm11, $0x0, v1;
	[tilespmem:s13+$0x1A00] =	vst v60  }
0x3b2: {  	v3 =	vadd.s32 v37, v4;
	v62 =	vsel vm12, $0x0, v1;
	vm13 =	vlt.u32 v2, $0x8;
	[tilespmem:s13+$0x1B00] =	vst v61  }
0x3b3: {  	v2 =	vadd.s32 v50, v49;
	vm14 =	vlt.u32 v3, $0x8;
	v63 =	vsel vm13, $0x0, v1;
	[tilespmem:s13+$0x1C00] =	vst v62  }
0x3b4: {  	s10 =	sadd.s32 $0x1, s10;
	v3 =	vsel vm14, $0x0, v1;
	vm15 =	vlt.u32 v2, $0x8;
	[tilespmem:s13+$0x1D00] =	vst v63  }
0x3b5: {  	p0 =	sne.s32 s10, s5;
	v2 =	vsel vm15, $0x0, v1;
	[tilespmem:s13+$0x1E00] =	vst v3  }
.Ltmp1:
0x3b6: {  	[tilespmem:s13+$0x1F00] =	vst v2;
	(pc) =	sbr.rel @p0 .LBB2_1-.Ltmp1, $4  }
0x3b7: {  	[hbm4b:s4+s6] =	stream.strided.scatter [tilespmem:s9], [sflag:$0x1], $0x1000, s7, s6, $0x38;
	[tilespmem:$0x2000] =	vst v63  }
0x3b8: {  	_ =	swait.ge [sflag:s8], $0x1000  }
0x3b9: {  	[sflag:s8] =	ssyncset.done $0x0  }
0x3ba: {  	[sflag:s8] =	ssyncadd.s32 $0xFFFFF000  }
0x3bb: {  	_ =	sfence.sel $0x180000  }
0x3bc: {  	[bflag:$0x0] =	sbarrier.arrive $0xFFFF  }
0x3bd: {  	p0 =	sne.s32 s1, $0x0;
	_ =	strace $0x90000047  }
0x3be: {  	s0 =	sadd.s32 @!p0 $0x100000, s0;
	[bflag:$0x2] =	sbarrier.arrive $0xFFFF  }
0x3bf: {  	[sflag:s0] =	ssyncadd.tile.s32 @!p0 $0x1;
	_ =	shalt  }
.Lfunc_end2:
_tile_overlayer_lowered:
.L_overlay_start_2:
0x3c0: {  	(tag) =	ssettag $0x2  }
0x3c1: {  	s0 =	rddreg [dreg:$0x0];
	s2 =	stileid.u32  }
0x3c2: {  	s1 =	rddreg [dreg:$0x1];
	p0 =	sne.s32 s2, $0x0  }
0x3c3: {  	s3 =	rddreg [dreg:$0x2];
	[bflag:$0x3] =	sbarrier.arrive $0xFFFF;
	s2 =	simm.s32 @!p0 $0x1C01  }
0x3c4: {  	[timem:s3], [sflag:s2] =	dma.local @!p0 [hbm:s0], s1  }
0x3c5: {  	s0 =	simm.s32 @!p0 $0x1  }
0x3c6: {  	_ =	swait.ge @!p0 [sflag:s0], s1  }
0x3c7: {  	s1 =	ssub.s32 @!p0 $0x0, s1;
	[sflag:s0] =	ssyncset.done @!p0 $0x0  }
0x3c8: {  	[sflag:s0] =	ssyncadd.s32 @!p0 s1  }
0x3c9: {  	[bflag:$0x3] =	sbarrier.arrive $0xFFFF  }
0x3ca: {  	_ =	shalt  }

</sc_bundles>
